<compile_context>
chip_gen: v7x
topology: tpu7x:2x2x1
jax: 0.10.2.dev20260603
libtpu: 0.0.44.dev20260713+nightly
codegen_flags: <defaults>
</compile_context>

<pallas_src>
import dataclasses
import functools

import jax
import jax.numpy as jnp
from jax import lax
from jax.experimental import pallas as pl
from jax.experimental.pallas import tpu as pltpu
from jax.experimental.pallas import tpu_sc as plsc

LANES = 16
NC, NS = 2, 16
CHUNK = 40
EUNROLL = 8


def _g_matmul(x, weight):
    n, d = x.shape
    k, _, o = weight.shape
    bn = 400

    def body(x_ref, w_ref, a_ref, d_ref):
        xb = x_ref[...]
        w0 = w_ref[0]
        wd = w_ref[1] - w_ref[0]
        a_ref[...] = jnp.dot(xb, w0, preferred_element_type=jnp.float32)
        d_ref[...] = jnp.dot(xb, wd, preferred_element_type=jnp.float32)

    return pl.pallas_call(
        body,
        grid=(n // bn,),
        in_specs=[pl.BlockSpec((bn, d), lambda i: (i, 0)),
                  pl.BlockSpec((k, d, o), lambda i: (0, 0, 0))],
        out_specs=[pl.BlockSpec((bn, o), lambda i: (i, 0)),
                   pl.BlockSpec((bn, o), lambda i: (i, 0))],
        out_shape=[jax.ShapeDtypeStruct((n, o), jnp.float32),
                   jax.ShapeDtypeStruct((n, o), jnp.float32)],
    )(x, weight)


def _sc_edge_aggregate(a, dm, src, dst, p, n_nodes):
    e = src.shape[0]
    per_w = e // (NC * NS)
    ch = per_w // CHUNK
    oh = a.shape[1]
    zrows = CHUNK
    n_pad = -(-n_nodes // (NS * zrows)) * (NS * zrows)
    rows_pt = n_pad // NS
    mesh = plsc.VectorSubcoreMesh(core_axis_name="c", subcore_axis_name="s",
                                  num_cores=NC)
    cp = pltpu.CompilerParams()
    if "needs_layout_passes" in pltpu.CompilerParams.__dataclass_fields__:
        cp = dataclasses.replace(cp, needs_layout_passes=False)

    @functools.partial(
        pl.kernel,
        out_type=(jax.ShapeDtypeStruct((NC, n_pad, oh), jnp.float32),
                  jax.ShapeDtypeStruct((NC, NS, n_pad), jnp.float32)),
        mesh=mesh,
        compiler_params=cp,
        scratch_types=[
            pltpu.VMEM((2, CHUNK), jnp.int32),
            pltpu.VMEM((2, CHUNK), jnp.int32),
            pltpu.VMEM((2, CHUNK), jnp.float32),
            pltpu.VMEM((2, CHUNK, oh), jnp.float32),
            pltpu.VMEM((2, CHUNK, oh), jnp.float32),
            pltpu.VMEM((n_pad,), jnp.float32),
            pltpu.VMEM_SHARED((n_pad, oh), jnp.float32),
            pltpu.SemaphoreType.DMA,
        ],
    )
    def k(a_hbm, d_hbm, src_hbm, dst_hbm, p_hbm, out_hbm, cnt_hbm,
          src_v, dst_v, p_v, arows, drows, hist, acc, sem):
        cid = lax.axis_index("c")
        sid = lax.axis_index("s")
        base = (cid * NS + sid) * per_w

        zero = jnp.zeros((LANES,), jnp.float32)
        ones = jnp.ones((LANES,), jnp.float32)
        lane0 = lax.iota(jnp.int32, LANES) == 0

        @pl.loop(0, CHUNK)
        def _(r):
            for j in range(oh // LANES):
                arows[0, r, pl.ds(j * LANES, LANES)] = zero

        @pl.loop(0, n_pad, step=LANES)
        def _(i):
            hist[pl.ds(i, LANES)] = zero

        @pl.loop(0, rows_pt // zrows)
        def _(t):
            pltpu.sync_copy(arows.at[0],
                            acc.at[pl.ds(sid * rows_pt + t * zrows, zrows)])
        plsc.subcore_barrier()

        @pl.loop(0, ch, step=2)
        def _(kk):
            eb = base + kk * CHUNK
            ics = []
            for b in range(2):
                ebb = eb + b * CHUNK
                ics.append(pltpu.async_copy(
                    src_hbm.at[pl.ds(ebb, CHUNK)], src_v.at[b], sem))
                ics.append(pltpu.async_copy(
                    dst_hbm.at[pl.ds(ebb, CHUNK)], dst_v.at[b], sem))
                ics.append(pltpu.async_copy(
                    p_hbm.at[pl.ds(ebb, CHUNK)], p_v.at[b], sem))
            for c in ics:
                c.wait()
            cps = []
            for b in range(2):
                cps.append(pltpu.async_copy(a_hbm.at[src_v.at[b]],
                                            arows.at[b], sem))
                cps.append(pltpu.async_copy(d_hbm.at[src_v.at[b]],
                                            drows.at[b], sem))
            for c in cps:
                c.wait()

            for b in range(2):
                pltpu.sync_copy(arows.at[b], acc.at[dst_v.at[b]], add=True)

                @pl.loop(0, CHUNK, step=EUNROLL)
                def _(e0):
                    for u in range(EUNROLL):
                        eiv = jnp.full((LANES,), e0 + u, jnp.int32)
                        pe = plsc.load_gather(p_v.at[b], [eiv])
                        pe = jnp.minimum(jnp.maximum(pe, 0.0), 1.0)
                        de = plsc.load_gather(dst_v.at[b], [eiv])
                        plsc.addupdate_scatter(hist, [de], ones, mask=lane0)
                        for j in range(oh // LANES):
                            sl = pl.ds(j * LANES, LANES)
                            drows[b, e0 + u, sl] = pe * drows[b, e0 + u, sl]

                pltpu.sync_copy(drows.at[b], acc.at[dst_v.at[b]], add=True)

        pltpu.sync_copy(hist, cnt_hbm.at[cid, sid])
        plsc.subcore_barrier()

        @pl.loop(0, rows_pt // zrows)
        def _(t):
            r0 = sid * rows_pt + t * zrows
            pltpu.sync_copy(acc.at[pl.ds(r0, zrows)],
                            out_hbm.at[cid, pl.ds(r0, zrows)])

    return k(a, dm, src, dst, p)


def _finish(p0, p1, counts, x, root, bias):
    n, d = x.shape
    o = root.shape[1]
    bn = 400

    ns = counts.shape[0]

    def body(p0_ref, p1_ref, c_ref, x_ref, r_ref, b_ref, o_ref):
        s = p0_ref[...] + p1_ref[...]
        cnt = jnp.sum(c_ref[...], axis=1, keepdims=True)
        inv = 1.0 / jnp.maximum(cnt, 1.0)
        xr = jnp.dot(x_ref[...], r_ref[...], preferred_element_type=jnp.float32)
        o_ref[...] = jnp.maximum(s * inv + xr + b_ref[...], 0.0)

    return pl.pallas_call(
        body,
        grid=(n // bn,),
        in_specs=[pl.BlockSpec((bn, o), lambda i: (i, 0)),
                  pl.BlockSpec((bn, o), lambda i: (i, 0)),
                  pl.BlockSpec((bn, ns), lambda i: (i, 0)),
                  pl.BlockSpec((bn, d), lambda i: (i, 0)),
                  pl.BlockSpec((d, o), lambda i: (0, 0)),
                  pl.BlockSpec((1, o), lambda i: (0, 0))],
        out_specs=pl.BlockSpec((bn, o), lambda i: (i, 0)),
        out_shape=jax.ShapeDtypeStruct((n, o), jnp.float32),
    )(p0, p1, counts.T, x, root, bias.reshape(1, o))


def kernel(x, edge_index, edge_attr, weight, root, bias):
    n, _ = x.shape
    src = edge_index[0]
    dst = edge_index[1]
    p = edge_attr[:, 0]
    a, dm = _g_matmul(x, weight)
    partials, counts = _sc_edge_aggregate(a, dm, src, dst, p, n)
    counts2 = counts.reshape(NC * NS, -1)
    return _finish(partials[0], partials[1], counts2, x, root, bias)

# --- scband reference (transcript-rebuilt; emitter-appended) ---
"""Pipeline reference for scband-splineconv-model-89361089560589 (READ-ONLY COPY).

The authoritative reference and input builder live on the scoring server;
editing this copy changes nothing except your own understanding.
"""

import jax, jax.numpy as jnp
import numpy as np

N = 10000
E = 320000
D = 128
O = 128
K = 2  # kernel_size, dim=1 -> K weight slices, degree=1 open B-spline


def setup_inputs(seed: int = 0) -> dict:
    key = jax.random.key(seed)
    ks = jax.random.split(key, 6)
    x = jax.random.normal(ks[0], (N, D), dtype=jnp.float32)
    edge_index = jax.random.randint(ks[1], (2, E), 0, N, dtype=jnp.int32)
    edge_attr = jax.random.uniform(ks[2], (E, 1), dtype=jnp.float32)
    # SplineConv parameters: weight [K, in, out], root [in, out], bias [out]
    weight = jax.random.normal(ks[3], (K, D, O), dtype=jnp.float32) * (1.0 / np.sqrt(D * K))
    root = jax.random.normal(ks[4], (D, O), dtype=jnp.float32) * (1.0 / np.sqrt(D))
    bias = jnp.zeros((O,), dtype=jnp.float32)
    return {"x": x, "edge_index": edge_index, "edge_attr": edge_attr,
            "weight": weight, "root": root, "bias": bias}


def reference(x, edge_index, edge_attr, weight, root, bias):
    # SplineConv(dim=1, kernel_size=2, degree=1, open spline, aggr='mean', root_weight=True)
    src = edge_index[0]
    dst = edge_index[1]
    # B-spline basis (degree 1, open): pseudo in [0,1]
    p = jnp.clip(edge_attr[:, 0], 0.0, 1.0)
    v = p * (K - 1)
    fl = jnp.floor(v)
    frac = v - fl
    i0 = jnp.clip(fl.astype(jnp.int32), 0, K - 1)
    i1 = jnp.clip(i0 + 1, 0, K - 1)
    # node-level weighting then edge gather (mathematically identical to per-edge x_j @ W)
    xW = jnp.einsum('nd,kdo->nko', x, weight)  # [N, K, O]
    g = jnp.take(xW, src, axis=0)              # [E, K, O] gather
    m0 = jnp.take_along_axis(g, i0[:, None, None], axis=1)[:, 0, :]
    m1 = jnp.take_along_axis(g, i1[:, None, None], axis=1)[:, 0, :]
    m = (1.0 - frac)[:, None] * m0 + frac[:, None] * m1  # [E, O]
    # mean aggregation at dst
    s = jax.ops.segment_sum(m, dst, num_segments=N)
    cnt = jax.ops.segment_sum(jnp.ones((E,), jnp.float32), dst, num_segments=N)
    agg = s / jnp.clip(cnt, 1.0)[:, None]
    out = agg + x @ root + bias[None, :]
    out = jax.nn.relu(out)
    # dropout p=0.5 is identity in eval mode
    return out

if __name__ == "__main__":
    import jax
    _d = setup_inputs()
    print(jax.jit(kernel)(*tuple(_d.values())))

</pallas_src>

<mosaic_0001>
#map = affine_map<(d0, d1) -> (0, 0)>
#map1 = affine_map<(d0, d1) -> (0)>
#map2 = affine_map<(d0, d1) -> (0, 0, 0)>
module attributes {stable_mosaic.version = 14 : i64} {
  func.func @k(%arg0: i32, %arg1: i32, %arg2: memref<10000x128xf32, #tpu.memory_space<hbm>>, %arg3: memref<10000x128xf32, #tpu.memory_space<hbm>>, %arg4: memref<320000xi32, #tpu.memory_space<hbm>>, %arg5: memref<320000xi32, #tpu.memory_space<hbm>>, %arg6: memref<320000xf32, #tpu.memory_space<hbm>>, %arg7: memref<2x10240x128xf32, #tpu.memory_space<hbm>>, %arg8: memref<2x16x10240xf32, #tpu.memory_space<hbm>>, %arg9: memref<2x40xi32, #tpu.memory_space<vmem>>, %arg10: memref<2x40xi32, #tpu.memory_space<vmem>>, %arg11: memref<2x40xf32, #tpu.memory_space<vmem>>, %arg12: memref<2x40x128xf32, #tpu.memory_space<vmem>>, %arg13: memref<2x40x128xf32, #tpu.memory_space<vmem>>, %arg14: memref<10240xf32, #tpu.memory_space<vmem>>, %arg15: memref<10240x128xf32, #tpu.memory_space<vmem_shared>>, %arg16: memref<!tpu.dma_semaphore, #tpu.memory_space<semaphore_mem>>) attributes {dimension_semantics = [#tpu.dimension_semantics<core_parallel>, #tpu.dimension_semantics<subcore_parallel>], iteration_bounds = array<i64: 2, 16>, scalar_prefetch = 0 : i64, scratch_operands = 8 : i64, tpu.core_type = #tpu.core_type<sc_vector_subcore>, window_params = [{transform_indices = #map}, {transform_indices = #map}, {transform_indices = #map1}, {transform_indices = #map1}, {transform_indices = #map1}, {transform_indices = #map2}, {transform_indices = #map2}]} {
    %mul3A = arith.constant 16 : i32
    %mul3A_0 = arith.muli %arg0, %mul3A : i32
    %add3A = arith.addi %mul3A_0, %arg1 : i32
    %mul3A_1 = arith.constant 10000 : i32
    %mul3A_2 = arith.muli %add3A, %mul3A_1 : i32
    %broadcast_in_dim3A = arith.constant 0.000000e+00 : f32
    %broadcast_in_dim3A_3 = vector.broadcast %broadcast_in_dim3A : f32 to vector<16xf32>
    %broadcast_in_dim3A_4 = arith.constant 1.000000e+00 : f32
    %broadcast_in_dim3A_5 = vector.broadcast %broadcast_in_dim3A_4 : f32 to vector<16xf32>
    %iota3A = tpu.iota {dimensions = array<i32: 0>} : vector<16xi32>
    %eq3A = arith.constant 0 : i32
    %eq3A_6 = vector.broadcast %eq3A : i32 to vector<16xi32>
    %eq3A_7 = arith.cmpi eq, %iota3A, %eq3A_6 : vector<16xi32>
    %scan3A = arith.constant 0 : i32
    %scan3A_8 = arith.constant 40 : i32
    %scan3A_9 = arith.addi %scan3A, %scan3A_8 : i32
    %scan3A_10 = arith.constant 1 : i32
    scf.for %scan3A_33 = %scan3A to %scan3A_9 step %scan3A_10  : i32 {
      %mul3A_34 = arith.constant 1 : i32
      %mul3A_35 = arith.muli %scan3A_33, %mul3A_34 : i32
      %add3A_36 = arith.constant 0 : i32
      %add3A_37 = arith.addi %add3A_36, %mul3A_35 : i32
      %swap3A = arith.constant 0 : i32
      %swap3A_38 = arith.index_cast %swap3A : i32 to index
      %swap3A_39 = arith.index_cast %add3A_37 : i32 to index
      %swap3A_40 = arith.constant 0 : index
      %swap3A_41 = tpu.vector_load %arg12[%swap3A_38, %swap3A_39, %swap3A_40] {strides = array<i32>} : memref<2x40x128xf32, #tpu.memory_space<vmem>>, vector<16xf32>,
      tpu.vector_store %arg12[%swap3A_38, %swap3A_39, %swap3A_40], %broadcast_in_dim3A_3 {strides = array<i32>} : memref<2x40x128xf32, #tpu.memory_space<vmem>>, vector<16xf32>,
      %swap3A_42 = arith.constant 0 : i32
      %swap3A_43 = arith.index_cast %swap3A_42 : i32 to index
      %swap3A_44 = arith.index_cast %add3A_37 : i32 to index
      %swap3A_45 = arith.constant 16 : index
      %swap3A_46 = tpu.vector_load %arg12[%swap3A_43, %swap3A_44, %swap3A_45] {strides = array<i32>} : memref<2x40x128xf32, #tpu.memory_space<vmem>>, vector<16xf32>,
      tpu.vector_store %arg12[%swap3A_43, %swap3A_44, %swap3A_45], %broadcast_in_dim3A_3 {strides = array<i32>} : memref<2x40x128xf32, #tpu.memory_space<vmem>>, vector<16xf32>,
      %swap3A_47 = arith.constant 0 : i32
      %swap3A_48 = arith.index_cast %swap3A_47 : i32 to index
      %swap3A_49 = arith.index_cast %add3A_37 : i32 to index
      %swap3A_50 = arith.constant 32 : index
      %swap3A_51 = tpu.vector_load %arg12[%swap3A_48, %swap3A_49, %swap3A_50] {strides = array<i32>} : memref<2x40x128xf32, #tpu.memory_space<vmem>>, vector<16xf32>,
      tpu.vector_store %arg12[%swap3A_48, %swap3A_49, %swap3A_50], %broadcast_in_dim3A_3 {strides = array<i32>} : memref<2x40x128xf32, #tpu.memory_space<vmem>>, vector<16xf32>,
      %swap3A_52 = arith.constant 0 : i32
      %swap3A_53 = arith.index_cast %swap3A_52 : i32 to index
      %swap3A_54 = arith.index_cast %add3A_37 : i32 to index
      %swap3A_55 = arith.constant 48 : index
      %swap3A_56 = tpu.vector_load %arg12[%swap3A_53, %swap3A_54, %swap3A_55] {strides = array<i32>} : memref<2x40x128xf32, #tpu.memory_space<vmem>>, vector<16xf32>,
      tpu.vector_store %arg12[%swap3A_53, %swap3A_54, %swap3A_55], %broadcast_in_dim3A_3 {strides = array<i32>} : memref<2x40x128xf32, #tpu.memory_space<vmem>>, vector<16xf32>,
      %swap3A_57 = arith.constant 0 : i32
      %swap3A_58 = arith.index_cast %swap3A_57 : i32 to index
      %swap3A_59 = arith.index_cast %add3A_37 : i32 to index
      %swap3A_60 = arith.constant 64 : index
      %swap3A_61 = tpu.vector_load %arg12[%swap3A_58, %swap3A_59, %swap3A_60] {strides = array<i32>} : memref<2x40x128xf32, #tpu.memory_space<vmem>>, vector<16xf32>,
      tpu.vector_store %arg12[%swap3A_58, %swap3A_59, %swap3A_60], %broadcast_in_dim3A_3 {strides = array<i32>} : memref<2x40x128xf32, #tpu.memory_space<vmem>>, vector<16xf32>,
      %swap3A_62 = arith.constant 0 : i32
      %swap3A_63 = arith.index_cast %swap3A_62 : i32 to index
      %swap3A_64 = arith.index_cast %add3A_37 : i32 to index
      %swap3A_65 = arith.constant 80 : index
      %swap3A_66 = tpu.vector_load %arg12[%swap3A_63, %swap3A_64, %swap3A_65] {strides = array<i32>} : memref<2x40x128xf32, #tpu.memory_space<vmem>>, vector<16xf32>,
      tpu.vector_store %arg12[%swap3A_63, %swap3A_64, %swap3A_65], %broadcast_in_dim3A_3 {strides = array<i32>} : memref<2x40x128xf32, #tpu.memory_space<vmem>>, vector<16xf32>,
      %swap3A_67 = arith.constant 0 : i32
      %swap3A_68 = arith.index_cast %swap3A_67 : i32 to index
      %swap3A_69 = arith.index_cast %add3A_37 : i32 to index
      %swap3A_70 = arith.constant 96 : index
      %swap3A_71 = tpu.vector_load %arg12[%swap3A_68, %swap3A_69, %swap3A_70] {strides = array<i32>} : memref<2x40x128xf32, #tpu.memory_space<vmem>>, vector<16xf32>,
      tpu.vector_store %arg12[%swap3A_68, %swap3A_69, %swap3A_70], %broadcast_in_dim3A_3 {strides = array<i32>} : memref<2x40x128xf32, #tpu.memory_space<vmem>>, vector<16xf32>,
      %swap3A_72 = arith.constant 0 : i32
      %swap3A_73 = arith.index_cast %swap3A_72 : i32 to index
      %swap3A_74 = arith.index_cast %add3A_37 : i32 to index
      %swap3A_75 = arith.constant 112 : index
      %swap3A_76 = tpu.vector_load %arg12[%swap3A_73, %swap3A_74, %swap3A_75] {strides = array<i32>} : memref<2x40x128xf32, #tpu.memory_space<vmem>>, vector<16xf32>,
      tpu.vector_store %arg12[%swap3A_73, %swap3A_74, %swap3A_75], %broadcast_in_dim3A_3 {strides = array<i32>} : memref<2x40x128xf32, #tpu.memory_space<vmem>>, vector<16xf32>,
    }
    %scan3A_11 = arith.constant 40 : i32
    %scan3A_12 = arith.constant 0 : i32
    %scan3A_13 = arith.constant 640 : i32
    %scan3A_14 = arith.addi %scan3A_12, %scan3A_13 : i32
    %scan3A_15 = arith.constant 1 : i32
    scf.for %scan3A_33 = %scan3A_12 to %scan3A_14 step %scan3A_15  : i32 {
      %mul3A_34 = arith.constant 16 : i32
      %mul3A_35 = arith.muli %scan3A_33, %mul3A_34 : i32
      %add3A_36 = arith.constant 0 : i32
      %add3A_37 = arith.addi %add3A_36, %mul3A_35 : i32
      %swap3A = arith.index_cast %add3A_37 : i32 to index
      %swap3A_38 = tpu.vector_load %arg14[%swap3A] {strides = array<i32>} : memref<10240xf32, #tpu.memory_space<vmem>>, vector<16xf32>,
      tpu.vector_store %arg14[%swap3A], %broadcast_in_dim3A_3 {strides = array<i32>} : memref<10240xf32, #tpu.memory_space<vmem>>, vector<16xf32>,
    }
    %scan3A_16 = arith.constant 640 : i32
    %scan3A_17 = arith.constant 0 : i32
    %scan3A_18 = arith.constant 16 : i32
    %scan3A_19 = arith.addi %scan3A_17, %scan3A_18 : i32
    %scan3A_20 = arith.constant 1 : i32
    scf.for %scan3A_33 = %scan3A_17 to %scan3A_19 step %scan3A_20  : i32 {
      %mul3A_34 = arith.constant 1 : i32
      %mul3A_35 = arith.muli %scan3A_33, %mul3A_34 : i32
      %add3A_36 = arith.constant 0 : i32
      %add3A_37 = arith.addi %add3A_36, %mul3A_35 : i32
      %mul3A_38 = arith.constant 640 : i32
      %mul3A_39 = arith.muli %arg1, %mul3A_38 : i32
      %mul3A_40 = arith.constant 40 : i32
      %mul3A_41 = arith.muli %add3A_37, %mul3A_40 : i32
      %add3A_42 = arith.addi %mul3A_39, %mul3A_41 : i32
      %run_scoped3A = arith.constant 0 : i32
      "tpu.region"() ({
        %run_scoped3A_43 = tpu.sem_alloc : memref<!tpu.dma_semaphore, #tpu.memory_space<semaphore_mem>>
        %dma_start3A = arith.constant 0 : i32
        %dma_start3A_44 = arith.constant 0 : i32
        %dma_start3A_45 = tpu.memref_slice %arg12[%run_scoped3A, %dma_start3A, %dma_start3A_44] : memref<2x40x128xf32, #tpu.memory_space<vmem>> -> memref<1x40x128xf32, #tpu.memory_space<vmem>>
        %dma_start3A_46 = tpu.memref_squeeze %dma_start3A_45 : memref<1x40x128xf32, #tpu.memory_space<vmem>> -> memref<40x128xf32, #tpu.memory_space<vmem>>
        %dma_start3A_47 = arith.constant 0 : i32
        %dma_start3A_48 = tpu.memref_slice %arg15[%add3A_42, %dma_start3A_47] : memref<10240x128xf32, #tpu.memory_space<vmem_shared>> -> memref<40x128xf32, #tpu.memory_space<vmem_shared>>
        %dma_start3A_49 = arith.constant 0 : i32
        %dma_start3A_50 = tpu.memref_slice %arg15[%add3A_42, %dma_start3A_49] : memref<10240x128xf32, #tpu.memory_space<vmem_shared>> -> memref<40x128xf32, #tpu.memory_space<vmem_shared>>
        %dma_start3A_51 = arith.constant 0 : i32
        %dma_start3A_52 = arith.constant 0 : i32
        %dma_start3A_53 = tpu.memref_slice %arg12[%run_scoped3A, %dma_start3A_51, %dma_start3A_52] : memref<2x40x128xf32, #tpu.memory_space<vmem>> -> memref<1x40x128xf32, #tpu.memory_space<vmem>>
        %dma_start3A_54 = tpu.memref_squeeze %dma_start3A_53 : memref<1x40x128xf32, #tpu.memory_space<vmem>> -> memref<40x128xf32, #tpu.memory_space<vmem>>
        tpu.enqueue_dma source(%dma_start3A_54 : memref<40x128xf32, #tpu.memory_space<vmem>>) target(%dma_start3A_50 : memref<40x128xf32, #tpu.memory_space<vmem_shared>>) target_semaphore(%run_scoped3A_43 : memref<!tpu.dma_semaphore, #tpu.memory_space<semaphore_mem>>)
        %dma_wait3A = arith.constant 0 : i32
        %dma_wait3A_55 = arith.constant 0 : i32
        %dma_wait3A_56 = tpu.memref_slice %arg12[%run_scoped3A, %dma_wait3A, %dma_wait3A_55] : memref<2x40x128xf32, #tpu.memory_space<vmem>> -> memref<1x40x128xf32, #tpu.memory_space<vmem>>
        %dma_wait3A_57 = tpu.memref_squeeze %dma_wait3A_56 : memref<1x40x128xf32, #tpu.memory_space<vmem>> -> memref<40x128xf32, #tpu.memory_space<vmem>>
        %dma_wait3A_58 = arith.constant 0 : i32
        %dma_wait3A_59 = tpu.memref_slice %arg15[%add3A_42, %dma_wait3A_58] : memref<10240x128xf32, #tpu.memory_space<vmem_shared>> -> memref<40x128xf32, #tpu.memory_space<vmem_shared>>
        %dma_wait3A_60 = arith.constant 0 : i32
        %dma_wait3A_61 = tpu.memref_slice %arg15[%add3A_42, %dma_wait3A_60] : memref<10240x128xf32, #tpu.memory_space<vmem_shared>> -> memref<40x128xf32, #tpu.memory_space<vmem_shared>>
        %dma_wait3A_62 = arith.constant 0 : i32
        %dma_wait3A_63 = arith.constant 0 : i32
        %dma_wait3A_64 = tpu.memref_slice %arg12[%run_scoped3A, %dma_wait3A_62, %dma_wait3A_63] : memref<2x40x128xf32, #tpu.memory_space<vmem>> -> memref<1x40x128xf32, #tpu.memory_space<vmem>>
        %dma_wait3A_65 = tpu.memref_squeeze %dma_wait3A_64 : memref<1x40x128xf32, #tpu.memory_space<vmem>> -> memref<40x128xf32, #tpu.memory_space<vmem>>
        tpu.wait_dma2 semaphore(%run_scoped3A_43 : memref<!tpu.dma_semaphore, #tpu.memory_space<semaphore_mem>>) src(%dma_wait3A_65 : memref<40x128xf32, #tpu.memory_space<vmem>>) dst(%dma_wait3A_61 : memref<40x128xf32, #tpu.memory_space<vmem_shared>>)
        tpu.yield
      }) : () -> ()
    }
    %scan3A_21 = arith.constant 16 : i32
    %barrier3A = arith.constant 0 : index
    tpu.barrier barrier_id(%barrier3A)
    %scan3A_22 = arith.constant 0 : i32
    %scan3A_23 = arith.constant 125 : i32
    %scan3A_24 = arith.addi %scan3A_22, %scan3A_23 : i32
    %scan3A_25 = arith.constant 1 : i32
    scf.for %scan3A_33 = %scan3A_22 to %scan3A_24 step %scan3A_25  : i32 {
      %mul3A_34 = arith.constant 2 : i32
      %mul3A_35 = arith.muli %scan3A_33, %mul3A_34 : i32
      %add3A_36 = arith.constant 0 : i32
      %add3A_37 = arith.addi %add3A_36, %mul3A_35 : i32
      %mul3A_38 = arith.constant 40 : i32
      %mul3A_39 = arith.muli %add3A_37, %mul3A_38 : i32
      %add3A_40 = arith.addi %mul3A_2, %mul3A_39 : i32
      %add3A_41 = arith.constant 0 : i32
      %add3A_42 = arith.addi %add3A_40, %add3A_41 : i32
      %dma_start3A = arith.constant 0 : i32
      %dma_start3A_43 = arith.constant 0 : i32
      %dma_start3A_44 = tpu.memref_slice %arg9[%dma_start3A, %dma_start3A_43] : memref<2x40xi32, #tpu.memory_space<vmem>> -> memref<1x40xi32, #tpu.memory_space<vmem>>
      %dma_start3A_45 = tpu.memref_squeeze %dma_start3A_44 : memref<1x40xi32, #tpu.memory_space<vmem>> -> memref<40xi32, #tpu.memory_space<vmem>>
      %dma_start3A_46 = tpu.memref_slice %arg4[%add3A_42] : memref<320000xi32, #tpu.memory_space<hbm>> -> memref<40xi32, #tpu.memory_space<hbm>>
      %dma_start3A_47 = arith.constant 0 : i32
      %dma_start3A_48 = tpu.memref_slice %arg9[%dma_start3A, %dma_start3A_47] : memref<2x40xi32, #tpu.memory_space<vmem>> -> memref<1x40xi32, #tpu.memory_space<vmem>>
      %dma_start3A_49 = tpu.memref_squeeze %dma_start3A_48 : memref<1x40xi32, #tpu.memory_space<vmem>> -> memref<40xi32, #tpu.memory_space<vmem>>
      %dma_start3A_50 = tpu.memref_slice %arg4[%add3A_42] : memref<320000xi32, #tpu.memory_space<hbm>> -> memref<40xi32, #tpu.memory_space<hbm>>
      tpu.enqueue_dma source(%dma_start3A_50 : memref<40xi32, #tpu.memory_space<hbm>>) target(%dma_start3A_49 : memref<40xi32, #tpu.memory_space<vmem>>) target_semaphore(%arg16 : memref<!tpu.dma_semaphore, #tpu.memory_space<semaphore_mem>>)
      %dma_start3A_51 = arith.constant 0 : i32
      %dma_start3A_52 = arith.constant 0 : i32
      %dma_start3A_53 = tpu.memref_slice %arg10[%dma_start3A_51, %dma_start3A_52] : memref<2x40xi32, #tpu.memory_space<vmem>> -> memref<1x40xi32, #tpu.memory_space<vmem>>
      %dma_start3A_54 = tpu.memref_squeeze %dma_start3A_53 : memref<1x40xi32, #tpu.memory_space<vmem>> -> memref<40xi32, #tpu.memory_space<vmem>>
      %dma_start3A_55 = tpu.memref_slice %arg5[%add3A_42] : memref<320000xi32, #tpu.memory_space<hbm>> -> memref<40xi32, #tpu.memory_space<hbm>>
      %dma_start3A_56 = arith.constant 0 : i32
      %dma_start3A_57 = tpu.memref_slice %arg10[%dma_start3A_51, %dma_start3A_56] : memref<2x40xi32, #tpu.memory_space<vmem>> -> memref<1x40xi32, #tpu.memory_space<vmem>>
      %dma_start3A_58 = tpu.memref_squeeze %dma_start3A_57 : memref<1x40xi32, #tpu.memory_space<vmem>> -> memref<40xi32, #tpu.memory_space<vmem>>
      %dma_start3A_59 = tpu.memref_slice %arg5[%add3A_42] : memref<320000xi32, #tpu.memory_space<hbm>> -> memref<40xi32, #tpu.memory_space<hbm>>
      tpu.enqueue_dma source(%dma_start3A_59 : memref<40xi32, #tpu.memory_space<hbm>>) target(%dma_start3A_58 : memref<40xi32, #tpu.memory_space<vmem>>) target_semaphore(%arg16 : memref<!tpu.dma_semaphore, #tpu.memory_space<semaphore_mem>>)
      %dma_start3A_60 = arith.constant 0 : i32
      %dma_start3A_61 = arith.constant 0 : i32
      %dma_start3A_62 = tpu.memref_slice %arg11[%dma_start3A_60, %dma_start3A_61] : memref<2x40xf32, #tpu.memory_space<vmem>> -> memref<1x40xf32, #tpu.memory_space<vmem>>
      %dma_start3A_63 = tpu.memref_squeeze %dma_start3A_62 : memref<1x40xf32, #tpu.memory_space<vmem>> -> memref<40xf32, #tpu.memory_space<vmem>>
      %dma_start3A_64 = tpu.memref_slice %arg6[%add3A_42] : memref<320000xf32, #tpu.memory_space<hbm>> -> memref<40xf32, #tpu.memory_space<hbm>>
      %dma_start3A_65 = arith.constant 0 : i32
      %dma_start3A_66 = tpu.memref_slice %arg11[%dma_start3A_60, %dma_start3A_65] : memref<2x40xf32, #tpu.memory_space<vmem>> -> memref<1x40xf32, #tpu.memory_space<vmem>>
      %dma_start3A_67 = tpu.memref_squeeze %dma_start3A_66 : memref<1x40xf32, #tpu.memory_space<vmem>> -> memref<40xf32, #tpu.memory_space<vmem>>
      %dma_start3A_68 = tpu.memref_slice %arg6[%add3A_42] : memref<320000xf32, #tpu.memory_space<hbm>> -> memref<40xf32, #tpu.memory_space<hbm>>
      tpu.enqueue_dma source(%dma_start3A_68 : memref<40xf32, #tpu.memory_space<hbm>>) target(%dma_start3A_67 : memref<40xf32, #tpu.memory_space<vmem>>) target_semaphore(%arg16 : memref<!tpu.dma_semaphore, #tpu.memory_space<semaphore_mem>>)
      %add3A_69 = arith.constant 40 : i32
      %add3A_70 = arith.addi %add3A_40, %add3A_69 : i32
      %dma_start3A_71 = arith.constant 1 : i32
      %dma_start3A_72 = arith.constant 0 : i32
      %dma_start3A_73 = tpu.memref_slice %arg9[%dma_start3A_71, %dma_start3A_72] : memref<2x40xi32, #tpu.memory_space<vmem>> -> memref<1x40xi32, #tpu.memory_space<vmem>>
      %dma_start3A_74 = tpu.memref_squeeze %dma_start3A_73 : memref<1x40xi32, #tpu.memory_space<vmem>> -> memref<40xi32, #tpu.memory_space<vmem>>
      %dma_start3A_75 = tpu.memref_slice %arg4[%add3A_70] : memref<320000xi32, #tpu.memory_space<hbm>> -> memref<40xi32, #tpu.memory_space<hbm>>
      %dma_start3A_76 = arith.constant 0 : i32
      %dma_start3A_77 = tpu.memref_slice %arg9[%dma_start3A_71, %dma_start3A_76] : memref<2x40xi32, #tpu.memory_space<vmem>> -> memref<1x40xi32, #tpu.memory_space<vmem>>
      %dma_start3A_78 = tpu.memref_squeeze %dma_start3A_77 : memref<1x40xi32, #tpu.memory_space<vmem>> -> memref<40xi32, #tpu.memory_space<vmem>>
      %dma_start3A_79 = tpu.memref_slice %arg4[%add3A_70] : memref<320000xi32, #tpu.memory_space<hbm>> -> memref<40xi32, #tpu.memory_space<hbm>>
      tpu.enqueue_dma source(%dma_start3A_79 : memref<40xi32, #tpu.memory_space<hbm>>) target(%dma_start3A_78 : memref<40xi32, #tpu.memory_space<vmem>>) target_semaphore(%arg16 : memref<!tpu.dma_semaphore, #tpu.memory_space<semaphore_mem>>)
      %dma_start3A_80 = arith.constant 1 : i32
      %dma_start3A_81 = arith.constant 0 : i32
      %dma_start3A_82 = tpu.memref_slice %arg10[%dma_start3A_80, %dma_start3A_81] : memref<2x40xi32, #tpu.memory_space<vmem>> -> memref<1x40xi32, #tpu.memory_space<vmem>>
      %dma_start3A_83 = tpu.memref_squeeze %dma_start3A_82 : memref<1x40xi32, #tpu.memory_space<vmem>> -> memref<40xi32, #tpu.memory_space<vmem>>
      %dma_start3A_84 = tpu.memref_slice %arg5[%add3A_70] : memref<320000xi32, #tpu.memory_space<hbm>> -> memref<40xi32, #tpu.memory_space<hbm>>
      %dma_start3A_85 = arith.constant 0 : i32
      %dma_start3A_86 = tpu.memref_slice %arg10[%dma_start3A_80, %dma_start3A_85] : memref<2x40xi32, #tpu.memory_space<vmem>> -> memref<1x40xi32, #tpu.memory_space<vmem>>
      %dma_start3A_87 = tpu.memref_squeeze %dma_start3A_86 : memref<1x40xi32, #tpu.memory_space<vmem>> -> memref<40xi32, #tpu.memory_space<vmem>>
      %dma_start3A_88 = tpu.memref_slice %arg5[%add3A_70] : memref<320000xi32, #tpu.memory_space<hbm>> -> memref<40xi32, #tpu.memory_space<hbm>>
      tpu.enqueue_dma source(%dma_start3A_88 : memref<40xi32, #tpu.memory_space<hbm>>) target(%dma_start3A_87 : memref<40xi32, #tpu.memory_space<vmem>>) target_semaphore(%arg16 : memref<!tpu.dma_semaphore, #tpu.memory_space<semaphore_mem>>)
      %dma_start3A_89 = arith.constant 1 : i32
      %dma_start3A_90 = arith.constant 0 : i32
      %dma_start3A_91 = tpu.memref_slice %arg11[%dma_start3A_89, %dma_start3A_90] : memref<2x40xf32, #tpu.memory_space<vmem>> -> memref<1x40xf32, #tpu.memory_space<vmem>>
      %dma_start3A_92 = tpu.memref_squeeze %dma_start3A_91 : memref<1x40xf32, #tpu.memory_space<vmem>> -> memref<40xf32, #tpu.memory_space<vmem>>
      %dma_start3A_93 = tpu.memref_slice %arg6[%add3A_70] : memref<320000xf32, #tpu.memory_space<hbm>> -> memref<40xf32, #tpu.memory_space<hbm>>
      %dma_start3A_94 = arith.constant 0 : i32
      %dma_start3A_95 = tpu.memref_slice %arg11[%dma_start3A_89, %dma_start3A_94] : memref<2x40xf32, #tpu.memory_space<vmem>> -> memref<1x40xf32, #tpu.memory_space<vmem>>
      %dma_start3A_96 = tpu.memref_squeeze %dma_start3A_95 : memref<1x40xf32, #tpu.memory_space<vmem>> -> memref<40xf32, #tpu.memory_space<vmem>>
      %dma_start3A_97 = tpu.memref_slice %arg6[%add3A_70] : memref<320000xf32, #tpu.memory_space<hbm>> -> memref<40xf32, #tpu.memory_space<hbm>>
      tpu.enqueue_dma source(%dma_start3A_97 : memref<40xf32, #tpu.memory_space<hbm>>) target(%dma_start3A_96 : memref<40xf32, #tpu.memory_space<vmem>>) target_semaphore(%arg16 : memref<!tpu.dma_semaphore, #tpu.memory_space<semaphore_mem>>)
      %dma_wait3A = arith.constant 0 : i32
      %dma_wait3A_98 = arith.constant 0 : i32
      %dma_wait3A_99 = tpu.memref_slice %arg9[%dma_wait3A, %dma_wait3A_98] : memref<2x40xi32, #tpu.memory_space<vmem>> -> memref<1x40xi32, #tpu.memory_space<vmem>>
      %dma_wait3A_100 = tpu.memref_squeeze %dma_wait3A_99 : memref<1x40xi32, #tpu.memory_space<vmem>> -> memref<40xi32, #tpu.memory_space<vmem>>
      %dma_wait3A_101 = tpu.memref_slice %arg4[%add3A_42] : memref<320000xi32, #tpu.memory_space<hbm>> -> memref<40xi32, #tpu.memory_space<hbm>>
      %dma_wait3A_102 = arith.constant 0 : i32
      %dma_wait3A_103 = tpu.memref_slice %arg9[%dma_wait3A, %dma_wait3A_102] : memref<2x40xi32, #tpu.memory_space<vmem>> -> memref<1x40xi32, #tpu.memory_space<vmem>>
      %dma_wait3A_104 = tpu.memref_squeeze %dma_wait3A_103 : memref<1x40xi32, #tpu.memory_space<vmem>> -> memref<40xi32, #tpu.memory_space<vmem>>
      %dma_wait3A_105 = tpu.memref_slice %arg4[%add3A_42] : memref<320000xi32, #tpu.memory_space<hbm>> -> memref<40xi32, #tpu.memory_space<hbm>>
      tpu.wait_dma2 semaphore(%arg16 : memref<!tpu.dma_semaphore, #tpu.memory_space<semaphore_mem>>) src(%dma_wait3A_105 : memref<40xi32, #tpu.memory_space<hbm>>) dst(%dma_wait3A_104 : memref<40xi32, #tpu.memory_space<vmem>>)
      %dma_wait3A_106 = arith.constant 0 : i32
      %dma_wait3A_107 = arith.constant 0 : i32
      %dma_wait3A_108 = tpu.memref_slice %arg10[%dma_wait3A_106, %dma_wait3A_107] : memref<2x40xi32, #tpu.memory_space<vmem>> -> memref<1x40xi32, #tpu.memory_space<vmem>>
      %dma_wait3A_109 = tpu.memref_squeeze %dma_wait3A_108 : memref<1x40xi32, #tpu.memory_space<vmem>> -> memref<40xi32, #tpu.memory_space<vmem>>
      %dma_wait3A_110 = tpu.memref_slice %arg5[%add3A_42] : memref<320000xi32, #tpu.memory_space<hbm>> -> memref<40xi32, #tpu.memory_space<hbm>>
      %dma_wait3A_111 = arith.constant 0 : i32
      %dma_wait3A_112 = tpu.memref_slice %arg10[%dma_wait3A_106, %dma_wait3A_111] : memref<2x40xi32, #tpu.memory_space<vmem>> -> memref<1x40xi32, #tpu.memory_space<vmem>>
      %dma_wait3A_113 = tpu.memref_squeeze %dma_wait3A_112 : memref<1x40xi32, #tpu.memory_space<vmem>> -> memref<40xi32, #tpu.memory_space<vmem>>
      %dma_wait3A_114 = tpu.memref_slice %arg5[%add3A_42] : memref<320000xi32, #tpu.memory_space<hbm>> -> memref<40xi32, #tpu.memory_space<hbm>>
      tpu.wait_dma2 semaphore(%arg16 : memref<!tpu.dma_semaphore, #tpu.memory_space<semaphore_mem>>) src(%dma_wait3A_114 : memref<40xi32, #tpu.memory_space<hbm>>) dst(%dma_wait3A_113 : memref<40xi32, #tpu.memory_space<vmem>>)
      %dma_wait3A_115 = arith.constant 0 : i32
      %dma_wait3A_116 = arith.constant 0 : i32
      %dma_wait3A_117 = tpu.memref_slice %arg11[%dma_wait3A_115, %dma_wait3A_116] : memref<2x40xf32, #tpu.memory_space<vmem>> -> memref<1x40xf32, #tpu.memory_space<vmem>>
      %dma_wait3A_118 = tpu.memref_squeeze %dma_wait3A_117 : memref<1x40xf32, #tpu.memory_space<vmem>> -> memref<40xf32, #tpu.memory_space<vmem>>
      %dma_wait3A_119 = tpu.memref_slice %arg6[%add3A_42] : memref<320000xf32, #tpu.memory_space<hbm>> -> memref<40xf32, #tpu.memory_space<hbm>>
      %dma_wait3A_120 = arith.constant 0 : i32
      %dma_wait3A_121 = tpu.memref_slice %arg11[%dma_wait3A_115, %dma_wait3A_120] : memref<2x40xf32, #tpu.memory_space<vmem>> -> memref<1x40xf32, #tpu.memory_space<vmem>>
      %dma_wait3A_122 = tpu.memref_squeeze %dma_wait3A_121 : memref<1x40xf32, #tpu.memory_space<vmem>> -> memref<40xf32, #tpu.memory_space<vmem>>
      %dma_wait3A_123 = tpu.memref_slice %arg6[%add3A_42] : memref<320000xf32, #tpu.memory_space<hbm>> -> memref<40xf32, #tpu.memory_space<hbm>>
      tpu.wait_dma2 semaphore(%arg16 : memref<!tpu.dma_semaphore, #tpu.memory_space<semaphore_mem>>) src(%dma_wait3A_123 : memref<40xf32, #tpu.memory_space<hbm>>) dst(%dma_wait3A_122 : memref<40xf32, #tpu.memory_space<vmem>>)
      %dma_wait3A_124 = arith.constant 1 : i32
      %dma_wait3A_125 = arith.constant 0 : i32
      %dma_wait3A_126 = tpu.memref_slice %arg9[%dma_wait3A_124, %dma_wait3A_125] : memref<2x40xi32, #tpu.memory_space<vmem>> -> memref<1x40xi32, #tpu.memory_space<vmem>>
      %dma_wait3A_127 = tpu.memref_squeeze %dma_wait3A_126 : memref<1x40xi32, #tpu.memory_space<vmem>> -> memref<40xi32, #tpu.memory_space<vmem>>
      %dma_wait3A_128 = tpu.memref_slice %arg4[%add3A_70] : memref<320000xi32, #tpu.memory_space<hbm>> -> memref<40xi32, #tpu.memory_space<hbm>>
      %dma_wait3A_129 = arith.constant 0 : i32
      %dma_wait3A_130 = tpu.memref_slice %arg9[%dma_wait3A_124, %dma_wait3A_129] : memref<2x40xi32, #tpu.memory_space<vmem>> -> memref<1x40xi32, #tpu.memory_space<vmem>>
      %dma_wait3A_131 = tpu.memref_squeeze %dma_wait3A_130 : memref<1x40xi32, #tpu.memory_space<vmem>> -> memref<40xi32, #tpu.memory_space<vmem>>
      %dma_wait3A_132 = tpu.memref_slice %arg4[%add3A_70] : memref<320000xi32, #tpu.memory_space<hbm>> -> memref<40xi32, #tpu.memory_space<hbm>>
      tpu.wait_dma2 semaphore(%arg16 : memref<!tpu.dma_semaphore, #tpu.memory_space<semaphore_mem>>) src(%dma_wait3A_132 : memref<40xi32, #tpu.memory_space<hbm>>) dst(%dma_wait3A_131 : memref<40xi32, #tpu.memory_space<vmem>>)
      %dma_wait3A_133 = arith.constant 1 : i32
      %dma_wait3A_134 = arith.constant 0 : i32
      %dma_wait3A_135 = tpu.memref_slice %arg10[%dma_wait3A_133, %dma_wait3A_134] : memref<2x40xi32, #tpu.memory_space<vmem>> -> memref<1x40xi32, #tpu.memory_space<vmem>>
      %dma_wait3A_136 = tpu.memref_squeeze %dma_wait3A_135 : memref<1x40xi32, #tpu.memory_space<vmem>> -> memref<40xi32, #tpu.memory_space<vmem>>
      %dma_wait3A_137 = tpu.memref_slice %arg5[%add3A_70] : memref<320000xi32, #tpu.memory_space<hbm>> -> memref<40xi32, #tpu.memory_space<hbm>>
      %dma_wait3A_138 = arith.constant 0 : i32
      %dma_wait3A_139 = tpu.memref_slice %arg10[%dma_wait3A_133, %dma_wait3A_138] : memref<2x40xi32, #tpu.memory_space<vmem>> -> memref<1x40xi32, #tpu.memory_space<vmem>>
      %dma_wait3A_140 = tpu.memref_squeeze %dma_wait3A_139 : memref<1x40xi32, #tpu.memory_space<vmem>> -> memref<40xi32, #tpu.memory_space<vmem>>
      %dma_wait3A_141 = tpu.memref_slice %arg5[%add3A_70] : memref<320000xi32, #tpu.memory_space<hbm>> -> memref<40xi32, #tpu.memory_space<hbm>>
      tpu.wait_dma2 semaphore(%arg16 : memref<!tpu.dma_semaphore, #tpu.memory_space<semaphore_mem>>) src(%dma_wait3A_141 : memref<40xi32, #tpu.memory_space<hbm>>) dst(%dma_wait3A_140 : memref<40xi32, #tpu.memory_space<vmem>>)
      %dma_wait3A_142 = arith.constant 1 : i32
      %dma_wait3A_143 = arith.constant 0 : i32
      %dma_wait3A_144 = tpu.memref_slice %arg11[%dma_wait3A_142, %dma_wait3A_143] : memref<2x40xf32, #tpu.memory_space<vmem>> -> memref<1x40xf32, #tpu.memory_space<vmem>>
      %dma_wait3A_145 = tpu.memref_squeeze %dma_wait3A_144 : memref<1x40xf32, #tpu.memory_space<vmem>> -> memref<40xf32, #tpu.memory_space<vmem>>
      %dma_wait3A_146 = tpu.memref_slice %arg6[%add3A_70] : memref<320000xf32, #tpu.memory_space<hbm>> -> memref<40xf32, #tpu.memory_space<hbm>>
      %dma_wait3A_147 = arith.constant 0 : i32
      %dma_wait3A_148 = tpu.memref_slice %arg11[%dma_wait3A_142, %dma_wait3A_147] : memref<2x40xf32, #tpu.memory_space<vmem>> -> memref<1x40xf32, #tpu.memory_space<vmem>>
      %dma_wait3A_149 = tpu.memref_squeeze %dma_wait3A_148 : memref<1x40xf32, #tpu.memory_space<vmem>> -> memref<40xf32, #tpu.memory_space<vmem>>
      %dma_wait3A_150 = tpu.memref_slice %arg6[%add3A_70] : memref<320000xf32, #tpu.memory_space<hbm>> -> memref<40xf32, #tpu.memory_space<hbm>>
      tpu.wait_dma2 semaphore(%arg16 : memref<!tpu.dma_semaphore, #tpu.memory_space<semaphore_mem>>) src(%dma_wait3A_150 : memref<40xf32, #tpu.memory_space<hbm>>) dst(%dma_wait3A_149 : memref<40xf32, #tpu.memory_space<vmem>>)
      %dma_start3A_151 = arith.constant 0 : i32
      %dma_start3A_152 = arith.constant 0 : i32
      %dma_start3A_153 = arith.constant 0 : i32
      %dma_start3A_154 = arith.constant 0 : i32
      %dma_start3A_155 = tpu.memref_slice %arg12[%dma_start3A_152, %dma_start3A_153, %dma_start3A_154] : memref<2x40x128xf32, #tpu.memory_space<vmem>> -> memref<1x40x128xf32, #tpu.memory_space<vmem>>
      %dma_start3A_156 = tpu.memref_squeeze %dma_start3A_155 : memref<1x40x128xf32, #tpu.memory_space<vmem>> -> memref<40x128xf32, #tpu.memory_space<vmem>>
      %dma_start3A_157 = arith.constant 0 : i32
      %dma_start3A_158 = tpu.memref_slice %arg9[%dma_start3A_151, %dma_start3A_157] : memref<2x40xi32, #tpu.memory_space<vmem>> -> memref<1x40xi32, #tpu.memory_space<vmem>>
      %dma_start3A_159 = tpu.memref_squeeze %dma_start3A_158 : memref<1x40xi32, #tpu.memory_space<vmem>> -> memref<40xi32, #tpu.memory_space<vmem>>
      %dma_start3A_160 = arith.constant 0 : i32
      %dma_start3A_161 = arith.constant 0 : i32
      %dma_start3A_162 = tpu.memref_slice %arg2[%dma_start3A_160, %dma_start3A_161] : memref<10000x128xf32, #tpu.memory_space<hbm>> -> memref<10000x128xf32, #tpu.memory_space<hbm>>
      tpu.enqueue_indirect_dma source(%dma_start3A_162 : memref<10000x128xf32, #tpu.memory_space<hbm>>) target(%dma_start3A_156 : memref<40x128xf32, #tpu.memory_space<vmem>>) offsets(%dma_start3A_159 : memref<40xi32, #tpu.memory_space<vmem>>) semaphore(%arg16 : memref<!tpu.dma_semaphore, #tpu.memory_space<semaphore_mem>>)
      %dma_start3A_163 = arith.constant 0 : i32
      %dma_start3A_164 = arith.constant 0 : i32
      %dma_start3A_165 = arith.constant 0 : i32
      %dma_start3A_166 = arith.constant 0 : i32
      %dma_start3A_167 = tpu.memref_slice %arg13[%dma_start3A_164, %dma_start3A_165, %dma_start3A_166] : memref<2x40x128xf32, #tpu.memory_space<vmem>> -> memref<1x40x128xf32, #tpu.memory_space<vmem>>
      %dma_start3A_168 = tpu.memref_squeeze %dma_start3A_167 : memref<1x40x128xf32, #tpu.memory_space<vmem>> -> memref<40x128xf32, #tpu.memory_space<vmem>>
      %dma_start3A_169 = arith.constant 0 : i32
      %dma_start3A_170 = tpu.memref_slice %arg9[%dma_start3A_163, %dma_start3A_169] : memref<2x40xi32, #tpu.memory_space<vmem>> -> memref<1x40xi32, #tpu.memory_space<vmem>>
      %dma_start3A_171 = tpu.memref_squeeze %dma_start3A_170 : memref<1x40xi32, #tpu.memory_space<vmem>> -> memref<40xi32, #tpu.memory_space<vmem>>
      %dma_start3A_172 = arith.constant 0 : i32
      %dma_start3A_173 = arith.constant 0 : i32
      %dma_start3A_174 = tpu.memref_slice %arg3[%dma_start3A_172, %dma_start3A_173] : memref<10000x128xf32, #tpu.memory_space<hbm>> -> memref<10000x128xf32, #tpu.memory_space<hbm>>
      tpu.enqueue_indirect_dma source(%dma_start3A_174 : memref<10000x128xf32, #tpu.memory_space<hbm>>) target(%dma_start3A_168 : memref<40x128xf32, #tpu.memory_space<vmem>>) offsets(%dma_start3A_171 : memref<40xi32, #tpu.memory_space<vmem>>) semaphore(%arg16 : memref<!tpu.dma_semaphore, #tpu.memory_space<semaphore_mem>>)
      %dma_start3A_175 = arith.constant 1 : i32
      %dma_start3A_176 = arith.constant 1 : i32
      %dma_start3A_177 = arith.constant 0 : i32
      %dma_start3A_178 = arith.constant 0 : i32
      %dma_start3A_179 = tpu.memref_slice %arg12[%dma_start3A_176, %dma_start3A_177, %dma_start3A_178] : memref<2x40x128xf32, #tpu.memory_space<vmem>> -> memref<1x40x128xf32, #tpu.memory_space<vmem>>
      %dma_start3A_180 = tpu.memref_squeeze %dma_start3A_179 : memref<1x40x128xf32, #tpu.memory_space<vmem>> -> memref<40x128xf32, #tpu.memory_space<vmem>>
      %dma_start3A_181 = arith.constant 0 : i32
      %dma_start3A_182 = tpu.memref_slice %arg9[%dma_start3A_175, %dma_start3A_181] : memref<2x40xi32, #tpu.memory_space<vmem>> -> memref<1x40xi32, #tpu.memory_space<vmem>>
      %dma_start3A_183 = tpu.memref_squeeze %dma_start3A_182 : memref<1x40xi32, #tpu.memory_space<vmem>> -> memref<40xi32, #tpu.memory_space<vmem>>
      %dma_start3A_184 = arith.constant 0 : i32
      %dma_start3A_185 = arith.constant 0 : i32
      %dma_start3A_186 = tpu.memref_slice %arg2[%dma_start3A_184, %dma_start3A_185] : memref<10000x128xf32, #tpu.memory_space<hbm>> -> memref<10000x128xf32, #tpu.memory_space<hbm>>
      tpu.enqueue_indirect_dma source(%dma_start3A_186 : memref<10000x128xf32, #tpu.memory_space<hbm>>) target(%dma_start3A_180 : memref<40x128xf32, #tpu.memory_space<vmem>>) offsets(%dma_start3A_183 : memref<40xi32, #tpu.memory_space<vmem>>) semaphore(%arg16 : memref<!tpu.dma_semaphore, #tpu.memory_space<semaphore_mem>>)
      %dma_start3A_187 = arith.constant 1 : i32
      %dma_start3A_188 = arith.constant 1 : i32
      %dma_start3A_189 = arith.constant 0 : i32
      %dma_start3A_190 = arith.constant 0 : i32
      %dma_start3A_191 = tpu.memref_slice %arg13[%dma_start3A_188, %dma_start3A_189, %dma_start3A_190] : memref<2x40x128xf32, #tpu.memory_space<vmem>> -> memref<1x40x128xf32, #tpu.memory_space<vmem>>
      %dma_start3A_192 = tpu.memref_squeeze %dma_start3A_191 : memref<1x40x128xf32, #tpu.memory_space<vmem>> -> memref<40x128xf32, #tpu.memory_space<vmem>>
      %dma_start3A_193 = arith.constant 0 : i32
      %dma_start3A_194 = tpu.memref_slice %arg9[%dma_start3A_187, %dma_start3A_193] : memref<2x40xi32, #tpu.memory_space<vmem>> -> memref<1x40xi32, #tpu.memory_space<vmem>>
      %dma_start3A_195 = tpu.memref_squeeze %dma_start3A_194 : memref<1x40xi32, #tpu.memory_space<vmem>> -> memref<40xi32, #tpu.memory_space<vmem>>
      %dma_start3A_196 = arith.constant 0 : i32
      %dma_start3A_197 = arith.constant 0 : i32
      %dma_start3A_198 = tpu.memref_slice %arg3[%dma_start3A_196, %dma_start3A_197] : memref<10000x128xf32, #tpu.memory_space<hbm>> -> memref<10000x128xf32, #tpu.memory_space<hbm>>
      tpu.enqueue_indirect_dma source(%dma_start3A_198 : memref<10000x128xf32, #tpu.memory_space<hbm>>) target(%dma_start3A_192 : memref<40x128xf32, #tpu.memory_space<vmem>>) offsets(%dma_start3A_195 : memref<40xi32, #tpu.memory_space<vmem>>) semaphore(%arg16 : memref<!tpu.dma_semaphore, #tpu.memory_space<semaphore_mem>>)
      %dma_wait3A_199 = arith.constant 0 : i32
      %dma_wait3A_200 = arith.constant 0 : i32
      %dma_wait3A_201 = arith.constant 0 : i32
      %dma_wait3A_202 = arith.constant 0 : i32
      %dma_wait3A_203 = tpu.memref_slice %arg12[%dma_wait3A_200, %dma_wait3A_201, %dma_wait3A_202] : memref<2x40x128xf32, #tpu.memory_space<vmem>> -> memref<1x40x128xf32, #tpu.memory_space<vmem>>
      %dma_wait3A_204 = tpu.memref_squeeze %dma_wait3A_203 : memref<1x40x128xf32, #tpu.memory_space<vmem>> -> memref<40x128xf32, #tpu.memory_space<vmem>>
      %dma_wait3A_205 = arith.constant 0 : i32
      %dma_wait3A_206 = tpu.memref_slice %arg9[%dma_wait3A_199, %dma_wait3A_205] : memref<2x40xi32, #tpu.memory_space<vmem>> -> memref<1x40xi32, #tpu.memory_space<vmem>>
      %dma_wait3A_207 = tpu.memref_squeeze %dma_wait3A_206 : memref<1x40xi32, #tpu.memory_space<vmem>> -> memref<40xi32, #tpu.memory_space<vmem>>
      %dma_wait3A_208 = arith.constant 0 : i32
      %dma_wait3A_209 = arith.constant 0 : i32
      %dma_wait3A_210 = tpu.memref_slice %arg2[%dma_wait3A_208, %dma_wait3A_209] : memref<10000x128xf32, #tpu.memory_space<hbm>> -> memref<10000x128xf32, #tpu.memory_space<hbm>>
      tpu.wait_indirect_dma semaphore(%arg16 : memref<!tpu.dma_semaphore, #tpu.memory_space<semaphore_mem>>) src(%dma_wait3A_210 : memref<10000x128xf32, #tpu.memory_space<hbm>>) dst(%dma_wait3A_204 : memref<40x128xf32, #tpu.memory_space<vmem>>)
      %dma_wait3A_211 = arith.constant 0 : i32
      %dma_wait3A_212 = arith.constant 0 : i32
      %dma_wait3A_213 = arith.constant 0 : i32
      %dma_wait3A_214 = arith.constant 0 : i32
      %dma_wait3A_215 = tpu.memref_slice %arg13[%dma_wait3A_212, %dma_wait3A_213, %dma_wait3A_214] : memref<2x40x128xf32, #tpu.memory_space<vmem>> -> memref<1x40x128xf32, #tpu.memory_space<vmem>>
      %dma_wait3A_216 = tpu.memref_squeeze %dma_wait3A_215 : memref<1x40x128xf32, #tpu.memory_space<vmem>> -> memref<40x128xf32, #tpu.memory_space<vmem>>
      %dma_wait3A_217 = arith.constant 0 : i32
      %dma_wait3A_218 = tpu.memref_slice %arg9[%dma_wait3A_211, %dma_wait3A_217] : memref<2x40xi32, #tpu.memory_space<vmem>> -> memref<1x40xi32, #tpu.memory_space<vmem>>
      %dma_wait3A_219 = tpu.memref_squeeze %dma_wait3A_218 : memref<1x40xi32, #tpu.memory_space<vmem>> -> memref<40xi32, #tpu.memory_space<vmem>>
      %dma_wait3A_220 = arith.constant 0 : i32
      %dma_wait3A_221 = arith.constant 0 : i32
      %dma_wait3A_222 = tpu.memref_slice %arg3[%dma_wait3A_220, %dma_wait3A_221] : memref<10000x128xf32, #tpu.memory_space<hbm>> -> memref<10000x128xf32, #tpu.memory_space<hbm>>
      tpu.wait_indirect_dma semaphore(%arg16 : memref<!tpu.dma_semaphore, #tpu.memory_space<semaphore_mem>>) src(%dma_wait3A_222 : memref<10000x128xf32, #tpu.memory_space<hbm>>) dst(%dma_wait3A_216 : memref<40x128xf32, #tpu.memory_space<vmem>>)
      %dma_wait3A_223 = arith.constant 1 : i32
      %dma_wait3A_224 = arith.constant 1 : i32
      %dma_wait3A_225 = arith.constant 0 : i32
      %dma_wait3A_226 = arith.constant 0 : i32
      %dma_wait3A_227 = tpu.memref_slice %arg12[%dma_wait3A_224, %dma_wait3A_225, %dma_wait3A_226] : memref<2x40x128xf32, #tpu.memory_space<vmem>> -> memref<1x40x128xf32, #tpu.memory_space<vmem>>
      %dma_wait3A_228 = tpu.memref_squeeze %dma_wait3A_227 : memref<1x40x128xf32, #tpu.memory_space<vmem>> -> memref<40x128xf32, #tpu.memory_space<vmem>>
      %dma_wait3A_229 = arith.constant 0 : i32
      %dma_wait3A_230 = tpu.memref_slice %arg9[%dma_wait3A_223, %dma_wait3A_229] : memref<2x40xi32, #tpu.memory_space<vmem>> -> memref<1x40xi32, #tpu.memory_space<vmem>>
      %dma_wait3A_231 = tpu.memref_squeeze %dma_wait3A_230 : memref<1x40xi32, #tpu.memory_space<vmem>> -> memref<40xi32, #tpu.memory_space<vmem>>
      %dma_wait3A_232 = arith.constant 0 : i32
      %dma_wait3A_233 = arith.constant 0 : i32
      %dma_wait3A_234 = tpu.memref_slice %arg2[%dma_wait3A_232, %dma_wait3A_233] : memref<10000x128xf32, #tpu.memory_space<hbm>> -> memref<10000x128xf32, #tpu.memory_space<hbm>>
      tpu.wait_indirect_dma semaphore(%arg16 : memref<!tpu.dma_semaphore, #tpu.memory_space<semaphore_mem>>) src(%dma_wait3A_234 : memref<10000x128xf32, #tpu.memory_space<hbm>>) dst(%dma_wait3A_228 : memref<40x128xf32, #tpu.memory_space<vmem>>)
      %dma_wait3A_235 = arith.constant 1 : i32
      %dma_wait3A_236 = arith.constant 1 : i32
      %dma_wait3A_237 = arith.constant 0 : i32
      %dma_wait3A_238 = arith.constant 0 : i32
      %dma_wait3A_239 = tpu.memref_slice %arg13[%dma_wait3A_236, %dma_wait3A_237, %dma_wait3A_238] : memref<2x40x128xf32, #tpu.memory_space<vmem>> -> memref<1x40x128xf32, #tpu.memory_space<vmem>>
      %dma_wait3A_240 = tpu.memref_squeeze %dma_wait3A_239 : memref<1x40x128xf32, #tpu.memory_space<vmem>> -> memref<40x128xf32, #tpu.memory_space<vmem>>
      %dma_wait3A_241 = arith.constant 0 : i32
      %dma_wait3A_242 = tpu.memref_slice %arg9[%dma_wait3A_235, %dma_wait3A_241] : memref<2x40xi32, #tpu.memory_space<vmem>> -> memref<1x40xi32, #tpu.memory_space<vmem>>
      %dma_wait3A_243 = tpu.memref_squeeze %dma_wait3A_242 : memref<1x40xi32, #tpu.memory_space<vmem>> -> memref<40xi32, #tpu.memory_space<vmem>>
      %dma_wait3A_244 = arith.constant 0 : i32
      %dma_wait3A_245 = arith.constant 0 : i32
      %dma_wait3A_246 = tpu.memref_slice %arg3[%dma_wait3A_244, %dma_wait3A_245] : memref<10000x128xf32, #tpu.memory_space<hbm>> -> memref<10000x128xf32, #tpu.memory_space<hbm>>
      tpu.wait_indirect_dma semaphore(%arg16 : memref<!tpu.dma_semaphore, #tpu.memory_space<semaphore_mem>>) src(%dma_wait3A_246 : memref<10000x128xf32, #tpu.memory_space<hbm>>) dst(%dma_wait3A_240 : memref<40x128xf32, #tpu.memory_space<vmem>>)
      %run_scoped3A = arith.constant 0 : i32
      %run_scoped3A_247 = arith.constant 0 : i32
      "tpu.region"() ({
        %run_scoped3A_264 = tpu.sem_alloc : memref<!tpu.dma_semaphore, #tpu.memory_space<semaphore_mem>>
        %dma_start3A_265 = arith.constant 0 : i32
        %dma_start3A_266 = arith.constant 0 : i32
        %dma_start3A_267 = tpu.memref_slice %arg12[%run_scoped3A, %dma_start3A_265, %dma_start3A_266] : memref<2x40x128xf32, #tpu.memory_space<vmem>> -> memref<1x40x128xf32, #tpu.memory_space<vmem>>
        %dma_start3A_268 = tpu.memref_squeeze %dma_start3A_267 : memref<1x40x128xf32, #tpu.memory_space<vmem>> -> memref<40x128xf32, #tpu.memory_space<vmem>>
        %dma_start3A_269 = arith.constant 0 : i32
        %dma_start3A_270 = tpu.memref_slice %arg10[%run_scoped3A_247, %dma_start3A_269] : memref<2x40xi32, #tpu.memory_space<vmem>> -> memref<1x40xi32, #tpu.memory_space<vmem>>
        %dma_start3A_271 = tpu.memref_squeeze %dma_start3A_270 : memref<1x40xi32, #tpu.memory_space<vmem>> -> memref<40xi32, #tpu.memory_space<vmem>>
        %dma_start3A_272 = arith.constant 0 : i32
        %dma_start3A_273 = arith.constant 0 : i32
        %dma_start3A_274 = tpu.memref_slice %arg15[%dma_start3A_272, %dma_start3A_273] : memref<10240x128xf32, #tpu.memory_space<vmem_shared>> -> memref<10240x128xf32, #tpu.memory_space<vmem_shared>>
        tpu.enqueue_indirect_dma source(%dma_start3A_268 : memref<40x128xf32, #tpu.memory_space<vmem>>) target(%dma_start3A_274 : memref<10240x128xf32, #tpu.memory_space<vmem_shared>>) offsets(%dma_start3A_271 : memref<40xi32, #tpu.memory_space<vmem>>) semaphore(%run_scoped3A_264 : memref<!tpu.dma_semaphore, #tpu.memory_space<semaphore_mem>>) {add = true}
        %dma_wait3A_275 = arith.constant 0 : i32
        %dma_wait3A_276 = arith.constant 0 : i32
        %dma_wait3A_277 = tpu.memref_slice %arg12[%run_scoped3A, %dma_wait3A_275, %dma_wait3A_276] : memref<2x40x128xf32, #tpu.memory_space<vmem>> -> memref<1x40x128xf32, #tpu.memory_space<vmem>>
        %dma_wait3A_278 = tpu.memref_squeeze %dma_wait3A_277 : memref<1x40x128xf32, #tpu.memory_space<vmem>> -> memref<40x128xf32, #tpu.memory_space<vmem>>
        %dma_wait3A_279 = arith.constant 0 : i32
        %dma_wait3A_280 = tpu.memref_slice %arg10[%run_scoped3A_247, %dma_wait3A_279] : memref<2x40xi32, #tpu.memory_space<vmem>> -> memref<1x40xi32, #tpu.memory_space<vmem>>
        %dma_wait3A_281 = tpu.memref_squeeze %dma_wait3A_280 : memref<1x40xi32, #tpu.memory_space<vmem>> -> memref<40xi32, #tpu.memory_space<vmem>>
        %dma_wait3A_282 = arith.constant 0 : i32
        %dma_wait3A_283 = arith.constant 0 : i32
        %dma_wait3A_284 = tpu.memref_slice %arg15[%dma_wait3A_282, %dma_wait3A_283] : memref<10240x128xf32, #tpu.memory_space<vmem_shared>> -> memref<10240x128xf32, #tpu.memory_space<vmem_shared>>
        tpu.wait_indirect_dma semaphore(%run_scoped3A_264 : memref<!tpu.dma_semaphore, #tpu.memory_space<semaphore_mem>>) src(%dma_wait3A_278 : memref<40x128xf32, #tpu.memory_space<vmem>>) dst(%dma_wait3A_284 : memref<10240x128xf32, #tpu.memory_space<vmem_shared>>)
        tpu.yield
      }) : () -> ()
      %scan3A_248 = arith.constant 0 : i32
      %scan3A_249 = arith.constant 5 : i32
      %scan3A_250 = arith.addi %scan3A_248, %scan3A_249 : i32
      %scan3A_251 = arith.constant 1 : i32
      scf.for %scan3A_264 = %scan3A_248 to %scan3A_250 step %scan3A_251  : i32 {
        %mul3A_265 = arith.constant 8 : i32
        %mul3A_266 = arith.muli %scan3A_264, %mul3A_265 : i32
        %add3A_267 = arith.constant 0 : i32
        %add3A_268 = arith.addi %add3A_267, %mul3A_266 : i32
        %add3A_269 = arith.constant 0 : i32
        %add3A_270 = arith.addi %add3A_268, %add3A_269 : i32
        %broadcast_in_dim3A_271 = vector.broadcast %add3A_270 : i32 to vector<16xi32>
        %gather3A = arith.constant 0 : i32
        %gather3A_272 = arith.constant 0 : i32
        %gather3A_273 = tpu.memref_slice %arg11[%gather3A, %gather3A_272] : memref<2x40xf32, #tpu.memory_space<vmem>> -> memref<1x40xf32, #tpu.memory_space<vmem>>
        %gather3A_274 = tpu.memref_squeeze %gather3A_273 : memref<1x40xf32, #tpu.memory_space<vmem>> -> memref<40xf32, #tpu.memory_space<vmem>>
        %gather3A_275 = tpu.vector_load_idx %gather3A_274[%broadcast_in_dim3A_271] : memref<40xf32, #tpu.memory_space<vmem>>[vector<16xi32>], vector<16xf32>,
        %max3A = arith.constant 0.000000e+00 : f32
        %max3A_276 = vector.broadcast %max3A : f32 to vector<16xf32>
        %max3A_277 = arith.maximumf %gather3A_275, %max3A_276 : vector<16xf32>
        %min3A = arith.constant 1.000000e+00 : f32
        %min3A_278 = vector.broadcast %min3A : f32 to vector<16xf32>
        %min3A_279 = arith.minimumf %max3A_277, %min3A_278 : vector<16xf32>
        %gather3A_280 = arith.constant 0 : i32
        %gather3A_281 = arith.constant 0 : i32
        %gather3A_282 = tpu.memref_slice %arg10[%gather3A_280, %gather3A_281] : memref<2x40xi32, #tpu.memory_space<vmem>> -> memref<1x40xi32, #tpu.memory_space<vmem>>
        %gather3A_283 = tpu.memref_squeeze %gather3A_282 : memref<1x40xi32, #tpu.memory_space<vmem>> -> memref<40xi32, #tpu.memory_space<vmem>>
        %gather3A_284 = tpu.vector_load_idx %gather3A_283[%broadcast_in_dim3A_271] : memref<40xi32, #tpu.memory_space<vmem>>[vector<16xi32>], vector<16xi32>,
        tpu.vector_store_idx %arg14[%gather3A_284], %broadcast_in_dim3A_5 masked %eq3A_7 {add = true} : memref<10240xf32, #tpu.memory_space<vmem>>[vector<16xi32>], vector<16xf32>, vector<16xi1>
        %add3A_285 = arith.constant 0 : i32
        %add3A_286 = arith.addi %add3A_268, %add3A_285 : i32
        %get3A = arith.constant 0 : i32
        %get3A_287 = arith.index_cast %get3A : i32 to index
        %get3A_288 = arith.index_cast %add3A_286 : i32 to index
        %get3A_289 = arith.constant 0 : index
        %get3A_290 = tpu.vector_load %arg13[%get3A_287, %get3A_288, %get3A_289] {strides = array<i32>} : memref<2x40x128xf32, #tpu.memory_space<vmem>>, vector<16xf32>,
        %mul3A_291 = arith.mulf %min3A_279, %get3A_290 : vector<16xf32>
        %add3A_292 = arith.constant 0 : i32
        %add3A_293 = arith.addi %add3A_268, %add3A_292 : i32
        %swap3A = arith.constant 0 : i32
        %swap3A_294 = arith.index_cast %swap3A : i32 to index
        %swap3A_295 = arith.index_cast %add3A_293 : i32 to index
        %swap3A_296 = arith.constant 0 : index
        %swap3A_297 = tpu.vector_load %arg13[%swap3A_294, %swap3A_295, %swap3A_296] {strides = array<i32>} : memref<2x40x128xf32, #tpu.memory_space<vmem>>, vector<16xf32>,
        tpu.vector_store %arg13[%swap3A_294, %swap3A_295, %swap3A_296], %mul3A_291 {strides = array<i32>} : memref<2x40x128xf32, #tpu.memory_space<vmem>>, vector<16xf32>,
        %add3A_298 = arith.constant 0 : i32
        %add3A_299 = arith.addi %add3A_268, %add3A_298 : i32
        %get3A_300 = arith.constant 0 : i32
        %get3A_301 = arith.index_cast %get3A_300 : i32 to index
        %get3A_302 = arith.index_cast %add3A_299 : i32 to index
        %get3A_303 = arith.constant 16 : index
        %get3A_304 = tpu.vector_load %arg13[%get3A_301, %get3A_302, %get3A_303] {strides = array<i32>} : memref<2x40x128xf32, #tpu.memory_space<vmem>>, vector<16xf32>,
        %mul3A_305 = arith.mulf %min3A_279, %get3A_304 : vector<16xf32>
        %add3A_306 = arith.constant 0 : i32
        %add3A_307 = arith.addi %add3A_268, %add3A_306 : i32
        %swap3A_308 = arith.constant 0 : i32
        %swap3A_309 = arith.index_cast %swap3A_308 : i32 to index
        %swap3A_310 = arith.index_cast %add3A_307 : i32 to index
        %swap3A_311 = arith.constant 16 : index
        %swap3A_312 = tpu.vector_load %arg13[%swap3A_309, %swap3A_310, %swap3A_311] {strides = array<i32>} : memref<2x40x128xf32, #tpu.memory_space<vmem>>, vector<16xf32>,
        tpu.vector_store %arg13[%swap3A_309, %swap3A_310, %swap3A_311], %mul3A_305 {strides = array<i32>} : memref<2x40x128xf32, #tpu.memory_space<vmem>>, vector<16xf32>,
        %add3A_313 = arith.constant 0 : i32
        %add3A_314 = arith.addi %add3A_268, %add3A_313 : i32
        %get3A_315 = arith.constant 0 : i32
        %get3A_316 = arith.index_cast %get3A_315 : i32 to index
        %get3A_317 = arith.index_cast %add3A_314 : i32 to index
        %get3A_318 = arith.constant 32 : index
        %get3A_319 = tpu.vector_load %arg13[%get3A_316, %get3A_317, %get3A_318] {strides = array<i32>} : memref<2x40x128xf32, #tpu.memory_space<vmem>>, vector<16xf32>,
        %mul3A_320 = arith.mulf %min3A_279, %get3A_319 : vector<16xf32>
        %add3A_321 = arith.constant 0 : i32
        %add3A_322 = arith.addi %add3A_268, %add3A_321 : i32
        %swap3A_323 = arith.constant 0 : i32
        %swap3A_324 = arith.index_cast %swap3A_323 : i32 to index
        %swap3A_325 = arith.index_cast %add3A_322 : i32 to index
        %swap3A_326 = arith.constant 32 : index
        %swap3A_327 = tpu.vector_load %arg13[%swap3A_324, %swap3A_325, %swap3A_326] {strides = array<i32>} : memref<2x40x128xf32, #tpu.memory_space<vmem>>, vector<16xf32>,
        tpu.vector_store %arg13[%swap3A_324, %swap3A_325, %swap3A_326], %mul3A_320 {strides = array<i32>} : memref<2x40x128xf32, #tpu.memory_space<vmem>>, vector<16xf32>,
        %add3A_328 = arith.constant 0 : i32
        %add3A_329 = arith.addi %add3A_268, %add3A_328 : i32
        %get3A_330 = arith.constant 0 : i32
        %get3A_331 = arith.index_cast %get3A_330 : i32 to index
        %get3A_332 = arith.index_cast %add3A_329 : i32 to index
        %get3A_333 = arith.constant 48 : index
        %get3A_334 = tpu.vector_load %arg13[%get3A_331, %get3A_332, %get3A_333] {strides = array<i32>} : memref<2x40x128xf32, #tpu.memory_space<vmem>>, vector<16xf32>,
        %mul3A_335 = arith.mulf %min3A_279, %get3A_334 : vector<16xf32>
        %add3A_336 = arith.constant 0 : i32
        %add3A_337 = arith.addi %add3A_268, %add3A_336 : i32
        %swap3A_338 = arith.constant 0 : i32
        %swap3A_339 = arith.index_cast %swap3A_338 : i32 to index
        %swap3A_340 = arith.index_cast %add3A_337 : i32 to index
        %swap3A_341 = arith.constant 48 : index
        %swap3A_342 = tpu.vector_load %arg13[%swap3A_339, %swap3A_340, %swap3A_341] {strides = array<i32>} : memref<2x40x128xf32, #tpu.memory_space<vmem>>, vector<16xf32>,
        tpu.vector_store %arg13[%swap3A_339, %swap3A_340, %swap3A_341], %mul3A_335 {strides = array<i32>} : memref<2x40x128xf32, #tpu.memory_space<vmem>>, vector<16xf32>,
        %add3A_343 = arith.constant 0 : i32
        %add3A_344 = arith.addi %add3A_268, %add3A_343 : i32
        %get3A_345 = arith.constant 0 : i32
        %get3A_346 = arith.index_cast %get3A_345 : i32 to index
        %get3A_347 = arith.index_cast %add3A_344 : i32 to index
        %get3A_348 = arith.constant 64 : index
        %get3A_349 = tpu.vector_load %arg13[%get3A_346, %get3A_347, %get3A_348] {strides = array<i32>} : memref<2x40x128xf32, #tpu.memory_space<vmem>>, vector<16xf32>,
        %mul3A_350 = arith.mulf %min3A_279, %get3A_349 : vector<16xf32>
        %add3A_351 = arith.constant 0 : i32
        %add3A_352 = arith.addi %add3A_268, %add3A_351 : i32
        %swap3A_353 = arith.constant 0 : i32
        %swap3A_354 = arith.index_cast %swap3A_353 : i32 to index
        %swap3A_355 = arith.index_cast %add3A_352 : i32 to index
        %swap3A_356 = arith.constant 64 : index
        %swap3A_357 = tpu.vector_load %arg13[%swap3A_354, %swap3A_355, %swap3A_356] {strides = array<i32>} : memref<2x40x128xf32, #tpu.memory_space<vmem>>, vector<16xf32>,
        tpu.vector_store %arg13[%swap3A_354, %swap3A_355, %swap3A_356], %mul3A_350 {strides = array<i32>} : memref<2x40x128xf32, #tpu.memory_space<vmem>>, vector<16xf32>,
        %add3A_358 = arith.constant 0 : i32
        %add3A_359 = arith.addi %add3A_268, %add3A_358 : i32
        %get3A_360 = arith.constant 0 : i32
        %get3A_361 = arith.index_cast %get3A_360 : i32 to index
        %get3A_362 = arith.index_cast %add3A_359 : i32 to index
        %get3A_363 = arith.constant 80 : index
        %get3A_364 = tpu.vector_load %arg13[%get3A_361, %get3A_362, %get3A_363] {strides = array<i32>} : memref<2x40x128xf32, #tpu.memory_space<vmem>>, vector<16xf32>,
        %mul3A_365 = arith.mulf %min3A_279, %get3A_364 : vector<16xf32>
        %add3A_366 = arith.constant 0 : i32
        %add3A_367 = arith.addi %add3A_268, %add3A_366 : i32
        %swap3A_368 = arith.constant 0 : i32
        %swap3A_369 = arith.index_cast %swap3A_368 : i32 to index
        %swap3A_370 = arith.index_cast %add3A_367 : i32 to index
        %swap3A_371 = arith.constant 80 : index
        %swap3A_372 = tpu.vector_load %arg13[%swap3A_369, %swap3A_370, %swap3A_371] {strides = array<i32>} : memref<2x40x128xf32, #tpu.memory_space<vmem>>, vector<16xf32>,
        tpu.vector_store %arg13[%swap3A_369, %swap3A_370, %swap3A_371], %mul3A_365 {strides = array<i32>} : memref<2x40x128xf32, #tpu.memory_space<vmem>>, vector<16xf32>,
        %add3A_373 = arith.constant 0 : i32
        %add3A_374 = arith.addi %add3A_268, %add3A_373 : i32
        %get3A_375 = arith.constant 0 : i32
        %get3A_376 = arith.index_cast %get3A_375 : i32 to index
        %get3A_377 = arith.index_cast %add3A_374 : i32 to index
        %get3A_378 = arith.constant 96 : index
        %get3A_379 = tpu.vector_load %arg13[%get3A_376, %get3A_377, %get3A_378] {strides = array<i32>} : memref<2x40x128xf32, #tpu.memory_space<vmem>>, vector<16xf32>,
        %mul3A_380 = arith.mulf %min3A_279, %get3A_379 : vector<16xf32>
        %add3A_381 = arith.constant 0 : i32
        %add3A_382 = arith.addi %add3A_268, %add3A_381 : i32
        %swap3A_383 = arith.constant 0 : i32
        %swap3A_384 = arith.index_cast %swap3A_383 : i32 to index
        %swap3A_385 = arith.index_cast %add3A_382 : i32 to index
        %swap3A_386 = arith.constant 96 : index
        %swap3A_387 = tpu.vector_load %arg13[%swap3A_384, %swap3A_385, %swap3A_386] {strides = array<i32>} : memref<2x40x128xf32, #tpu.memory_space<vmem>>, vector<16xf32>,
        tpu.vector_store %arg13[%swap3A_384, %swap3A_385, %swap3A_386], %mul3A_380 {strides = array<i32>} : memref<2x40x128xf32, #tpu.memory_space<vmem>>, vector<16xf32>,
        %add3A_388 = arith.constant 0 : i32
        %add3A_389 = arith.addi %add3A_268, %add3A_388 : i32
        %get3A_390 = arith.constant 0 : i32
        %get3A_391 = arith.index_cast %get3A_390 : i32 to index
        %get3A_392 = arith.index_cast %add3A_389 : i32 to index
        %get3A_393 = arith.constant 112 : index
        %get3A_394 = tpu.vector_load %arg13[%get3A_391, %get3A_392, %get3A_393] {strides = array<i32>} : memref<2x40x128xf32, #tpu.memory_space<vmem>>, vector<16xf32>,
        %mul3A_395 = arith.mulf %min3A_279, %get3A_394 : vector<16xf32>
        %add3A_396 = arith.constant 0 : i32
        %add3A_397 = arith.addi %add3A_268, %add3A_396 : i32
        %swap3A_398 = arith.constant 0 : i32
        %swap3A_399 = arith.index_cast %swap3A_398 : i32 to index
        %swap3A_400 = arith.index_cast %add3A_397 : i32 to index
        %swap3A_401 = arith.constant 112 : index
        %swap3A_402 = tpu.vector_load %arg13[%swap3A_399, %swap3A_400, %swap3A_401] {strides = array<i32>} : memref<2x40x128xf32, #tpu.memory_space<vmem>>, vector<16xf32>,
        tpu.vector_store %arg13[%swap3A_399, %swap3A_400, %swap3A_401], %mul3A_395 {strides = array<i32>} : memref<2x40x128xf32, #tpu.memory_space<vmem>>, vector<16xf32>,
        %add3A_403 = arith.constant 1 : i32
        %add3A_404 = arith.addi %add3A_268, %add3A_403 : i32
        %broadcast_in_dim3A_405 = vector.broadcast %add3A_404 : i32 to vector<16xi32>
        %gather3A_406 = arith.constant 0 : i32
        %gather3A_407 = arith.constant 0 : i32
        %gather3A_408 = tpu.memref_slice %arg11[%gather3A_406, %gather3A_407] : memref<2x40xf32, #tpu.memory_space<vmem>> -> memref<1x40xf32, #tpu.memory_space<vmem>>
        %gather3A_409 = tpu.memref_squeeze %gather3A_408 : memref<1x40xf32, #tpu.memory_space<vmem>> -> memref<40xf32, #tpu.memory_space<vmem>>
        %gather3A_410 = tpu.vector_load_idx %gather3A_409[%broadcast_in_dim3A_405] : memref<40xf32, #tpu.memory_space<vmem>>[vector<16xi32>], vector<16xf32>,
        %max3A_411 = arith.constant 0.000000e+00 : f32
        %max3A_412 = vector.broadcast %max3A_411 : f32 to vector<16xf32>
        %max3A_413 = arith.maximumf %gather3A_410, %max3A_412 : vector<16xf32>
        %min3A_414 = arith.constant 1.000000e+00 : f32
        %min3A_415 = vector.broadcast %min3A_414 : f32 to vector<16xf32>
        %min3A_416 = arith.minimumf %max3A_413, %min3A_415 : vector<16xf32>
        %gather3A_417 = arith.constant 0 : i32
        %gather3A_418 = arith.constant 0 : i32
        %gather3A_419 = tpu.memref_slice %arg10[%gather3A_417, %gather3A_418] : memref<2x40xi32, #tpu.memory_space<vmem>> -> memref<1x40xi32, #tpu.memory_space<vmem>>
        %gather3A_420 = tpu.memref_squeeze %gather3A_419 : memref<1x40xi32, #tpu.memory_space<vmem>> -> memref<40xi32, #tpu.memory_space<vmem>>
        %gather3A_421 = tpu.vector_load_idx %gather3A_420[%broadcast_in_dim3A_405] : memref<40xi32, #tpu.memory_space<vmem>>[vector<16xi32>], vector<16xi32>,
        tpu.vector_store_idx %arg14[%gather3A_421], %broadcast_in_dim3A_5 masked %eq3A_7 {add = true} : memref<10240xf32, #tpu.memory_space<vmem>>[vector<16xi32>], vector<16xf32>, vector<16xi1>
        %add3A_422 = arith.constant 1 : i32
        %add3A_423 = arith.addi %add3A_268, %add3A_422 : i32
        %get3A_424 = arith.constant 0 : i32
        %get3A_425 = arith.index_cast %get3A_424 : i32 to index
        %get3A_426 = arith.index_cast %add3A_423 : i32 to index
        %get3A_427 = arith.constant 0 : index
        %get3A_428 = tpu.vector_load %arg13[%get3A_425, %get3A_426, %get3A_427] {strides = array<i32>} : memref<2x40x128xf32, #tpu.memory_space<vmem>>, vector<16xf32>,
        %mul3A_429 = arith.mulf %min3A_416, %get3A_428 : vector<16xf32>
        %add3A_430 = arith.constant 1 : i32
        %add3A_431 = arith.addi %add3A_268, %add3A_430 : i32
        %swap3A_432 = arith.constant 0 : i32
        %swap3A_433 = arith.index_cast %swap3A_432 : i32 to index
        %swap3A_434 = arith.index_cast %add3A_431 : i32 to index
        %swap3A_435 = arith.constant 0 : index
        %swap3A_436 = tpu.vector_load %arg13[%swap3A_433, %swap3A_434, %swap3A_435] {strides = array<i32>} : memref<2x40x128xf32, #tpu.memory_space<vmem>>, vector<16xf32>,
        tpu.vector_store %arg13[%swap3A_433, %swap3A_434, %swap3A_435], %mul3A_429 {strides = array<i32>} : memref<2x40x128xf32, #tpu.memory_space<vmem>>, vector<16xf32>,
        %add3A_437 = arith.constant 1 : i32
        %add3A_438 = arith.addi %add3A_268, %add3A_437 : i32
        %get3A_439 = arith.constant 0 : i32
        %get3A_440 = arith.index_cast %get3A_439 : i32 to index
        %get3A_441 = arith.index_cast %add3A_438 : i32 to index
        %get3A_442 = arith.constant 16 : index
        %get3A_443 = tpu.vector_load %arg13[%get3A_440, %get3A_441, %get3A_442] {strides = array<i32>} : memref<2x40x128xf32, #tpu.memory_space<vmem>>, vector<16xf32>,
        %mul3A_444 = arith.mulf %min3A_416, %get3A_443 : vector<16xf32>
        %add3A_445 = arith.constant 1 : i32
        %add3A_446 = arith.addi %add3A_268, %add3A_445 : i32
        %swap3A_447 = arith.constant 0 : i32
        %swap3A_448 = arith.index_cast %swap3A_447 : i32 to index
        %swap3A_449 = arith.index_cast %add3A_446 : i32 to index
        %swap3A_450 = arith.constant 16 : index
        %swap3A_451 = tpu.vector_load %arg13[%swap3A_448, %swap3A_449, %swap3A_450] {strides = array<i32>} : memref<2x40x128xf32, #tpu.memory_space<vmem>>, vector<16xf32>,
        tpu.vector_store %arg13[%swap3A_448, %swap3A_449, %swap3A_450], %mul3A_444 {strides = array<i32>} : memref<2x40x128xf32, #tpu.memory_space<vmem>>, vector<16xf32>,
        %add3A_452 = arith.constant 1 : i32
        %add3A_453 = arith.addi %add3A_268, %add3A_452 : i32
        %get3A_454 = arith.constant 0 : i32
        %get3A_455 = arith.index_cast %get3A_454 : i32 to index
        %get3A_456 = arith.index_cast %add3A_453 : i32 to index
        %get3A_457 = arith.constant 32 : index
        %get3A_458 = tpu.vector_load %arg13[%get3A_455, %get3A_456, %get3A_457] {strides = array<i32>} : memref<2x40x128xf32, #tpu.memory_space<vmem>>, vector<16xf32>,
        %mul3A_459 = arith.mulf %min3A_416, %get3A_458 : vector<16xf32>
        %add3A_460 = arith.constant 1 : i32
        %add3A_461 = arith.addi %add3A_268, %add3A_460 : i32
        %swap3A_462 = arith.constant 0 : i32
        %swap3A_463 = arith.index_cast %swap3A_462 : i32 to index
        %swap3A_464 = arith.index_cast %add3A_461 : i32 to index
        %swap3A_465 = arith.constant 32 : index
        %swap3A_466 = tpu.vector_load %arg13[%swap3A_463, %swap3A_464, %swap3A_465] {strides = array<i32>} : memref<2x40x128xf32, #tpu.memory_space<vmem>>, vector<16xf32>,
        tpu.vector_store %arg13[%swap3A_463, %swap3A_464, %swap3A_465], %mul3A_459 {strides = array<i32>} : memref<2x40x128xf32, #tpu.memory_space<vmem>>, vector<16xf32>,
        %add3A_467 = arith.constant 1 : i32
        %add3A_468 = arith.addi %add3A_268, %add3A_467 : i32
        %get3A_469 = arith.constant 0 : i32
        %get3A_470 = arith.index_cast %get3A_469 : i32 to index
        %get3A_471 = arith.index_cast %add3A_468 : i32 to index
        %get3A_472 = arith.constant 48 : index
        %get3A_473 = tpu.vector_load %arg13[%get3A_470, %get3A_471, %get3A_472] {strides = array<i32>} : memref<2x40x128xf32, #tpu.memory_space<vmem>>, vector<16xf32>,
        %mul3A_474 = arith.mulf %min3A_416, %get3A_473 : vector<16xf32>
        %add3A_475 = arith.constant 1 : i32
        %add3A_476 = arith.addi %add3A_268, %add3A_475 : i32
        %swap3A_477 = arith.constant 0 : i32
        %swap3A_478 = arith.index_cast %swap3A_477 : i32 to index
        %swap3A_479 = arith.index_cast %add3A_476 : i32 to index
        %swap3A_480 = arith.constant 48 : index
        %swap3A_481 = tpu.vector_load %arg13[%swap3A_478, %swap3A_479, %swap3A_480] {strides = array<i32>} : memref<2x40x128xf32, #tpu.memory_space<vmem>>, vector<16xf32>,
        tpu.vector_store %arg13[%swap3A_478, %swap3A_479, %swap3A_480], %mul3A_474 {strides = array<i32>} : memref<2x40x128xf32, #tpu.memory_space<vmem>>, vector<16xf32>,
        %add3A_482 = arith.constant 1 : i32
        %add3A_483 = arith.addi %add3A_268, %add3A_482 : i32
        %get3A_484 = arith.constant 0 : i32
        %get3A_485 = arith.index_cast %get3A_484 : i32 to index
        %get3A_486 = arith.index_cast %add3A_483 : i32 to index
        %get3A_487 = arith.constant 64 : index
        %get3A_488 = tpu.vector_load %arg13[%get3A_485, %get3A_486, %get3A_487] {strides = array<i32>} : memref<2x40x128xf32, #tpu.memory_space<vmem>>, vector<16xf32>,
        %mul3A_489 = arith.mulf %min3A_416, %get3A_488 : vector<16xf32>
        %add3A_490 = arith.constant 1 : i32
        %add3A_491 = arith.addi %add3A_268, %add3A_490 : i32
        %swap3A_492 = arith.constant 0 : i32
        %swap3A_493 = arith.index_cast %swap3A_492 : i32 to index
        %swap3A_494 = arith.index_cast %add3A_491 : i32 to index
        %swap3A_495 = arith.constant 64 : index
        %swap3A_496 = tpu.vector_load %arg13[%swap3A_493, %swap3A_494, %swap3A_495] {strides = array<i32>} : memref<2x40x128xf32, #tpu.memory_space<vmem>>, vector<16xf32>,
        tpu.vector_store %arg13[%swap3A_493, %swap3A_494, %swap3A_495], %mul3A_489 {strides = array<i32>} : memref<2x40x128xf32, #tpu.memory_space<vmem>>, vector<16xf32>,
        %add3A_497 = arith.constant 1 : i32
        %add3A_498 = arith.addi %add3A_268, %add3A_497 : i32
        %get3A_499 = arith.constant 0 : i32
        %get3A_500 = arith.index_cast %get3A_499 : i32 to index
        %get3A_501 = arith.index_cast %add3A_498 : i32 to index
        %get3A_502 = arith.constant 80 : index
        %get3A_503 = tpu.vector_load %arg13[%get3A_500, %get3A_501, %get3A_502] {strides = array<i32>} : memref<2x40x128xf32, #tpu.memory_space<vmem>>, vector<16xf32>,
        %mul3A_504 = arith.mulf %min3A_416, %get3A_503 : vector<16xf32>
        %add3A_505 = arith.constant 1 : i32
        %add3A_506 = arith.addi %add3A_268, %add3A_505 : i32
        %swap3A_507 = arith.constant 0 : i32
        %swap3A_508 = arith.index_cast %swap3A_507 : i32 to index
        %swap3A_509 = arith.index_cast %add3A_506 : i32 to index
        %swap3A_510 = arith.constant 80 : index
        %swap3A_511 = tpu.vector_load %arg13[%swap3A_508, %swap3A_509, %swap3A_510] {strides = array<i32>} : memref<2x40x128xf32, #tpu.memory_space<vmem>>, vector<16xf32>,
        tpu.vector_store %arg13[%swap3A_508, %swap3A_509, %swap3A_510], %mul3A_504 {strides = array<i32>} : memref<2x40x128xf32, #tpu.memory_space<vmem>>, vector<16xf32>,
        %add3A_512 = arith.constant 1 : i32
        %add3A_513 = arith.addi %add3A_268, %add3A_512 : i32
        %get3A_514 = arith.constant 0 : i32
        %get3A_515 = arith.index_cast %get3A_514 : i32 to index
        %get3A_516 = arith.index_cast %add3A_513 : i32 to index
        %get3A_517 = arith.constant 96 : index
        %get3A_518 = tpu.vector_load %arg13[%get3A_515, %get3A_516, %get3A_517] {strides = array<i32>} : memref<2x40x128xf32, #tpu.memory_space<vmem>>, vector<16xf32>,
        %mul3A_519 = arith.mulf %min3A_416, %get3A_518 : vector<16xf32>
        %add3A_520 = arith.constant 1 : i32
        %add3A_521 = arith.addi %add3A_268, %add3A_520 : i32
        %swap3A_522 = arith.constant 0 : i32
        %swap3A_523 = arith.index_cast %swap3A_522 : i32 to index
        %swap3A_524 = arith.index_cast %add3A_521 : i32 to index
        %swap3A_525 = arith.constant 96 : index
        %swap3A_526 = tpu.vector_load %arg13[%swap3A_523, %swap3A_524, %swap3A_525] {strides = array<i32>} : memref<2x40x128xf32, #tpu.memory_space<vmem>>, vector<16xf32>,
        tpu.vector_store %arg13[%swap3A_523, %swap3A_524, %swap3A_525], %mul3A_519 {strides = array<i32>} : memref<2x40x128xf32, #tpu.memory_space<vmem>>, vector<16xf32>,
        %add3A_527 = arith.constant 1 : i32
        %add3A_528 = arith.addi %add3A_268, %add3A_527 : i32
        %get3A_529 = arith.constant 0 : i32
        %get3A_530 = arith.index_cast %get3A_529 : i32 to index
        %get3A_531 = arith.index_cast %add3A_528 : i32 to index
        %get3A_532 = arith.constant 112 : index
        %get3A_533 = tpu.vector_load %arg13[%get3A_530, %get3A_531, %get3A_532] {strides = array<i32>} : memref<2x40x128xf32, #tpu.memory_space<vmem>>, vector<16xf32>,
        %mul3A_534 = arith.mulf %min3A_416, %get3A_533 : vector<16xf32>
        %add3A_535 = arith.constant 1 : i32
        %add3A_536 = arith.addi %add3A_268, %add3A_535 : i32
        %swap3A_537 = arith.constant 0 : i32
        %swap3A_538 = arith.index_cast %swap3A_537 : i32 to index
        %swap3A_539 = arith.index_cast %add3A_536 : i32 to index
        %swap3A_540 = arith.constant 112 : index
        %swap3A_541 = tpu.vector_load %arg13[%swap3A_538, %swap3A_539, %swap3A_540] {strides = array<i32>} : memref<2x40x128xf32, #tpu.memory_space<vmem>>, vector<16xf32>,
        tpu.vector_store %arg13[%swap3A_538, %swap3A_539, %swap3A_540], %mul3A_534 {strides = array<i32>} : memref<2x40x128xf32, #tpu.memory_space<vmem>>, vector<16xf32>,
        %add3A_542 = arith.constant 2 : i32
        %add3A_543 = arith.addi %add3A_268, %add3A_542 : i32
        %broadcast_in_dim3A_544 = vector.broadcast %add3A_543 : i32 to vector<16xi32>
        %gather3A_545 = arith.constant 0 : i32
        %gather3A_546 = arith.constant 0 : i32
        %gather3A_547 = tpu.memref_slice %arg11[%gather3A_545, %gather3A_546] : memref<2x40xf32, #tpu.memory_space<vmem>> -> memref<1x40xf32, #tpu.memory_space<vmem>>
        %gather3A_548 = tpu.memref_squeeze %gather3A_547 : memref<1x40xf32, #tpu.memory_space<vmem>> -> memref<40xf32, #tpu.memory_space<vmem>>
        %gather3A_549 = tpu.vector_load_idx %gather3A_548[%broadcast_in_dim3A_544] : memref<40xf32, #tpu.memory_space<vmem>>[vector<16xi32>], vector<16xf32>,
        %max3A_550 = arith.constant 0.000000e+00 : f32
        %max3A_551 = vector.broadcast %max3A_550 : f32 to vector<16xf32>
        %max3A_552 = arith.maximumf %gather3A_549, %max3A_551 : vector<16xf32>
        %min3A_553 = arith.constant 1.000000e+00 : f32
        %min3A_554 = vector.broadcast %min3A_553 : f32 to vector<16xf32>
        %min3A_555 = arith.minimumf %max3A_552, %min3A_554 : vector<16xf32>
        %gather3A_556 = arith.constant 0 : i32
        %gather3A_557 = arith.constant 0 : i32
        %gather3A_558 = tpu.memref_slice %arg10[%gather3A_556, %gather3A_557] : memref<2x40xi32, #tpu.memory_space<vmem>> -> memref<1x40xi32, #tpu.memory_space<vmem>>
        %gather3A_559 = tpu.memref_squeeze %gather3A_558 : memref<1x40xi32, #tpu.memory_space<vmem>> -> memref<40xi32, #tpu.memory_space<vmem>>
        %gather3A_560 = tpu.vector_load_idx %gather3A_559[%broadcast_in_dim3A_544] : memref<40xi32, #tpu.memory_space<vmem>>[vector<16xi32>], vector<16xi32>,
        tpu.vector_store_idx %arg14[%gather3A_560], %broadcast_in_dim3A_5 masked %eq3A_7 {add = true} : memref<10240xf32, #tpu.memory_space<vmem>>[vector<16xi32>], vector<16xf32>, vector<16xi1>
        %add3A_561 = arith.constant 2 : i32
        %add3A_562 = arith.addi %add3A_268, %add3A_561 : i32
        %get3A_563 = arith.constant 0 : i32
        %get3A_564 = arith.index_cast %get3A_563 : i32 to index
        %get3A_565 = arith.index_cast %add3A_562 : i32 to index
        %get3A_566 = arith.constant 0 : index
        %get3A_567 = tpu.vector_load %arg13[%get3A_564, %get3A_565, %get3A_566] {strides = array<i32>} : memref<2x40x128xf32, #tpu.memory_space<vmem>>, vector<16xf32>,
        %mul3A_568 = arith.mulf %min3A_555, %get3A_567 : vector<16xf32>
        %add3A_569 = arith.constant 2 : i32
        %add3A_570 = arith.addi %add3A_268, %add3A_569 : i32
        %swap3A_571 = arith.constant 0 : i32
        %swap3A_572 = arith.index_cast %swap3A_571 : i32 to index
        %swap3A_573 = arith.index_cast %add3A_570 : i32 to index
        %swap3A_574 = arith.constant 0 : index
        %swap3A_575 = tpu.vector_load %arg13[%swap3A_572, %swap3A_573, %swap3A_574] {strides = array<i32>} : memref<2x40x128xf32, #tpu.memory_space<vmem>>, vector<16xf32>,
        tpu.vector_store %arg13[%swap3A_572, %swap3A_573, %swap3A_574], %mul3A_568 {strides = array<i32>} : memref<2x40x128xf32, #tpu.memory_space<vmem>>, vector<16xf32>,
        %add3A_576 = arith.constant 2 : i32
        %add3A_577 = arith.addi %add3A_268, %add3A_576 : i32
        %get3A_578 = arith.constant 0 : i32
        %get3A_579 = arith.index_cast %get3A_578 : i32 to index
        %get3A_580 = arith.index_cast %add3A_577 : i32 to index
        %get3A_581 = arith.constant 16 : index
        %get3A_582 = tpu.vector_load %arg13[%get3A_579, %get3A_580, %get3A_581] {strides = array<i32>} : memref<2x40x128xf32, #tpu.memory_space<vmem>>, vector<16xf32>,
        %mul3A_583 = arith.mulf %min3A_555, %get3A_582 : vector<16xf32>
        %add3A_584 = arith.constant 2 : i32
        %add3A_585 = arith.addi %add3A_268, %add3A_584 : i32
        %swap3A_586 = arith.constant 0 : i32
        %swap3A_587 = arith.index_cast %swap3A_586 : i32 to index
        %swap3A_588 = arith.index_cast %add3A_585 : i32 to index
        %swap3A_589 = arith.constant 16 : index
        %swap3A_590 = tpu.vector_load %arg13[%swap3A_587, %swap3A_588, %swap3A_589] {strides = array<i32>} : memref<2x40x128xf32, #tpu.memory_space<vmem>>, vector<16xf32>,
        tpu.vector_store %arg13[%swap3A_587, %swap3A_588, %swap3A_589], %mul3A_583 {strides = array<i32>} : memref<2x40x128xf32, #tpu.memory_space<vmem>>, vector<16xf32>,
        %add3A_591 = arith.constant 2 : i32
        %add3A_592 = arith.addi %add3A_268, %add3A_591 : i32
        %get3A_593 = arith.constant 0 : i32
        %get3A_594 = arith.index_cast %get3A_593 : i32 to index
        %get3A_595 = arith.index_cast %add3A_592 : i32 to index
        %get3A_596 = arith.constant 32 : index
        %get3A_597 = tpu.vector_load %arg13[%get3A_594, %get3A_595, %get3A_596] {strides = array<i32>} : memref<2x40x128xf32, #tpu.memory_space<vmem>>, vector<16xf32>,
        %mul3A_598 = arith.mulf %min3A_555, %get3A_597 : vector<16xf32>
        %add3A_599 = arith.constant 2 : i32
        %add3A_600 = arith.addi %add3A_268, %add3A_599 : i32
        %swap3A_601 = arith.constant 0 : i32
        %swap3A_602 = arith.index_cast %swap3A_601 : i32 to index
        %swap3A_603 = arith.index_cast %add3A_600 : i32 to index
        %swap3A_604 = arith.constant 32 : index
        %swap3A_605 = tpu.vector_load %arg13[%swap3A_602, %swap3A_603, %swap3A_604] {strides = array<i32>} : memref<2x40x128xf32, #tpu.memory_space<vmem>>, vector<16xf32>,
        tpu.vector_store %arg13[%swap3A_602, %swap3A_603, %swap3A_604], %mul3A_598 {strides = array<i32>} : memref<2x40x128xf32, #tpu.memory_space<vmem>>, vector<16xf32>,
        %add3A_606 = arith.constant 2 : i32
        %add3A_607 = arith.addi %add3A_268, %add3A_606 : i32
        %get3A_608 = arith.constant 0 : i32
        %get3A_609 = arith.index_cast %get3A_608 : i32 to index
        %get3A_610 = arith.index_cast %add3A_607 : i32 to index
        %get3A_611 = arith.constant 48 : index
        %get3A_612 = tpu.vector_load %arg13[%get3A_609, %get3A_610, %get3A_611] {strides = array<i32>} : memref<2x40x128xf32, #tpu.memory_space<vmem>>, vector<16xf32>,
        %mul3A_613 = arith.mulf %min3A_555, %get3A_612 : vector<16xf32>
        %add3A_614 = arith.constant 2 : i32
        %add3A_615 = arith.addi %add3A_268, %add3A_614 : i32
        %swap3A_616 = arith.constant 0 : i32
        %swap3A_617 = arith.index_cast %swap3A_616 : i32 to index
        %swap3A_618 = arith.index_cast %add3A_615 : i32 to index
        %swap3A_619 = arith.constant 48 : index
        %swap3A_620 = tpu.vector_load %arg13[%swap3A_617, %swap3A_618, %swap3A_619] {strides = array<i32>} : memref<2x40x128xf32, #tpu.memory_space<vmem>>, vector<16xf32>,
        tpu.vector_store %arg13[%swap3A_617, %swap3A_618, %swap3A_619], %mul3A_613 {strides = array<i32>} : memref<2x40x128xf32, #tpu.memory_space<vmem>>, vector<16xf32>,
        %add3A_621 = arith.constant 2 : i32
        %add3A_622 = arith.addi %add3A_268, %add3A_621 : i32
        %get3A_623 = arith.constant 0 : i32
        %get3A_624 = arith.index_cast %get3A_623 : i32 to index
        %get3A_625 = arith.index_cast %add3A_622 : i32 to index
        %get3A_626 = arith.constant 64 : index
        %get3A_627 = tpu.vector_load %arg13[%get3A_624, %get3A_625, %get3A_626] {strides = array<i32>} : memref<2x40x128xf32, #tpu.memory_space<vmem>>, vector<16xf32>,
        %mul3A_628 = arith.mulf %min3A_555, %get3A_627 : vector<16xf32>
        %add3A_629 = arith.constant 2 : i32
        %add3A_630 = arith.addi %add3A_268, %add3A_629 : i32
        %swap3A_631 = arith.constant 0 : i32
        %swap3A_632 = arith.index_cast %swap3A_631 : i32 to index
        %swap3A_633 = arith.index_cast %add3A_630 : i32 to index
        %swap3A_634 = arith.constant 64 : index
        %swap3A_635 = tpu.vector_load %arg13[%swap3A_632, %swap3A_633, %swap3A_634] {strides = array<i32>} : memref<2x40x128xf32, #tpu.memory_space<vmem>>, vector<16xf32>,
        tpu.vector_store %arg13[%swap3A_632, %swap3A_633, %swap3A_634], %mul3A_628 {strides = array<i32>} : memref<2x40x128xf32, #tpu.memory_space<vmem>>, vector<16xf32>,
        %add3A_636 = arith.constant 2 : i32
        %add3A_637 = arith.addi %add3A_268, %add3A_636 : i32
        %get3A_638 = arith.constant 0 : i32
        %get3A_639 = arith.index_cast %get3A_638 : i32 to index
        %get3A_640 = arith.index_cast %add3A_637 : i32 to index
        %get3A_641 = arith.constant 80 : index
        %get3A_642 = tpu.vector_load %arg13[%get3A_639, %get3A_640, %get3A_641] {strides = array<i32>} : memref<2x40x128xf32, #tpu.memory_space<vmem>>, vector<16xf32>,
        %mul3A_643 = arith.mulf %min3A_555, %get3A_642 : vector<16xf32>
        %add3A_644 = arith.constant 2 : i32
        %add3A_645 = arith.addi %add3A_268, %add3A_644 : i32
        %swap3A_646 = arith.constant 0 : i32
        %swap3A_647 = arith.index_cast %swap3A_646 : i32 to index
        %swap3A_648 = arith.index_cast %add3A_645 : i32 to index
        %swap3A_649 = arith.constant 80 : index
        %swap3A_650 = tpu.vector_load %arg13[%swap3A_647, %swap3A_648, %swap3A_649] {strides = array<i32>} : memref<2x40x128xf32, #tpu.memory_space<vmem>>, vector<16xf32>,
        tpu.vector_store %arg13[%swap3A_647, %swap3A_648, %swap3A_649], %mul3A_643 {strides = array<i32>} : memref<2x40x128xf32, #tpu.memory_space<vmem>>, vector<16xf32>,
        %add3A_651 = arith.constant 2 : i32
        %add3A_652 = arith.addi %add3A_268, %add3A_651 : i32
        %get3A_653 = arith.constant 0 : i32
        %get3A_654 = arith.index_cast %get3A_653 : i32 to index
        %get3A_655 = arith.index_cast %add3A_652 : i32 to index
        %get3A_656 = arith.constant 96 : index
        %get3A_657 = tpu.vector_load %arg13[%get3A_654, %get3A_655, %get3A_656] {strides = array<i32>} : memref<2x40x128xf32, #tpu.memory_space<vmem>>, vector<16xf32>,
        %mul3A_658 = arith.mulf %min3A_555, %get3A_657 : vector<16xf32>
        %add3A_659 = arith.constant 2 : i32
        %add3A_660 = arith.addi %add3A_268, %add3A_659 : i32
        %swap3A_661 = arith.constant 0 : i32
        %swap3A_662 = arith.index_cast %swap3A_661 : i32 to index
        %swap3A_663 = arith.index_cast %add3A_660 : i32 to index
        %swap3A_664 = arith.constant 96 : index
        %swap3A_665 = tpu.vector_load %arg13[%swap3A_662, %swap3A_663, %swap3A_664] {strides = array<i32>} : memref<2x40x128xf32, #tpu.memory_space<vmem>>, vector<16xf32>,
        tpu.vector_store %arg13[%swap3A_662, %swap3A_663, %swap3A_664], %mul3A_658 {strides = array<i32>} : memref<2x40x128xf32, #tpu.memory_space<vmem>>, vector<16xf32>,
        %add3A_666 = arith.constant 2 : i32
        %add3A_667 = arith.addi %add3A_268, %add3A_666 : i32
        %get3A_668 = arith.constant 0 : i32
        %get3A_669 = arith.index_cast %get3A_668 : i32 to index
        %get3A_670 = arith.index_cast %add3A_667 : i32 to index
        %get3A_671 = arith.constant 112 : index
        %get3A_672 = tpu.vector_load %arg13[%get3A_669, %get3A_670, %get3A_671] {strides = array<i32>} : memref<2x40x128xf32, #tpu.memory_space<vmem>>, vector<16xf32>,
        %mul3A_673 = arith.mulf %min3A_555, %get3A_672 : vector<16xf32>
        %add3A_674 = arith.constant 2 : i32
        %add3A_675 = arith.addi %add3A_268, %add3A_674 : i32
        %swap3A_676 = arith.constant 0 : i32
        %swap3A_677 = arith.index_cast %swap3A_676 : i32 to index
        %swap3A_678 = arith.index_cast %add3A_675 : i32 to index
        %swap3A_679 = arith.constant 112 : index
        %swap3A_680 = tpu.vector_load %arg13[%swap3A_677, %swap3A_678, %swap3A_679] {strides = array<i32>} : memref<2x40x128xf32, #tpu.memory_space<vmem>>, vector<16xf32>,
        tpu.vector_store %arg13[%swap3A_677, %swap3A_678, %swap3A_679], %mul3A_673 {strides = array<i32>} : memref<2x40x128xf32, #tpu.memory_space<vmem>>, vector<16xf32>,
        %add3A_681 = arith.constant 3 : i32
        %add3A_682 = arith.addi %add3A_268, %add3A_681 : i32
        %broadcast_in_dim3A_683 = vector.broadcast %add3A_682 : i32 to vector<16xi32>
        %gather3A_684 = arith.constant 0 : i32
        %gather3A_685 = arith.constant 0 : i32
        %gather3A_686 = tpu.memref_slice %arg11[%gather3A_684, %gather3A_685] : memref<2x40xf32, #tpu.memory_space<vmem>> -> memref<1x40xf32, #tpu.memory_space<vmem>>
        %gather3A_687 = tpu.memref_squeeze %gather3A_686 : memref<1x40xf32, #tpu.memory_space<vmem>> -> memref<40xf32, #tpu.memory_space<vmem>>
        %gather3A_688 = tpu.vector_load_idx %gather3A_687[%broadcast_in_dim3A_683] : memref<40xf32, #tpu.memory_space<vmem>>[vector<16xi32>], vector<16xf32>,
        %max3A_689 = arith.constant 0.000000e+00 : f32
        %max3A_690 = vector.broadcast %max3A_689 : f32 to vector<16xf32>
        %max3A_691 = arith.maximumf %gather3A_688, %max3A_690 : vector<16xf32>
        %min3A_692 = arith.constant 1.000000e+00 : f32
        %min3A_693 = vector.broadcast %min3A_692 : f32 to vector<16xf32>
        %min3A_694 = arith.minimumf %max3A_691, %min3A_693 : vector<16xf32>
        %gather3A_695 = arith.constant 0 : i32
        %gather3A_696 = arith.constant 0 : i32
        %gather3A_697 = tpu.memref_slice %arg10[%gather3A_695, %gather3A_696] : memref<2x40xi32, #tpu.memory_space<vmem>> -> memref<1x40xi32, #tpu.memory_space<vmem>>
        %gather3A_698 = tpu.memref_squeeze %gather3A_697 : memref<1x40xi32, #tpu.memory_space<vmem>> -> memref<40xi32, #tpu.memory_space<vmem>>
        %gather3A_699 = tpu.vector_load_idx %gather3A_698[%broadcast_in_dim3A_683] : memref<40xi32, #tpu.memory_space<vmem>>[vector<16xi32>], vector<16xi32>,
        tpu.vector_store_idx %arg14[%gather3A_699], %broadcast_in_dim3A_5 masked %eq3A_7 {add = true} : memref<10240xf32, #tpu.memory_space<vmem>>[vector<16xi32>], vector<16xf32>, vector<16xi1>
        %add3A_700 = arith.constant 3 : i32
        %add3A_701 = arith.addi %add3A_268, %add3A_700 : i32
        %get3A_702 = arith.constant 0 : i32
        %get3A_703 = arith.index_cast %get3A_702 : i32 to index
        %get3A_704 = arith.index_cast %add3A_701 : i32 to index
        %get3A_705 = arith.constant 0 : index
        %get3A_706 = tpu.vector_load %arg13[%get3A_703, %get3A_704, %get3A_705] {strides = array<i32>} : memref<2x40x128xf32, #tpu.memory_space<vmem>>, vector<16xf32>,
        %mul3A_707 = arith.mulf %min3A_694, %get3A_706 : vector<16xf32>
        %add3A_708 = arith.constant 3 : i32
        %add3A_709 = arith.addi %add3A_268, %add3A_708 : i32
        %swap3A_710 = arith.constant 0 : i32
        %swap3A_711 = arith.index_cast %swap3A_710 : i32 to index
        %swap3A_712 = arith.index_cast %add3A_709 : i32 to index
        %swap3A_713 = arith.constant 0 : index
        %swap3A_714 = tpu.vector_load %arg13[%swap3A_711, %swap3A_712, %swap3A_713] {strides = array<i32>} : memref<2x40x128xf32, #tpu.memory_space<vmem>>, vector<16xf32>,
        tpu.vector_store %arg13[%swap3A_711, %swap3A_712, %swap3A_713], %mul3A_707 {strides = array<i32>} : memref<2x40x128xf32, #tpu.memory_space<vmem>>, vector<16xf32>,
        %add3A_715 = arith.constant 3 : i32
        %add3A_716 = arith.addi %add3A_268, %add3A_715 : i32
        %get3A_717 = arith.constant 0 : i32
        %get3A_718 = arith.index_cast %get3A_717 : i32 to index
        %get3A_719 = arith.index_cast %add3A_716 : i32 to index
        %get3A_720 = arith.constant 16 : index
        %get3A_721 = tpu.vector_load %arg13[%get3A_718, %get3A_719, %get3A_720] {strides = array<i32>} : memref<2x40x128xf32, #tpu.memory_space<vmem>>, vector<16xf32>,
        %mul3A_722 = arith.mulf %min3A_694, %get3A_721 : vector<16xf32>
        %add3A_723 = arith.constant 3 : i32
        %add3A_724 = arith.addi %add3A_268, %add3A_723 : i32
        %swap3A_725 = arith.constant 0 : i32
        %swap3A_726 = arith.index_cast %swap3A_725 : i32 to index
        %swap3A_727 = arith.index_cast %add3A_724 : i32 to index
        %swap3A_728 = arith.constant 16 : index
        %swap3A_729 = tpu.vector_load %arg13[%swap3A_726, %swap3A_727, %swap3A_728] {strides = array<i32>} : memref<2x40x128xf32, #tpu.memory_space<vmem>>, vector<16xf32>,
        tpu.vector_store %arg13[%swap3A_726, %swap3A_727, %swap3A_728], %mul3A_722 {strides = array<i32>} : memref<2x40x128xf32, #tpu.memory_space<vmem>>, vector<16xf32>,
        %add3A_730 = arith.constant 3 : i32
        %add3A_731 = arith.addi %add3A_268, %add3A_730 : i32
        %get3A_732 = arith.constant 0 : i32
        %get3A_733 = arith.index_cast %get3A_732 : i32 to index
        %get3A_734 = arith.index_cast %add3A_731 : i32 to index
        %get3A_735 = arith.constant 32 : index
        %get3A_736 = tpu.vector_load %arg13[%get3A_733, %get3A_734, %get3A_735] {strides = array<i32>} : memref<2x40x128xf32, #tpu.memory_space<vmem>>, vector<16xf32>,
        %mul3A_737 = arith.mulf %min3A_694, %get3A_736 : vector<16xf32>
        %add3A_738 = arith.constant 3 : i32
        %add3A_739 = arith.addi %add3A_268, %add3A_738 : i32
        %swap3A_740 = arith.constant 0 : i32
        %swap3A_741 = arith.index_cast %swap3A_740 : i32 to index
        %swap3A_742 = arith.index_cast %add3A_739 : i32 to index
        %swap3A_743 = arith.constant 32 : index
        %swap3A_744 = tpu.vector_load %arg13[%swap3A_741, %swap3A_742, %swap3A_743] {strides = array<i32>} : memref<2x40x128xf32, #tpu.memory_space<vmem>>, vector<16xf32>,
        tpu.vector_store %arg13[%swap3A_741, %swap3A_742, %swap3A_743], %mul3A_737 {strides = array<i32>} : memref<2x40x128xf32, #tpu.memory_space<vmem>>, vector<16xf32>,
        %add3A_745 = arith.constant 3 : i32
        %add3A_746 = arith.addi %add3A_268, %add3A_745 : i32
        %get3A_747 = arith.constant 0 : i32
        %get3A_748 = arith.index_cast %get3A_747 : i32 to index
        %get3A_749 = arith.index_cast %add3A_746 : i32 to index
        %get3A_750 = arith.constant 48 : index
        %get3A_751 = tpu.vector_load %arg13[%get3A_748, %get3A_749, %get3A_750] {strides = array<i32>} : memref<2x40x128xf32, #tpu.memory_space<vmem>>, vector<16xf32>,
        %mul3A_752 = arith.mulf %min3A_694, %get3A_751 : vector<16xf32>
        %add3A_753 = arith.constant 3 : i32
        %add3A_754 = arith.addi %add3A_268, %add3A_753 : i32
        %swap3A_755 = arith.constant 0 : i32
        %swap3A_756 = arith.index_cast %swap3A_755 : i32 to index
        %swap3A_757 = arith.index_cast %add3A_754 : i32 to index
        %swap3A_758 = arith.constant 48 : index
        %swap3A_759 = tpu.vector_load %arg13[%swap3A_756, %swap3A_757, %swap3A_758] {strides = array<i32>} : memref<2x40x128xf32, #tpu.memory_space<vmem>>, vector<16xf32>,
        tpu.vector_store %arg13[%swap3A_756, %swap3A_757, %swap3A_758], %mul3A_752 {strides = array<i32>} : memref<2x40x128xf32, #tpu.memory_space<vmem>>, vector<16xf32>,
        %add3A_760 = arith.constant 3 : i32
        %add3A_761 = arith.addi %add3A_268, %add3A_760 : i32
        %get3A_762 = arith.constant 0 : i32
        %get3A_763 = arith.index_cast %get3A_762 : i32 to index
        %get3A_764 = arith.index_cast %add3A_761 : i32 to index
        %get3A_765 = arith.constant 64 : index
        %get3A_766 = tpu.vector_load %arg13[%get3A_763, %get3A_764, %get3A_765] {strides = array<i32>} : memref<2x40x128xf32, #tpu.memory_space<vmem>>, vector<16xf32>,
        %mul3A_767 = arith.mulf %min3A_694, %get3A_766 : vector<16xf32>
        %add3A_768 = arith.constant 3 : i32
        %add3A_769 = arith.addi %add3A_268, %add3A_768 : i32
        %swap3A_770 = arith.constant 0 : i32
        %swap3A_771 = arith.index_cast %swap3A_770 : i32 to index
        %swap3A_772 = arith.index_cast %add3A_769 : i32 to index
        %swap3A_773 = arith.constant 64 : index
        %swap3A_774 = tpu.vector_load %arg13[%swap3A_771, %swap3A_772, %swap3A_773] {strides = array<i32>} : memref<2x40x128xf32, #tpu.memory_space<vmem>>, vector<16xf32>,
        tpu.vector_store %arg13[%swap3A_771, %swap3A_772, %swap3A_773], %mul3A_767 {strides = array<i32>} : memref<2x40x128xf32, #tpu.memory_space<vmem>>, vector<16xf32>,
        %add3A_775 = arith.constant 3 : i32
        %add3A_776 = arith.addi %add3A_268, %add3A_775 : i32
        %get3A_777 = arith.constant 0 : i32
        %get3A_778 = arith.index_cast %get3A_777 : i32 to index
        %get3A_779 = arith.index_cast %add3A_776 : i32 to index
        %get3A_780 = arith.constant 80 : index
        %get3A_781 = tpu.vector_load %arg13[%get3A_778, %get3A_779, %get3A_780] {strides = array<i32>} : memref<2x40x128xf32, #tpu.memory_space<vmem>>, vector<16xf32>,
        %mul3A_782 = arith.mulf %min3A_694, %get3A_781 : vector<16xf32>
        %add3A_783 = arith.constant 3 : i32
        %add3A_784 = arith.addi %add3A_268, %add3A_783 : i32
        %swap3A_785 = arith.constant 0 : i32
        %swap3A_786 = arith.index_cast %swap3A_785 : i32 to index
        %swap3A_787 = arith.index_cast %add3A_784 : i32 to index
        %swap3A_788 = arith.constant 80 : index
        %swap3A_789 = tpu.vector_load %arg13[%swap3A_786, %swap3A_787, %swap3A_788] {strides = array<i32>} : memref<2x40x128xf32, #tpu.memory_space<vmem>>, vector<16xf32>,
        tpu.vector_store %arg13[%swap3A_786, %swap3A_787, %swap3A_788], %mul3A_782 {strides = array<i32>} : memref<2x40x128xf32, #tpu.memory_space<vmem>>, vector<16xf32>,
        %add3A_790 = arith.constant 3 : i32
        %add3A_791 = arith.addi %add3A_268, %add3A_790 : i32
        %get3A_792 = arith.constant 0 : i32
        %get3A_793 = arith.index_cast %get3A_792 : i32 to index
        %get3A_794 = arith.index_cast %add3A_791 : i32 to index
        %get3A_795 = arith.constant 96 : index
        %get3A_796 = tpu.vector_load %arg13[%get3A_793, %get3A_794, %get3A_795] {strides = array<i32>} : memref<2x40x128xf32, #tpu.memory_space<vmem>>, vector<16xf32>,
        %mul3A_797 = arith.mulf %min3A_694, %get3A_796 : vector<16xf32>
        %add3A_798 = arith.constant 3 : i32
        %add3A_799 = arith.addi %add3A_268, %add3A_798 : i32
        %swap3A_800 = arith.constant 0 : i32
        %swap3A_801 = arith.index_cast %swap3A_800 : i32 to index
        %swap3A_802 = arith.index_cast %add3A_799 : i32 to index
        %swap3A_803 = arith.constant 96 : index
        %swap3A_804 = tpu.vector_load %arg13[%swap3A_801, %swap3A_802, %swap3A_803] {strides = array<i32>} : memref<2x40x128xf32, #tpu.memory_space<vmem>>, vector<16xf32>,
        tpu.vector_store %arg13[%swap3A_801, %swap3A_802, %swap3A_803], %mul3A_797 {strides = array<i32>} : memref<2x40x128xf32, #tpu.memory_space<vmem>>, vector<16xf32>,
        %add3A_805 = arith.constant 3 : i32
        %add3A_806 = arith.addi %add3A_268, %add3A_805 : i32
        %get3A_807 = arith.constant 0 : i32
        %get3A_808 = arith.index_cast %get3A_807 : i32 to index
        %get3A_809 = arith.index_cast %add3A_806 : i32 to index
        %get3A_810 = arith.constant 112 : index
        %get3A_811 = tpu.vector_load %arg13[%get3A_808, %get3A_809, %get3A_810] {strides = array<i32>} : memref<2x40x128xf32, #tpu.memory_space<vmem>>, vector<16xf32>,
        %mul3A_812 = arith.mulf %min3A_694, %get3A_811 : vector<16xf32>
        %add3A_813 = arith.constant 3 : i32
        %add3A_814 = arith.addi %add3A_268, %add3A_813 : i32
        %swap3A_815 = arith.constant 0 : i32
        %swap3A_816 = arith.index_cast %swap3A_815 : i32 to index
        %swap3A_817 = arith.index_cast %add3A_814 : i32 to index
        %swap3A_818 = arith.constant 112 : index
        %swap3A_819 = tpu.vector_load %arg13[%swap3A_816, %swap3A_817, %swap3A_818] {strides = array<i32>} : memref<2x40x128xf32, #tpu.memory_space<vmem>>, vector<16xf32>,
        tpu.vector_store %arg13[%swap3A_816, %swap3A_817, %swap3A_818], %mul3A_812 {strides = array<i32>} : memref<2x40x128xf32, #tpu.memory_space<vmem>>, vector<16xf32>,
        %add3A_820 = arith.constant 4 : i32
        %add3A_821 = arith.addi %add3A_268, %add3A_820 : i32
        %broadcast_in_dim3A_822 = vector.broadcast %add3A_821 : i32 to vector<16xi32>
        %gather3A_823 = arith.constant 0 : i32
        %gather3A_824 = arith.constant 0 : i32
        %gather3A_825 = tpu.memref_slice %arg11[%gather3A_823, %gather3A_824] : memref<2x40xf32, #tpu.memory_space<vmem>> -> memref<1x40xf32, #tpu.memory_space<vmem>>
        %gather3A_826 = tpu.memref_squeeze %gather3A_825 : memref<1x40xf32, #tpu.memory_space<vmem>> -> memref<40xf32, #tpu.memory_space<vmem>>
        %gather3A_827 = tpu.vector_load_idx %gather3A_826[%broadcast_in_dim3A_822] : memref<40xf32, #tpu.memory_space<vmem>>[vector<16xi32>], vector<16xf32>,
        %max3A_828 = arith.constant 0.000000e+00 : f32
        %max3A_829 = vector.broadcast %max3A_828 : f32 to vector<16xf32>
        %max3A_830 = arith.maximumf %gather3A_827, %max3A_829 : vector<16xf32>
        %min3A_831 = arith.constant 1.000000e+00 : f32
        %min3A_832 = vector.broadcast %min3A_831 : f32 to vector<16xf32>
        %min3A_833 = arith.minimumf %max3A_830, %min3A_832 : vector<16xf32>
        %gather3A_834 = arith.constant 0 : i32
        %gather3A_835 = arith.constant 0 : i32
        %gather3A_836 = tpu.memref_slice %arg10[%gather3A_834, %gather3A_835] : memref<2x40xi32, #tpu.memory_space<vmem>> -> memref<1x40xi32, #tpu.memory_space<vmem>>
        %gather3A_837 = tpu.memref_squeeze %gather3A_836 : memref<1x40xi32, #tpu.memory_space<vmem>> -> memref<40xi32, #tpu.memory_space<vmem>>
        %gather3A_838 = tpu.vector_load_idx %gather3A_837[%broadcast_in_dim3A_822] : memref<40xi32, #tpu.memory_space<vmem>>[vector<16xi32>], vector<16xi32>,
        tpu.vector_store_idx %arg14[%gather3A_838], %broadcast_in_dim3A_5 masked %eq3A_7 {add = true} : memref<10240xf32, #tpu.memory_space<vmem>>[vector<16xi32>], vector<16xf32>, vector<16xi1>
        %add3A_839 = arith.constant 4 : i32
        %add3A_840 = arith.addi %add3A_268, %add3A_839 : i32
        %get3A_841 = arith.constant 0 : i32
        %get3A_842 = arith.index_cast %get3A_841 : i32 to index
        %get3A_843 = arith.index_cast %add3A_840 : i32 to index
        %get3A_844 = arith.constant 0 : index
        %get3A_845 = tpu.vector_load %arg13[%get3A_842, %get3A_843, %get3A_844] {strides = array<i32>} : memref<2x40x128xf32, #tpu.memory_space<vmem>>, vector<16xf32>,
        %mul3A_846 = arith.mulf %min3A_833, %get3A_845 : vector<16xf32>
        %add3A_847 = arith.constant 4 : i32
        %add3A_848 = arith.addi %add3A_268, %add3A_847 : i32
        %swap3A_849 = arith.constant 0 : i32
        %swap3A_850 = arith.index_cast %swap3A_849 : i32 to index
        %swap3A_851 = arith.index_cast %add3A_848 : i32 to index
        %swap3A_852 = arith.constant 0 : index
        %swap3A_853 = tpu.vector_load %arg13[%swap3A_850, %swap3A_851, %swap3A_852] {strides = array<i32>} : memref<2x40x128xf32, #tpu.memory_space<vmem>>, vector<16xf32>,
        tpu.vector_store %arg13[%swap3A_850, %swap3A_851, %swap3A_852], %mul3A_846 {strides = array<i32>} : memref<2x40x128xf32, #tpu.memory_space<vmem>>, vector<16xf32>,
        %add3A_854 = arith.constant 4 : i32
        %add3A_855 = arith.addi %add3A_268, %add3A_854 : i32
        %get3A_856 = arith.constant 0 : i32
        %get3A_857 = arith.index_cast %get3A_856 : i32 to index
        %get3A_858 = arith.index_cast %add3A_855 : i32 to index
        %get3A_859 = arith.constant 16 : index
        %get3A_860 = tpu.vector_load %arg13[%get3A_857, %get3A_858, %get3A_859] {strides = array<i32>} : memref<2x40x128xf32, #tpu.memory_space<vmem>>, vector<16xf32>,
        %mul3A_861 = arith.mulf %min3A_833, %get3A_860 : vector<16xf32>
        %add3A_862 = arith.constant 4 : i32
        %add3A_863 = arith.addi %add3A_268, %add3A_862 : i32
        %swap3A_864 = arith.constant 0 : i32
        %swap3A_865 = arith.index_cast %swap3A_864 : i32 to index
        %swap3A_866 = arith.index_cast %add3A_863 : i32 to index
        %swap3A_867 = arith.constant 16 : index
        %swap3A_868 = tpu.vector_load %arg13[%swap3A_865, %swap3A_866, %swap3A_867] {strides = array<i32>} : memref<2x40x128xf32, #tpu.memory_space<vmem>>, vector<16xf32>,
        tpu.vector_store %arg13[%swap3A_865, %swap3A_866, %swap3A_867], %mul3A_861 {strides = array<i32>} : memref<2x40x128xf32, #tpu.memory_space<vmem>>, vector<16xf32>,
        %add3A_869 = arith.constant 4 : i32
        %add3A_870 = arith.addi %add3A_268, %add3A_869 : i32
        %get3A_871 = arith.constant 0 : i32
        %get3A_872 = arith.index_cast %get3A_871 : i32 to index
        %get3A_873 = arith.index_cast %add3A_870 : i32 to index
        %get3A_874 = arith.constant 32 : index
        %get3A_875 = tpu.vector_load %arg13[%get3A_872, %get3A_873, %get3A_874] {strides = array<i32>} : memref<2x40x128xf32, #tpu.memory_space<vmem>>, vector<16xf32>,
        %mul3A_876 = arith.mulf %min3A_833, %get3A_875 : vector<16xf32>
        %add3A_877 = arith.constant 4 : i32
        %add3A_878 = arith.addi %add3A_268, %add3A_877 : i32
        %swap3A_879 = arith.constant 0 : i32
        %swap3A_880 = arith.index_cast %swap3A_879 : i32 to index
        %swap3A_881 = arith.index_cast %add3A_878 : i32 to index
        %swap3A_882 = arith.constant 32 : index
        %swap3A_883 = tpu.vector_load %arg13[%swap3A_880, %swap3A_881, %swap3A_882] {strides = array<i32>} : memref<2x40x128xf32, #tpu.memory_space<vmem>>, vector<16xf32>,
        tpu.vector_store %arg13[%swap3A_880, %swap3A_881, %swap3A_882], %mul3A_876 {strides = array<i32>} : memref<2x40x128xf32, #tpu.memory_space<vmem>>, vector<16xf32>,
        %add3A_884 = arith.constant 4 : i32
        %add3A_885 = arith.addi %add3A_268, %add3A_884 : i32
        %get3A_886 = arith.constant 0 : i32
        %get3A_887 = arith.index_cast %get3A_886 : i32 to index
        %get3A_888 = arith.index_cast %add3A_885 : i32 to index
        %get3A_889 = arith.constant 48 : index
        %get3A_890 = tpu.vector_load %arg13[%get3A_887, %get3A_888, %get3A_889] {strides = array<i32>} : memref<2x40x128xf32, #tpu.memory_space<vmem>>, vector<16xf32>,
        %mul3A_891 = arith.mulf %min3A_833, %get3A_890 : vector<16xf32>
        %add3A_892 = arith.constant 4 : i32
        %add3A_893 = arith.addi %add3A_268, %add3A_892 : i32
        %swap3A_894 = arith.constant 0 : i32
        %swap3A_895 = arith.index_cast %swap3A_894 : i32 to index
        %swap3A_896 = arith.index_cast %add3A_893 : i32 to index
        %swap3A_897 = arith.constant 48 : index
        %swap3A_898 = tpu.vector_load %arg13[%swap3A_895, %swap3A_896, %swap3A_897] {strides = array<i32>} : memref<2x40x128xf32, #tpu.memory_space<vmem>>, vector<16xf32>,
        tpu.vector_store %arg13[%swap3A_895, %swap3A_896, %swap3A_897], %mul3A_891 {strides = array<i32>} : memref<2x40x128xf32, #tpu.memory_space<vmem>>, vector<16xf32>,
        %add3A_899 = arith.constant 4 : i32
        %add3A_900 = arith.addi %add3A_268, %add3A_899 : i32
        %get3A_901 = arith.constant 0 : i32
        %get3A_902 = arith.index_cast %get3A_901 : i32 to index
        %get3A_903 = arith.index_cast %add3A_900 : i32 to index
        %get3A_904 = arith.constant 64 : index
        %get3A_905 = tpu.vector_load %arg13[%get3A_902, %get3A_903, %get3A_904] {strides = array<i32>} : memref<2x40x128xf32, #tpu.memory_space<vmem>>, vector<16xf32>,
        %mul3A_906 = arith.mulf %min3A_833, %get3A_905 : vector<16xf32>
        %add3A_907 = arith.constant 4 : i32
        %add3A_908 = arith.addi %add3A_268, %add3A_907 : i32
        %swap3A_909 = arith.constant 0 : i32
        %swap3A_910 = arith.index_cast %swap3A_909 : i32 to index
        %swap3A_911 = arith.index_cast %add3A_908 : i32 to index
        %swap3A_912 = arith.constant 64 : index
        %swap3A_913 = tpu.vector_load %arg13[%swap3A_910, %swap3A_911, %swap3A_912] {strides = array<i32>} : memref<2x40x128xf32, #tpu.memory_space<vmem>>, vector<16xf32>,
        tpu.vector_store %arg13[%swap3A_910, %swap3A_911, %swap3A_912], %mul3A_906 {strides = array<i32>} : memref<2x40x128xf32, #tpu.memory_space<vmem>>, vector<16xf32>,
        %add3A_914 = arith.constant 4 : i32
        %add3A_915 = arith.addi %add3A_268, %add3A_914 : i32
        %get3A_916 = arith.constant 0 : i32
        %get3A_917 = arith.index_cast %get3A_916 : i32 to index
        %get3A_918 = arith.index_cast %add3A_915 : i32 to index
        %get3A_919 = arith.constant 80 : index
        %get3A_920 = tpu.vector_load %arg13[%get3A_917, %get3A_918, %get3A_919] {strides = array<i32>} : memref<2x40x128xf32, #tpu.memory_space<vmem>>, vector<16xf32>,
        %mul3A_921 = arith.mulf %min3A_833, %get3A_920 : vector<16xf32>
        %add3A_922 = arith.constant 4 : i32
        %add3A_923 = arith.addi %add3A_268, %add3A_922 : i32
        %swap3A_924 = arith.constant 0 : i32
        %swap3A_925 = arith.index_cast %swap3A_924 : i32 to index
        %swap3A_926 = arith.index_cast %add3A_923 : i32 to index
        %swap3A_927 = arith.constant 80 : index
        %swap3A_928 = tpu.vector_load %arg13[%swap3A_925, %swap3A_926, %swap3A_927] {strides = array<i32>} : memref<2x40x128xf32, #tpu.memory_space<vmem>>, vector<16xf32>,
        tpu.vector_store %arg13[%swap3A_925, %swap3A_926, %swap3A_927], %mul3A_921 {strides = array<i32>} : memref<2x40x128xf32, #tpu.memory_space<vmem>>, vector<16xf32>,
        %add3A_929 = arith.constant 4 : i32
        %add3A_930 = arith.addi %add3A_268, %add3A_929 : i32
        %get3A_931 = arith.constant 0 : i32
        %get3A_932 = arith.index_cast %get3A_931 : i32 to index
        %get3A_933 = arith.index_cast %add3A_930 : i32 to index
        %get3A_934 = arith.constant 96 : index
        %get3A_935 = tpu.vector_load %arg13[%get3A_932, %get3A_933, %get3A_934] {strides = array<i32>} : memref<2x40x128xf32, #tpu.memory_space<vmem>>, vector<16xf32>,
        %mul3A_936 = arith.mulf %min3A_833, %get3A_935 : vector<16xf32>
        %add3A_937 = arith.constant 4 : i32
        %add3A_938 = arith.addi %add3A_268, %add3A_937 : i32
        %swap3A_939 = arith.constant 0 : i32
        %swap3A_940 = arith.index_cast %swap3A_939 : i32 to index
        %swap3A_941 = arith.index_cast %add3A_938 : i32 to index
        %swap3A_942 = arith.constant 96 : index
        %swap3A_943 = tpu.vector_load %arg13[%swap3A_940, %swap3A_941, %swap3A_942] {strides = array<i32>} : memref<2x40x128xf32, #tpu.memory_space<vmem>>, vector<16xf32>,
        tpu.vector_store %arg13[%swap3A_940, %swap3A_941, %swap3A_942], %mul3A_936 {strides = array<i32>} : memref<2x40x128xf32, #tpu.memory_space<vmem>>, vector<16xf32>,
        %add3A_944 = arith.constant 4 : i32
        %add3A_945 = arith.addi %add3A_268, %add3A_944 : i32
        %get3A_946 = arith.constant 0 : i32
        %get3A_947 = arith.index_cast %get3A_946 : i32 to index
        %get3A_948 = arith.index_cast %add3A_945 : i32 to index
        %get3A_949 = arith.constant 112 : index
        %get3A_950 = tpu.vector_load %arg13[%get3A_947, %get3A_948, %get3A_949] {strides = array<i32>} : memref<2x40x128xf32, #tpu.memory_space<vmem>>, vector<16xf32>,
        %mul3A_951 = arith.mulf %min3A_833, %get3A_950 : vector<16xf32>
        %add3A_952 = arith.constant 4 : i32
        %add3A_953 = arith.addi %add3A_268, %add3A_952 : i32
        %swap3A_954 = arith.constant 0 : i32
        %swap3A_955 = arith.index_cast %swap3A_954 : i32 to index
        %swap3A_956 = arith.index_cast %add3A_953 : i32 to index
        %swap3A_957 = arith.constant 112 : index
        %swap3A_958 = tpu.vector_load %arg13[%swap3A_955, %swap3A_956, %swap3A_957] {strides = array<i32>} : memref<2x40x128xf32, #tpu.memory_space<vmem>>, vector<16xf32>,
        tpu.vector_store %arg13[%swap3A_955, %swap3A_956, %swap3A_957], %mul3A_951 {strides = array<i32>} : memref<2x40x128xf32, #tpu.memory_space<vmem>>, vector<16xf32>,
        %add3A_959 = arith.constant 5 : i32
        %add3A_960 = arith.addi %add3A_268, %add3A_959 : i32
        %broadcast_in_dim3A_961 = vector.broadcast %add3A_960 : i32 to vector<16xi32>
        %gather3A_962 = arith.constant 0 : i32
        %gather3A_963 = arith.constant 0 : i32
        %gather3A_964 = tpu.memref_slice %arg11[%gather3A_962, %gather3A_963] : memref<2x40xf32, #tpu.memory_space<vmem>> -> memref<1x40xf32, #tpu.memory_space<vmem>>
        %gather3A_965 = tpu.memref_squeeze %gather3A_964 : memref<1x40xf32, #tpu.memory_space<vmem>> -> memref<40xf32, #tpu.memory_space<vmem>>
        %gather3A_966 = tpu.vector_load_idx %gather3A_965[%broadcast_in_dim3A_961] : memref<40xf32, #tpu.memory_space<vmem>>[vector<16xi32>], vector<16xf32>,
        %max3A_967 = arith.constant 0.000000e+00 : f32
        %max3A_968 = vector.broadcast %max3A_967 : f32 to vector<16xf32>
        %max3A_969 = arith.maximumf %gather3A_966, %max3A_968 : vector<16xf32>
        %min3A_970 = arith.constant 1.000000e+00 : f32
        %min3A_971 = vector.broadcast %min3A_970 : f32 to vector<16xf32>
        %min3A_972 = arith.minimumf %max3A_969, %min3A_971 : vector<16xf32>
        %gather3A_973 = arith.constant 0 : i32
        %gather3A_974 = arith.constant 0 : i32
        %gather3A_975 = tpu.memref_slice %arg10[%gather3A_973, %gather3A_974] : memref<2x40xi32, #tpu.memory_space<vmem>> -> memref<1x40xi32, #tpu.memory_space<vmem>>
        %gather3A_976 = tpu.memref_squeeze %gather3A_975 : memref<1x40xi32, #tpu.memory_space<vmem>> -> memref<40xi32, #tpu.memory_space<vmem>>
        %gather3A_977 = tpu.vector_load_idx %gather3A_976[%broadcast_in_dim3A_961] : memref<40xi32, #tpu.memory_space<vmem>>[vector<16xi32>], vector<16xi32>,
        tpu.vector_store_idx %arg14[%gather3A_977], %broadcast_in_dim3A_5 masked %eq3A_7 {add = true} : memref<10240xf32, #tpu.memory_space<vmem>>[vector<16xi32>], vector<16xf32>, vector<16xi1>
        %add3A_978 = arith.constant 5 : i32
        %add3A_979 = arith.addi %add3A_268, %add3A_978 : i32
        %get3A_980 = arith.constant 0 : i32
        %get3A_981 = arith.index_cast %get3A_980 : i32 to index
        %get3A_982 = arith.index_cast %add3A_979 : i32 to index
        %get3A_983 = arith.constant 0 : index
        %get3A_984 = tpu.vector_load %arg13[%get3A_981, %get3A_982, %get3A_983] {strides = array<i32>} : memref<2x40x128xf32, #tpu.memory_space<vmem>>, vector<16xf32>,
        %mul3A_985 = arith.mulf %min3A_972, %get3A_984 : vector<16xf32>
        %add3A_986 = arith.constant 5 : i32
        %add3A_987 = arith.addi %add3A_268, %add3A_986 : i32
        %swap3A_988 = arith.constant 0 : i32
        %swap3A_989 = arith.index_cast %swap3A_988 : i32 to index
        %swap3A_990 = arith.index_cast %add3A_987 : i32 to index
        %swap3A_991 = arith.constant 0 : index
        %swap3A_992 = tpu.vector_load %arg13[%swap3A_989, %swap3A_990, %swap3A_991] {strides = array<i32>} : memref<2x40x128xf32, #tpu.memory_space<vmem>>, vector<16xf32>,
        tpu.vector_store %arg13[%swap3A_989, %swap3A_990, %swap3A_991], %mul3A_985 {strides = array<i32>} : memref<2x40x128xf32, #tpu.memory_space<vmem>>, vector<16xf32>,
        %add3A_993 = arith.constant 5 : i32
        %add3A_994 = arith.addi %add3A_268, %add3A_993 : i32
        %get3A_995 = arith.constant 0 : i32
        %get3A_996 = arith.index_cast %get3A_995 : i32 to index
        %get3A_997 = arith.index_cast %add3A_994 : i32 to index
        %get3A_998 = arith.constant 16 : index
        %get3A_999 = tpu.vector_load %arg13[%get3A_996, %get3A_997, %get3A_998] {strides = array<i32>} : memref<2x40x128xf32, #tpu.memory_space<vmem>>, vector<16xf32>,
        %mul3A_1000 = arith.mulf %min3A_972, %get3A_999 : vector<16xf32>
        %add3A_1001 = arith.constant 5 : i32
        %add3A_1002 = arith.addi %add3A_268, %add3A_1001 : i32
        %swap3A_1003 = arith.constant 0 : i32
        %swap3A_1004 = arith.index_cast %swap3A_1003 : i32 to index
        %swap3A_1005 = arith.index_cast %add3A_1002 : i32 to index
        %swap3A_1006 = arith.constant 16 : index
        %swap3A_1007 = tpu.vector_load %arg13[%swap3A_1004, %swap3A_1005, %swap3A_1006] {strides = array<i32>} : memref<2x40x128xf32, #tpu.memory_space<vmem>>, vector<16xf32>,
        tpu.vector_store %arg13[%swap3A_1004, %swap3A_1005, %swap3A_1006], %mul3A_1000 {strides = array<i32>} : memref<2x40x128xf32, #tpu.memory_space<vmem>>, vector<16xf32>,
        %add3A_1008 = arith.constant 5 : i32
        %add3A_1009 = arith.addi %add3A_268, %add3A_1008 : i32
        %get3A_1010 = arith.constant 0 : i32
        %get3A_1011 = arith.index_cast %get3A_1010 : i32 to index
        %get3A_1012 = arith.index_cast %add3A_1009 : i32 to index
        %get3A_1013 = arith.constant 32 : index
        %get3A_1014 = tpu.vector_load %arg13[%get3A_1011, %get3A_1012, %get3A_1013] {strides = array<i32>} : memref<2x40x128xf32, #tpu.memory_space<vmem>>, vector<16xf32>,
        %mul3A_1015 = arith.mulf %min3A_972, %get3A_1014 : vector<16xf32>
        %add3A_1016 = arith.constant 5 : i32
        %add3A_1017 = arith.addi %add3A_268, %add3A_1016 : i32
        %swap3A_1018 = arith.constant 0 : i32
        %swap3A_1019 = arith.index_cast %swap3A_1018 : i32 to index
        %swap3A_1020 = arith.index_cast %add3A_1017 : i32 to index
        %swap3A_1021 = arith.constant 32 : index
        %swap3A_1022 = tpu.vector_load %arg13[%swap3A_1019, %swap3A_1020, %swap3A_1021] {strides = array<i32>} : memref<2x40x128xf32, #tpu.memory_space<vmem>>, vector<16xf32>,
        tpu.vector_store %arg13[%swap3A_1019, %swap3A_1020, %swap3A_1021], %mul3A_1015 {strides = array<i32>} : memref<2x40x128xf32, #tpu.memory_space<vmem>>, vector<16xf32>,
        %add3A_1023 = arith.constant 5 : i32
        %add3A_1024 = arith.addi %add3A_268, %add3A_1023 : i32
        %get3A_1025 = arith.constant 0 : i32
        %get3A_1026 = arith.index_cast %get3A_1025 : i32 to index
        %get3A_1027 = arith.index_cast %add3A_1024 : i32 to index
        %get3A_1028 = arith.constant 48 : index
        %get3A_1029 = tpu.vector_load %arg13[%get3A_1026, %get3A_1027, %get3A_1028] {strides = array<i32>} : memref<2x40x128xf32, #tpu.memory_space<vmem>>, vector<16xf32>,
        %mul3A_1030 = arith.mulf %min3A_972, %get3A_1029 : vector<16xf32>
        %add3A_1031 = arith.constant 5 : i32
        %add3A_1032 = arith.addi %add3A_268, %add3A_1031 : i32
        %swap3A_1033 = arith.constant 0 : i32
        %swap3A_1034 = arith.index_cast %swap3A_1033 : i32 to index
        %swap3A_1035 = arith.index_cast %add3A_1032 : i32 to index
        %swap3A_1036 = arith.constant 48 : index
        %swap3A_1037 = tpu.vector_load %arg13[%swap3A_1034, %swap3A_1035, %swap3A_1036] {strides = array<i32>} : memref<2x40x128xf32, #tpu.memory_space<vmem>>, vector<16xf32>,
        tpu.vector_store %arg13[%swap3A_1034, %swap3A_1035, %swap3A_1036], %mul3A_1030 {strides = array<i32>} : memref<2x40x128xf32, #tpu.memory_space<vmem>>, vector<16xf32>,
        %add3A_1038 = arith.constant 5 : i32
        %add3A_1039 = arith.addi %add3A_268, %add3A_1038 : i32
        %get3A_1040 = arith.constant 0 : i32
        %get3A_1041 = arith.index_cast %get3A_1040 : i32 to index
        %get3A_1042 = arith.index_cast %add3A_1039 : i32 to index
        %get3A_1043 = arith.constant 64 : index
        %get3A_1044 = tpu.vector_load %arg13[%get3A_1041, %get3A_1042, %get3A_1043] {strides = array<i32>} : memref<2x40x128xf32, #tpu.memory_space<vmem>>, vector<16xf32>,
        %mul3A_1045 = arith.mulf %min3A_972, %get3A_1044 : vector<16xf32>
        %add3A_1046 = arith.constant 5 : i32
        %add3A_1047 = arith.addi %add3A_268, %add3A_1046 : i32
        %swap3A_1048 = arith.constant 0 : i32
        %swap3A_1049 = arith.index_cast %swap3A_1048 : i32 to index
        %swap3A_1050 = arith.index_cast %add3A_1047 : i32 to index
        %swap3A_1051 = arith.constant 64 : index
        %swap3A_1052 = tpu.vector_load %arg13[%swap3A_1049, %swap3A_1050, %swap3A_1051] {strides = array<i32>} : memref<2x40x128xf32, #tpu.memory_space<vmem>>, vector<16xf32>,
        tpu.vector_store %arg13[%swap3A_1049, %swap3A_1050, %swap3A_1051], %mul3A_1045 {strides = array<i32>} : memref<2x40x128xf32, #tpu.memory_space<vmem>>, vector<16xf32>,
        %add3A_1053 = arith.constant 5 : i32
        %add3A_1054 = arith.addi %add3A_268, %add3A_1053 : i32
        %get3A_1055 = arith.constant 0 : i32
        %get3A_1056 = arith.index_cast %get3A_1055 : i32 to index
        %get3A_1057 = arith.index_cast %add3A_1054 : i32 to index
        %get3A_1058 = arith.constant 80 : index
        %get3A_1059 = tpu.vector_load %arg13[%get3A_1056, %get3A_1057, %get3A_1058] {strides = array<i32>} : memref<2x40x128xf32, #tpu.memory_space<vmem>>, vector<16xf32>,
        %mul3A_1060 = arith.mulf %min3A_972, %get3A_1059 : vector<16xf32>
        %add3A_1061 = arith.constant 5 : i32
        %add3A_1062 = arith.addi %add3A_268, %add3A_1061 : i32
        %swap3A_1063 = arith.constant 0 : i32
        %swap3A_1064 = arith.index_cast %swap3A_1063 : i32 to index
        %swap3A_1065 = arith.index_cast %add3A_1062 : i32 to index
        %swap3A_1066 = arith.constant 80 : index
        %swap3A_1067 = tpu.vector_load %arg13[%swap3A_1064, %swap3A_1065, %swap3A_1066] {strides = array<i32>} : memref<2x40x128xf32, #tpu.memory_space<vmem>>, vector<16xf32>,
        tpu.vector_store %arg13[%swap3A_1064, %swap3A_1065, %swap3A_1066], %mul3A_1060 {strides = array<i32>} : memref<2x40x128xf32, #tpu.memory_space<vmem>>, vector<16xf32>,
        %add3A_1068 = arith.constant 5 : i32
        %add3A_1069 = arith.addi %add3A_268, %add3A_1068 : i32
        %get3A_1070 = arith.constant 0 : i32
        %get3A_1071 = arith.index_cast %get3A_1070 : i32 to index
        %get3A_1072 = arith.index_cast %add3A_1069 : i32 to index
        %get3A_1073 = arith.constant 96 : index
        %get3A_1074 = tpu.vector_load %arg13[%get3A_1071, %get3A_1072, %get3A_1073] {strides = array<i32>} : memref<2x40x128xf32, #tpu.memory_space<vmem>>, vector<16xf32>,
        %mul3A_1075 = arith.mulf %min3A_972, %get3A_1074 : vector<16xf32>
        %add3A_1076 = arith.constant 5 : i32
        %add3A_1077 = arith.addi %add3A_268, %add3A_1076 : i32
        %swap3A_1078 = arith.constant 0 : i32
        %swap3A_1079 = arith.index_cast %swap3A_1078 : i32 to index
        %swap3A_1080 = arith.index_cast %add3A_1077 : i32 to index
        %swap3A_1081 = arith.constant 96 : index
        %swap3A_1082 = tpu.vector_load %arg13[%swap3A_1079, %swap3A_1080, %swap3A_1081] {strides = array<i32>} : memref<2x40x128xf32, #tpu.memory_space<vmem>>, vector<16xf32>,
        tpu.vector_store %arg13[%swap3A_1079, %swap3A_1080, %swap3A_1081], %mul3A_1075 {strides = array<i32>} : memref<2x40x128xf32, #tpu.memory_space<vmem>>, vector<16xf32>,
        %add3A_1083 = arith.constant 5 : i32
        %add3A_1084 = arith.addi %add3A_268, %add3A_1083 : i32
        %get3A_1085 = arith.constant 0 : i32
        %get3A_1086 = arith.index_cast %get3A_1085 : i32 to index
        %get3A_1087 = arith.index_cast %add3A_1084 : i32 to index
        %get3A_1088 = arith.constant 112 : index
        %get3A_1089 = tpu.vector_load %arg13[%get3A_1086, %get3A_1087, %get3A_1088] {strides = array<i32>} : memref<2x40x128xf32, #tpu.memory_space<vmem>>, vector<16xf32>,
        %mul3A_1090 = arith.mulf %min3A_972, %get3A_1089 : vector<16xf32>
        %add3A_1091 = arith.constant 5 : i32
        %add3A_1092 = arith.addi %add3A_268, %add3A_1091 : i32
        %swap3A_1093 = arith.constant 0 : i32
        %swap3A_1094 = arith.index_cast %swap3A_1093 : i32 to index
        %swap3A_1095 = arith.index_cast %add3A_1092 : i32 to index
        %swap3A_1096 = arith.constant 112 : index
        %swap3A_1097 = tpu.vector_load %arg13[%swap3A_1094, %swap3A_1095, %swap3A_1096] {strides = array<i32>} : memref<2x40x128xf32, #tpu.memory_space<vmem>>, vector<16xf32>,
        tpu.vector_store %arg13[%swap3A_1094, %swap3A_1095, %swap3A_1096], %mul3A_1090 {strides = array<i32>} : memref<2x40x128xf32, #tpu.memory_space<vmem>>, vector<16xf32>,
        %add3A_1098 = arith.constant 6 : i32
        %add3A_1099 = arith.addi %add3A_268, %add3A_1098 : i32
        %broadcast_in_dim3A_1100 = vector.broadcast %add3A_1099 : i32 to vector<16xi32>
        %gather3A_1101 = arith.constant 0 : i32
        %gather3A_1102 = arith.constant 0 : i32
        %gather3A_1103 = tpu.memref_slice %arg11[%gather3A_1101, %gather3A_1102] : memref<2x40xf32, #tpu.memory_space<vmem>> -> memref<1x40xf32, #tpu.memory_space<vmem>>
        %gather3A_1104 = tpu.memref_squeeze %gather3A_1103 : memref<1x40xf32, #tpu.memory_space<vmem>> -> memref<40xf32, #tpu.memory_space<vmem>>
        %gather3A_1105 = tpu.vector_load_idx %gather3A_1104[%broadcast_in_dim3A_1100] : memref<40xf32, #tpu.memory_space<vmem>>[vector<16xi32>], vector<16xf32>,
        %max3A_1106 = arith.constant 0.000000e+00 : f32
        %max3A_1107 = vector.broadcast %max3A_1106 : f32 to vector<16xf32>
        %max3A_1108 = arith.maximumf %gather3A_1105, %max3A_1107 : vector<16xf32>
        %min3A_1109 = arith.constant 1.000000e+00 : f32
        %min3A_1110 = vector.broadcast %min3A_1109 : f32 to vector<16xf32>
        %min3A_1111 = arith.minimumf %max3A_1108, %min3A_1110 : vector<16xf32>
        %gather3A_1112 = arith.constant 0 : i32
        %gather3A_1113 = arith.constant 0 : i32
        %gather3A_1114 = tpu.memref_slice %arg10[%gather3A_1112, %gather3A_1113] : memref<2x40xi32, #tpu.memory_space<vmem>> -> memref<1x40xi32, #tpu.memory_space<vmem>>
        %gather3A_1115 = tpu.memref_squeeze %gather3A_1114 : memref<1x40xi32, #tpu.memory_space<vmem>> -> memref<40xi32, #tpu.memory_space<vmem>>
        %gather3A_1116 = tpu.vector_load_idx %gather3A_1115[%broadcast_in_dim3A_1100] : memref<40xi32, #tpu.memory_space<vmem>>[vector<16xi32>], vector<16xi32>,
        tpu.vector_store_idx %arg14[%gather3A_1116], %broadcast_in_dim3A_5 masked %eq3A_7 {add = true} : memref<10240xf32, #tpu.memory_space<vmem>>[vector<16xi32>], vector<16xf32>, vector<16xi1>
        %add3A_1117 = arith.constant 6 : i32
        %add3A_1118 = arith.addi %add3A_268, %add3A_1117 : i32
        %get3A_1119 = arith.constant 0 : i32
        %get3A_1120 = arith.index_cast %get3A_1119 : i32 to index
        %get3A_1121 = arith.index_cast %add3A_1118 : i32 to index
        %get3A_1122 = arith.constant 0 : index
        %get3A_1123 = tpu.vector_load %arg13[%get3A_1120, %get3A_1121, %get3A_1122] {strides = array<i32>} : memref<2x40x128xf32, #tpu.memory_space<vmem>>, vector<16xf32>,
        %mul3A_1124 = arith.mulf %min3A_1111, %get3A_1123 : vector<16xf32>
        %add3A_1125 = arith.constant 6 : i32
        %add3A_1126 = arith.addi %add3A_268, %add3A_1125 : i32
        %swap3A_1127 = arith.constant 0 : i32
        %swap3A_1128 = arith.index_cast %swap3A_1127 : i32 to index
        %swap3A_1129 = arith.index_cast %add3A_1126 : i32 to index
        %swap3A_1130 = arith.constant 0 : index
        %swap3A_1131 = tpu.vector_load %arg13[%swap3A_1128, %swap3A_1129, %swap3A_1130] {strides = array<i32>} : memref<2x40x128xf32, #tpu.memory_space<vmem>>, vector<16xf32>,
        tpu.vector_store %arg13[%swap3A_1128, %swap3A_1129, %swap3A_1130], %mul3A_1124 {strides = array<i32>} : memref<2x40x128xf32, #tpu.memory_space<vmem>>, vector<16xf32>,
        %add3A_1132 = arith.constant 6 : i32
        %add3A_1133 = arith.addi %add3A_268, %add3A_1132 : i32
        %get3A_1134 = arith.constant 0 : i32
        %get3A_1135 = arith.index_cast %get3A_1134 : i32 to index
        %get3A_1136 = arith.index_cast %add3A_1133 : i32 to index
        %get3A_1137 = arith.constant 16 : index
        %get3A_1138 = tpu.vector_load %arg13[%get3A_1135, %get3A_1136, %get3A_1137] {strides = array<i32>} : memref<2x40x128xf32, #tpu.memory_space<vmem>>, vector<16xf32>,
        %mul3A_1139 = arith.mulf %min3A_1111, %get3A_1138 : vector<16xf32>
        %add3A_1140 = arith.constant 6 : i32
        %add3A_1141 = arith.addi %add3A_268, %add3A_1140 : i32
        %swap3A_1142 = arith.constant 0 : i32
        %swap3A_1143 = arith.index_cast %swap3A_1142 : i32 to index
        %swap3A_1144 = arith.index_cast %add3A_1141 : i32 to index
        %swap3A_1145 = arith.constant 16 : index
        %swap3A_1146 = tpu.vector_load %arg13[%swap3A_1143, %swap3A_1144, %swap3A_1145] {strides = array<i32>} : memref<2x40x128xf32, #tpu.memory_space<vmem>>, vector<16xf32>,
        tpu.vector_store %arg13[%swap3A_1143, %swap3A_1144, %swap3A_1145], %mul3A_1139 {strides = array<i32>} : memref<2x40x128xf32, #tpu.memory_space<vmem>>, vector<16xf32>,
        %add3A_1147 = arith.constant 6 : i32
        %add3A_1148 = arith.addi %add3A_268, %add3A_1147 : i32
        %get3A_1149 = arith.constant 0 : i32
        %get3A_1150 = arith.index_cast %get3A_1149 : i32 to index
        %get3A_1151 = arith.index_cast %add3A_1148 : i32 to index
        %get3A_1152 = arith.constant 32 : index
        %get3A_1153 = tpu.vector_load %arg13[%get3A_1150, %get3A_1151, %get3A_1152] {strides = array<i32>} : memref<2x40x128xf32, #tpu.memory_space<vmem>>, vector<16xf32>,
        %mul3A_1154 = arith.mulf %min3A_1111, %get3A_1153 : vector<16xf32>
        %add3A_1155 = arith.constant 6 : i32
        %add3A_1156 = arith.addi %add3A_268, %add3A_1155 : i32
        %swap3A_1157 = arith.constant 0 : i32
        %swap3A_1158 = arith.index_cast %swap3A_1157 : i32 to index
        %swap3A_1159 = arith.index_cast %add3A_1156 : i32 to index
        %swap3A_1160 = arith.constant 32 : index
        %swap3A_1161 = tpu.vector_load %arg13[%swap3A_1158, %swap3A_1159, %swap3A_1160] {strides = array<i32>} : memref<2x40x128xf32, #tpu.memory_space<vmem>>, vector<16xf32>,
        tpu.vector_store %arg13[%swap3A_1158, %swap3A_1159, %swap3A_1160], %mul3A_1154 {strides = array<i32>} : memref<2x40x128xf32, #tpu.memory_space<vmem>>, vector<16xf32>,
        %add3A_1162 = arith.constant 6 : i32
        %add3A_1163 = arith.addi %add3A_268, %add3A_1162 : i32
        %get3A_1164 = arith.constant 0 : i32
        %get3A_1165 = arith.index_cast %get3A_1164 : i32 to index
        %get3A_1166 = arith.index_cast %add3A_1163 : i32 to index
        %get3A_1167 = arith.constant 48 : index
        %get3A_1168 = tpu.vector_load %arg13[%get3A_1165, %get3A_1166, %get3A_1167] {strides = array<i32>} : memref<2x40x128xf32, #tpu.memory_space<vmem>>, vector<16xf32>,
        %mul3A_1169 = arith.mulf %min3A_1111, %get3A_1168 : vector<16xf32>
        %add3A_1170 = arith.constant 6 : i32
        %add3A_1171 = arith.addi %add3A_268, %add3A_1170 : i32
        %swap3A_1172 = arith.constant 0 : i32
        %swap3A_1173 = arith.index_cast %swap3A_1172 : i32 to index
        %swap3A_1174 = arith.index_cast %add3A_1171 : i32 to index
        %swap3A_1175 = arith.constant 48 : index
        %swap3A_1176 = tpu.vector_load %arg13[%swap3A_1173, %swap3A_1174, %swap3A_1175] {strides = array<i32>} : memref<2x40x128xf32, #tpu.memory_space<vmem>>, vector<16xf32>,
        tpu.vector_store %arg13[%swap3A_1173, %swap3A_1174, %swap3A_1175], %mul3A_1169 {strides = array<i32>} : memref<2x40x128xf32, #tpu.memory_space<vmem>>, vector<16xf32>,
        %add3A_1177 = arith.constant 6 : i32
        %add3A_1178 = arith.addi %add3A_268, %add3A_1177 : i32
        %get3A_1179 = arith.constant 0 : i32
        %get3A_1180 = arith.index_cast %get3A_1179 : i32 to index
        %get3A_1181 = arith.index_cast %add3A_1178 : i32 to index
        %get3A_1182 = arith.constant 64 : index
        %get3A_1183 = tpu.vector_load %arg13[%get3A_1180, %get3A_1181, %get3A_1182] {strides = array<i32>} : memref<2x40x128xf32, #tpu.memory_space<vmem>>, vector<16xf32>,
        %mul3A_1184 = arith.mulf %min3A_1111, %get3A_1183 : vector<16xf32>
        %add3A_1185 = arith.constant 6 : i32
        %add3A_1186 = arith.addi %add3A_268, %add3A_1185 : i32
        %swap3A_1187 = arith.constant 0 : i32
        %swap3A_1188 = arith.index_cast %swap3A_1187 : i32 to index
        %swap3A_1189 = arith.index_cast %add3A_1186 : i32 to index
        %swap3A_1190 = arith.constant 64 : index
        %swap3A_1191 = tpu.vector_load %arg13[%swap3A_1188, %swap3A_1189, %swap3A_1190] {strides = array<i32>} : memref<2x40x128xf32, #tpu.memory_space<vmem>>, vector<16xf32>,
        tpu.vector_store %arg13[%swap3A_1188, %swap3A_1189, %swap3A_1190], %mul3A_1184 {strides = array<i32>} : memref<2x40x128xf32, #tpu.memory_space<vmem>>, vector<16xf32>,
        %add3A_1192 = arith.constant 6 : i32
        %add3A_1193 = arith.addi %add3A_268, %add3A_1192 : i32
        %get3A_1194 = arith.constant 0 : i32
        %get3A_1195 = arith.index_cast %get3A_1194 : i32 to index
        %get3A_1196 = arith.index_cast %add3A_1193 : i32 to index
        %get3A_1197 = arith.constant 80 : index
        %get3A_1198 = tpu.vector_load %arg13[%get3A_1195, %get3A_1196, %get3A_1197] {strides = array<i32>} : memref<2x40x128xf32, #tpu.memory_space<vmem>>, vector<16xf32>,
        %mul3A_1199 = arith.mulf %min3A_1111, %get3A_1198 : vector<16xf32>
        %add3A_1200 = arith.constant 6 : i32
        %add3A_1201 = arith.addi %add3A_268, %add3A_1200 : i32
        %swap3A_1202 = arith.constant 0 : i32
        %swap3A_1203 = arith.index_cast %swap3A_1202 : i32 to index
        %swap3A_1204 = arith.index_cast %add3A_1201 : i32 to index
        %swap3A_1205 = arith.constant 80 : index
        %swap3A_1206 = tpu.vector_load %arg13[%swap3A_1203, %swap3A_1204, %swap3A_1205] {strides = array<i32>} : memref<2x40x128xf32, #tpu.memory_space<vmem>>, vector<16xf32>,
        tpu.vector_store %arg13[%swap3A_1203, %swap3A_1204, %swap3A_1205], %mul3A_1199 {strides = array<i32>} : memref<2x40x128xf32, #tpu.memory_space<vmem>>, vector<16xf32>,
        %add3A_1207 = arith.constant 6 : i32
        %add3A_1208 = arith.addi %add3A_268, %add3A_1207 : i32
        %get3A_1209 = arith.constant 0 : i32
        %get3A_1210 = arith.index_cast %get3A_1209 : i32 to index
        %get3A_1211 = arith.index_cast %add3A_1208 : i32 to index
        %get3A_1212 = arith.constant 96 : index
        %get3A_1213 = tpu.vector_load %arg13[%get3A_1210, %get3A_1211, %get3A_1212] {strides = array<i32>} : memref<2x40x128xf32, #tpu.memory_space<vmem>>, vector<16xf32>,
        %mul3A_1214 = arith.mulf %min3A_1111, %get3A_1213 : vector<16xf32>
        %add3A_1215 = arith.constant 6 : i32
        %add3A_1216 = arith.addi %add3A_268, %add3A_1215 : i32
        %swap3A_1217 = arith.constant 0 : i32
        %swap3A_1218 = arith.index_cast %swap3A_1217 : i32 to index
        %swap3A_1219 = arith.index_cast %add3A_1216 : i32 to index
        %swap3A_1220 = arith.constant 96 : index
        %swap3A_1221 = tpu.vector_load %arg13[%swap3A_1218, %swap3A_1219, %swap3A_1220] {strides = array<i32>} : memref<2x40x128xf32, #tpu.memory_space<vmem>>, vector<16xf32>,
        tpu.vector_store %arg13[%swap3A_1218, %swap3A_1219, %swap3A_1220], %mul3A_1214 {strides = array<i32>} : memref<2x40x128xf32, #tpu.memory_space<vmem>>, vector<16xf32>,
        %add3A_1222 = arith.constant 6 : i32
        %add3A_1223 = arith.addi %add3A_268, %add3A_1222 : i32
        %get3A_1224 = arith.constant 0 : i32
        %get3A_1225 = arith.index_cast %get3A_1224 : i32 to index
        %get3A_1226 = arith.index_cast %add3A_1223 : i32 to index
        %get3A_1227 = arith.constant 112 : index
        %get3A_1228 = tpu.vector_load %arg13[%get3A_1225, %get3A_1226, %get3A_1227] {strides = array<i32>} : memref<2x40x128xf32, #tpu.memory_space<vmem>>, vector<16xf32>,
        %mul3A_1229 = arith.mulf %min3A_1111, %get3A_1228 : vector<16xf32>
        %add3A_1230 = arith.constant 6 : i32
        %add3A_1231 = arith.addi %add3A_268, %add3A_1230 : i32
        %swap3A_1232 = arith.constant 0 : i32
        %swap3A_1233 = arith.index_cast %swap3A_1232 : i32 to index
        %swap3A_1234 = arith.index_cast %add3A_1231 : i32 to index
        %swap3A_1235 = arith.constant 112 : index
        %swap3A_1236 = tpu.vector_load %arg13[%swap3A_1233, %swap3A_1234, %swap3A_1235] {strides = array<i32>} : memref<2x40x128xf32, #tpu.memory_space<vmem>>, vector<16xf32>,
        tpu.vector_store %arg13[%swap3A_1233, %swap3A_1234, %swap3A_1235], %mul3A_1229 {strides = array<i32>} : memref<2x40x128xf32, #tpu.memory_space<vmem>>, vector<16xf32>,
        %add3A_1237 = arith.constant 7 : i32
        %add3A_1238 = arith.addi %add3A_268, %add3A_1237 : i32
        %broadcast_in_dim3A_1239 = vector.broadcast %add3A_1238 : i32 to vector<16xi32>
        %gather3A_1240 = arith.constant 0 : i32
        %gather3A_1241 = arith.constant 0 : i32
        %gather3A_1242 = tpu.memref_slice %arg11[%gather3A_1240, %gather3A_1241] : memref<2x40xf32, #tpu.memory_space<vmem>> -> memref<1x40xf32, #tpu.memory_space<vmem>>
        %gather3A_1243 = tpu.memref_squeeze %gather3A_1242 : memref<1x40xf32, #tpu.memory_space<vmem>> -> memref<40xf32, #tpu.memory_space<vmem>>
        %gather3A_1244 = tpu.vector_load_idx %gather3A_1243[%broadcast_in_dim3A_1239] : memref<40xf32, #tpu.memory_space<vmem>>[vector<16xi32>], vector<16xf32>,
        %max3A_1245 = arith.constant 0.000000e+00 : f32
        %max3A_1246 = vector.broadcast %max3A_1245 : f32 to vector<16xf32>
        %max3A_1247 = arith.maximumf %gather3A_1244, %max3A_1246 : vector<16xf32>
        %min3A_1248 = arith.constant 1.000000e+00 : f32
        %min3A_1249 = vector.broadcast %min3A_1248 : f32 to vector<16xf32>
        %min3A_1250 = arith.minimumf %max3A_1247, %min3A_1249 : vector<16xf32>
        %gather3A_1251 = arith.constant 0 : i32
        %gather3A_1252 = arith.constant 0 : i32
        %gather3A_1253 = tpu.memref_slice %arg10[%gather3A_1251, %gather3A_1252] : memref<2x40xi32, #tpu.memory_space<vmem>> -> memref<1x40xi32, #tpu.memory_space<vmem>>
        %gather3A_1254 = tpu.memref_squeeze %gather3A_1253 : memref<1x40xi32, #tpu.memory_space<vmem>> -> memref<40xi32, #tpu.memory_space<vmem>>
        %gather3A_1255 = tpu.vector_load_idx %gather3A_1254[%broadcast_in_dim3A_1239] : memref<40xi32, #tpu.memory_space<vmem>>[vector<16xi32>], vector<16xi32>,
        tpu.vector_store_idx %arg14[%gather3A_1255], %broadcast_in_dim3A_5 masked %eq3A_7 {add = true} : memref<10240xf32, #tpu.memory_space<vmem>>[vector<16xi32>], vector<16xf32>, vector<16xi1>
        %add3A_1256 = arith.constant 7 : i32
        %add3A_1257 = arith.addi %add3A_268, %add3A_1256 : i32
        %get3A_1258 = arith.constant 0 : i32
        %get3A_1259 = arith.index_cast %get3A_1258 : i32 to index
        %get3A_1260 = arith.index_cast %add3A_1257 : i32 to index
        %get3A_1261 = arith.constant 0 : index
        %get3A_1262 = tpu.vector_load %arg13[%get3A_1259, %get3A_1260, %get3A_1261] {strides = array<i32>} : memref<2x40x128xf32, #tpu.memory_space<vmem>>, vector<16xf32>,
        %mul3A_1263 = arith.mulf %min3A_1250, %get3A_1262 : vector<16xf32>
        %add3A_1264 = arith.constant 7 : i32
        %add3A_1265 = arith.addi %add3A_268, %add3A_1264 : i32
        %swap3A_1266 = arith.constant 0 : i32
        %swap3A_1267 = arith.index_cast %swap3A_1266 : i32 to index
        %swap3A_1268 = arith.index_cast %add3A_1265 : i32 to index
        %swap3A_1269 = arith.constant 0 : index
        %swap3A_1270 = tpu.vector_load %arg13[%swap3A_1267, %swap3A_1268, %swap3A_1269] {strides = array<i32>} : memref<2x40x128xf32, #tpu.memory_space<vmem>>, vector<16xf32>,
        tpu.vector_store %arg13[%swap3A_1267, %swap3A_1268, %swap3A_1269], %mul3A_1263 {strides = array<i32>} : memref<2x40x128xf32, #tpu.memory_space<vmem>>, vector<16xf32>,
        %add3A_1271 = arith.constant 7 : i32
        %add3A_1272 = arith.addi %add3A_268, %add3A_1271 : i32
        %get3A_1273 = arith.constant 0 : i32
        %get3A_1274 = arith.index_cast %get3A_1273 : i32 to index
        %get3A_1275 = arith.index_cast %add3A_1272 : i32 to index
        %get3A_1276 = arith.constant 16 : index
        %get3A_1277 = tpu.vector_load %arg13[%get3A_1274, %get3A_1275, %get3A_1276] {strides = array<i32>} : memref<2x40x128xf32, #tpu.memory_space<vmem>>, vector<16xf32>,
        %mul3A_1278 = arith.mulf %min3A_1250, %get3A_1277 : vector<16xf32>
        %add3A_1279 = arith.constant 7 : i32
        %add3A_1280 = arith.addi %add3A_268, %add3A_1279 : i32
        %swap3A_1281 = arith.constant 0 : i32
        %swap3A_1282 = arith.index_cast %swap3A_1281 : i32 to index
        %swap3A_1283 = arith.index_cast %add3A_1280 : i32 to index
        %swap3A_1284 = arith.constant 16 : index
        %swap3A_1285 = tpu.vector_load %arg13[%swap3A_1282, %swap3A_1283, %swap3A_1284] {strides = array<i32>} : memref<2x40x128xf32, #tpu.memory_space<vmem>>, vector<16xf32>,
        tpu.vector_store %arg13[%swap3A_1282, %swap3A_1283, %swap3A_1284], %mul3A_1278 {strides = array<i32>} : memref<2x40x128xf32, #tpu.memory_space<vmem>>, vector<16xf32>,
        %add3A_1286 = arith.constant 7 : i32
        %add3A_1287 = arith.addi %add3A_268, %add3A_1286 : i32
        %get3A_1288 = arith.constant 0 : i32
        %get3A_1289 = arith.index_cast %get3A_1288 : i32 to index
        %get3A_1290 = arith.index_cast %add3A_1287 : i32 to index
        %get3A_1291 = arith.constant 32 : index
        %get3A_1292 = tpu.vector_load %arg13[%get3A_1289, %get3A_1290, %get3A_1291] {strides = array<i32>} : memref<2x40x128xf32, #tpu.memory_space<vmem>>, vector<16xf32>,
        %mul3A_1293 = arith.mulf %min3A_1250, %get3A_1292 : vector<16xf32>
        %add3A_1294 = arith.constant 7 : i32
        %add3A_1295 = arith.addi %add3A_268, %add3A_1294 : i32
        %swap3A_1296 = arith.constant 0 : i32
        %swap3A_1297 = arith.index_cast %swap3A_1296 : i32 to index
        %swap3A_1298 = arith.index_cast %add3A_1295 : i32 to index
        %swap3A_1299 = arith.constant 32 : index
        %swap3A_1300 = tpu.vector_load %arg13[%swap3A_1297, %swap3A_1298, %swap3A_1299] {strides = array<i32>} : memref<2x40x128xf32, #tpu.memory_space<vmem>>, vector<16xf32>,
        tpu.vector_store %arg13[%swap3A_1297, %swap3A_1298, %swap3A_1299], %mul3A_1293 {strides = array<i32>} : memref<2x40x128xf32, #tpu.memory_space<vmem>>, vector<16xf32>,
        %add3A_1301 = arith.constant 7 : i32
        %add3A_1302 = arith.addi %add3A_268, %add3A_1301 : i32
        %get3A_1303 = arith.constant 0 : i32
        %get3A_1304 = arith.index_cast %get3A_1303 : i32 to index
        %get3A_1305 = arith.index_cast %add3A_1302 : i32 to index
        %get3A_1306 = arith.constant 48 : index
        %get3A_1307 = tpu.vector_load %arg13[%get3A_1304, %get3A_1305, %get3A_1306] {strides = array<i32>} : memref<2x40x128xf32, #tpu.memory_space<vmem>>, vector<16xf32>,
        %mul3A_1308 = arith.mulf %min3A_1250, %get3A_1307 : vector<16xf32>
        %add3A_1309 = arith.constant 7 : i32
        %add3A_1310 = arith.addi %add3A_268, %add3A_1309 : i32
        %swap3A_1311 = arith.constant 0 : i32
        %swap3A_1312 = arith.index_cast %swap3A_1311 : i32 to index
        %swap3A_1313 = arith.index_cast %add3A_1310 : i32 to index
        %swap3A_1314 = arith.constant 48 : index
        %swap3A_1315 = tpu.vector_load %arg13[%swap3A_1312, %swap3A_1313, %swap3A_1314] {strides = array<i32>} : memref<2x40x128xf32, #tpu.memory_space<vmem>>, vector<16xf32>,
        tpu.vector_store %arg13[%swap3A_1312, %swap3A_1313, %swap3A_1314], %mul3A_1308 {strides = array<i32>} : memref<2x40x128xf32, #tpu.memory_space<vmem>>, vector<16xf32>,
        %add3A_1316 = arith.constant 7 : i32
        %add3A_1317 = arith.addi %add3A_268, %add3A_1316 : i32
        %get3A_1318 = arith.constant 0 : i32
        %get3A_1319 = arith.index_cast %get3A_1318 : i32 to index
        %get3A_1320 = arith.index_cast %add3A_1317 : i32 to index
        %get3A_1321 = arith.constant 64 : index
        %get3A_1322 = tpu.vector_load %arg13[%get3A_1319, %get3A_1320, %get3A_1321] {strides = array<i32>} : memref<2x40x128xf32, #tpu.memory_space<vmem>>, vector<16xf32>,
        %mul3A_1323 = arith.mulf %min3A_1250, %get3A_1322 : vector<16xf32>
        %add3A_1324 = arith.constant 7 : i32
        %add3A_1325 = arith.addi %add3A_268, %add3A_1324 : i32
        %swap3A_1326 = arith.constant 0 : i32
        %swap3A_1327 = arith.index_cast %swap3A_1326 : i32 to index
        %swap3A_1328 = arith.index_cast %add3A_1325 : i32 to index
        %swap3A_1329 = arith.constant 64 : index
        %swap3A_1330 = tpu.vector_load %arg13[%swap3A_1327, %swap3A_1328, %swap3A_1329] {strides = array<i32>} : memref<2x40x128xf32, #tpu.memory_space<vmem>>, vector<16xf32>,
        tpu.vector_store %arg13[%swap3A_1327, %swap3A_1328, %swap3A_1329], %mul3A_1323 {strides = array<i32>} : memref<2x40x128xf32, #tpu.memory_space<vmem>>, vector<16xf32>,
        %add3A_1331 = arith.constant 7 : i32
        %add3A_1332 = arith.addi %add3A_268, %add3A_1331 : i32
        %get3A_1333 = arith.constant 0 : i32
        %get3A_1334 = arith.index_cast %get3A_1333 : i32 to index
        %get3A_1335 = arith.index_cast %add3A_1332 : i32 to index
        %get3A_1336 = arith.constant 80 : index
        %get3A_1337 = tpu.vector_load %arg13[%get3A_1334, %get3A_1335, %get3A_1336] {strides = array<i32>} : memref<2x40x128xf32, #tpu.memory_space<vmem>>, vector<16xf32>,
        %mul3A_1338 = arith.mulf %min3A_1250, %get3A_1337 : vector<16xf32>
        %add3A_1339 = arith.constant 7 : i32
        %add3A_1340 = arith.addi %add3A_268, %add3A_1339 : i32
        %swap3A_1341 = arith.constant 0 : i32
        %swap3A_1342 = arith.index_cast %swap3A_1341 : i32 to index
        %swap3A_1343 = arith.index_cast %add3A_1340 : i32 to index
        %swap3A_1344 = arith.constant 80 : index
        %swap3A_1345 = tpu.vector_load %arg13[%swap3A_1342, %swap3A_1343, %swap3A_1344] {strides = array<i32>} : memref<2x40x128xf32, #tpu.memory_space<vmem>>, vector<16xf32>,
        tpu.vector_store %arg13[%swap3A_1342, %swap3A_1343, %swap3A_1344], %mul3A_1338 {strides = array<i32>} : memref<2x40x128xf32, #tpu.memory_space<vmem>>, vector<16xf32>,
        %add3A_1346 = arith.constant 7 : i32
        %add3A_1347 = arith.addi %add3A_268, %add3A_1346 : i32
        %get3A_1348 = arith.constant 0 : i32
        %get3A_1349 = arith.index_cast %get3A_1348 : i32 to index
        %get3A_1350 = arith.index_cast %add3A_1347 : i32 to index
        %get3A_1351 = arith.constant 96 : index
        %get3A_1352 = tpu.vector_load %arg13[%get3A_1349, %get3A_1350, %get3A_1351] {strides = array<i32>} : memref<2x40x128xf32, #tpu.memory_space<vmem>>, vector<16xf32>,
        %mul3A_1353 = arith.mulf %min3A_1250, %get3A_1352 : vector<16xf32>
        %add3A_1354 = arith.constant 7 : i32
        %add3A_1355 = arith.addi %add3A_268, %add3A_1354 : i32
        %swap3A_1356 = arith.constant 0 : i32
        %swap3A_1357 = arith.index_cast %swap3A_1356 : i32 to index
        %swap3A_1358 = arith.index_cast %add3A_1355 : i32 to index
        %swap3A_1359 = arith.constant 96 : index
        %swap3A_1360 = tpu.vector_load %arg13[%swap3A_1357, %swap3A_1358, %swap3A_1359] {strides = array<i32>} : memref<2x40x128xf32, #tpu.memory_space<vmem>>, vector<16xf32>,
        tpu.vector_store %arg13[%swap3A_1357, %swap3A_1358, %swap3A_1359], %mul3A_1353 {strides = array<i32>} : memref<2x40x128xf32, #tpu.memory_space<vmem>>, vector<16xf32>,
        %add3A_1361 = arith.constant 7 : i32
        %add3A_1362 = arith.addi %add3A_268, %add3A_1361 : i32
        %get3A_1363 = arith.constant 0 : i32
        %get3A_1364 = arith.index_cast %get3A_1363 : i32 to index
        %get3A_1365 = arith.index_cast %add3A_1362 : i32 to index
        %get3A_1366 = arith.constant 112 : index
        %get3A_1367 = tpu.vector_load %arg13[%get3A_1364, %get3A_1365, %get3A_1366] {strides = array<i32>} : memref<2x40x128xf32, #tpu.memory_space<vmem>>, vector<16xf32>,
        %mul3A_1368 = arith.mulf %min3A_1250, %get3A_1367 : vector<16xf32>
        %add3A_1369 = arith.constant 7 : i32
        %add3A_1370 = arith.addi %add3A_268, %add3A_1369 : i32
        %swap3A_1371 = arith.constant 0 : i32
        %swap3A_1372 = arith.index_cast %swap3A_1371 : i32 to index
        %swap3A_1373 = arith.index_cast %add3A_1370 : i32 to index
        %swap3A_1374 = arith.constant 112 : index
        %swap3A_1375 = tpu.vector_load %arg13[%swap3A_1372, %swap3A_1373, %swap3A_1374] {strides = array<i32>} : memref<2x40x128xf32, #tpu.memory_space<vmem>>, vector<16xf32>,
        tpu.vector_store %arg13[%swap3A_1372, %swap3A_1373, %swap3A_1374], %mul3A_1368 {strides = array<i32>} : memref<2x40x128xf32, #tpu.memory_space<vmem>>, vector<16xf32>,
      }
      %scan3A_252 = arith.constant 5 : i32
      %run_scoped3A_253 = arith.constant 0 : i32
      %run_scoped3A_254 = arith.constant 0 : i32
      "tpu.region"() ({
        %run_scoped3A_264 = tpu.sem_alloc : memref<!tpu.dma_semaphore, #tpu.memory_space<semaphore_mem>>
        %dma_start3A_265 = arith.constant 0 : i32
        %dma_start3A_266 = arith.constant 0 : i32
        %dma_start3A_267 = tpu.memref_slice %arg13[%run_scoped3A_253, %dma_start3A_265, %dma_start3A_266] : memref<2x40x128xf32, #tpu.memory_space<vmem>> -> memref<1x40x128xf32, #tpu.memory_space<vmem>>
        %dma_start3A_268 = tpu.memref_squeeze %dma_start3A_267 : memref<1x40x128xf32, #tpu.memory_space<vmem>> -> memref<40x128xf32, #tpu.memory_space<vmem>>
        %dma_start3A_269 = arith.constant 0 : i32
        %dma_start3A_270 = tpu.memref_slice %arg10[%run_scoped3A_254, %dma_start3A_269] : memref<2x40xi32, #tpu.memory_space<vmem>> -> memref<1x40xi32, #tpu.memory_space<vmem>>
        %dma_start3A_271 = tpu.memref_squeeze %dma_start3A_270 : memref<1x40xi32, #tpu.memory_space<vmem>> -> memref<40xi32, #tpu.memory_space<vmem>>
        %dma_start3A_272 = arith.constant 0 : i32
        %dma_start3A_273 = arith.constant 0 : i32
        %dma_start3A_274 = tpu.memref_slice %arg15[%dma_start3A_272, %dma_start3A_273] : memref<10240x128xf32, #tpu.memory_space<vmem_shared>> -> memref<10240x128xf32, #tpu.memory_space<vmem_shared>>
        tpu.enqueue_indirect_dma source(%dma_start3A_268 : memref<40x128xf32, #tpu.memory_space<vmem>>) target(%dma_start3A_274 : memref<10240x128xf32, #tpu.memory_space<vmem_shared>>) offsets(%dma_start3A_271 : memref<40xi32, #tpu.memory_space<vmem>>) semaphore(%run_scoped3A_264 : memref<!tpu.dma_semaphore, #tpu.memory_space<semaphore_mem>>) {add = true}
        %dma_wait3A_275 = arith.constant 0 : i32
        %dma_wait3A_276 = arith.constant 0 : i32
        %dma_wait3A_277 = tpu.memref_slice %arg13[%run_scoped3A_253, %dma_wait3A_275, %dma_wait3A_276] : memref<2x40x128xf32, #tpu.memory_space<vmem>> -> memref<1x40x128xf32, #tpu.memory_space<vmem>>
        %dma_wait3A_278 = tpu.memref_squeeze %dma_wait3A_277 : memref<1x40x128xf32, #tpu.memory_space<vmem>> -> memref<40x128xf32, #tpu.memory_space<vmem>>
        %dma_wait3A_279 = arith.constant 0 : i32
        %dma_wait3A_280 = tpu.memref_slice %arg10[%run_scoped3A_254, %dma_wait3A_279] : memref<2x40xi32, #tpu.memory_space<vmem>> -> memref<1x40xi32, #tpu.memory_space<vmem>>
        %dma_wait3A_281 = tpu.memref_squeeze %dma_wait3A_280 : memref<1x40xi32, #tpu.memory_space<vmem>> -> memref<40xi32, #tpu.memory_space<vmem>>
        %dma_wait3A_282 = arith.constant 0 : i32
        %dma_wait3A_283 = arith.constant 0 : i32
        %dma_wait3A_284 = tpu.memref_slice %arg15[%dma_wait3A_282, %dma_wait3A_283] : memref<10240x128xf32, #tpu.memory_space<vmem_shared>> -> memref<10240x128xf32, #tpu.memory_space<vmem_shared>>
        tpu.wait_indirect_dma semaphore(%run_scoped3A_264 : memref<!tpu.dma_semaphore, #tpu.memory_space<semaphore_mem>>) src(%dma_wait3A_278 : memref<40x128xf32, #tpu.memory_space<vmem>>) dst(%dma_wait3A_284 : memref<10240x128xf32, #tpu.memory_space<vmem_shared>>)
        tpu.yield
      }) : () -> ()
      %run_scoped3A_255 = arith.constant 1 : i32
      %run_scoped3A_256 = arith.constant 1 : i32
      "tpu.region"() ({
        %run_scoped3A_264 = tpu.sem_alloc : memref<!tpu.dma_semaphore, #tpu.memory_space<semaphore_mem>>
        %dma_start3A_265 = arith.constant 0 : i32
        %dma_start3A_266 = arith.constant 0 : i32
        %dma_start3A_267 = tpu.memref_slice %arg12[%run_scoped3A_255, %dma_start3A_265, %dma_start3A_266] : memref<2x40x128xf32, #tpu.memory_space<vmem>> -> memref<1x40x128xf32, #tpu.memory_space<vmem>>
        %dma_start3A_268 = tpu.memref_squeeze %dma_start3A_267 : memref<1x40x128xf32, #tpu.memory_space<vmem>> -> memref<40x128xf32, #tpu.memory_space<vmem>>
        %dma_start3A_269 = arith.constant 0 : i32
        %dma_start3A_270 = tpu.memref_slice %arg10[%run_scoped3A_256, %dma_start3A_269] : memref<2x40xi32, #tpu.memory_space<vmem>> -> memref<1x40xi32, #tpu.memory_space<vmem>>
        %dma_start3A_271 = tpu.memref_squeeze %dma_start3A_270 : memref<1x40xi32, #tpu.memory_space<vmem>> -> memref<40xi32, #tpu.memory_space<vmem>>
        %dma_start3A_272 = arith.constant 0 : i32
        %dma_start3A_273 = arith.constant 0 : i32
        %dma_start3A_274 = tpu.memref_slice %arg15[%dma_start3A_272, %dma_start3A_273] : memref<10240x128xf32, #tpu.memory_space<vmem_shared>> -> memref<10240x128xf32, #tpu.memory_space<vmem_shared>>
        tpu.enqueue_indirect_dma source(%dma_start3A_268 : memref<40x128xf32, #tpu.memory_space<vmem>>) target(%dma_start3A_274 : memref<10240x128xf32, #tpu.memory_space<vmem_shared>>) offsets(%dma_start3A_271 : memref<40xi32, #tpu.memory_space<vmem>>) semaphore(%run_scoped3A_264 : memref<!tpu.dma_semaphore, #tpu.memory_space<semaphore_mem>>) {add = true}
        %dma_wait3A_275 = arith.constant 0 : i32
        %dma_wait3A_276 = arith.constant 0 : i32
        %dma_wait3A_277 = tpu.memref_slice %arg12[%run_scoped3A_255, %dma_wait3A_275, %dma_wait3A_276] : memref<2x40x128xf32, #tpu.memory_space<vmem>> -> memref<1x40x128xf32, #tpu.memory_space<vmem>>
        %dma_wait3A_278 = tpu.memref_squeeze %dma_wait3A_277 : memref<1x40x128xf32, #tpu.memory_space<vmem>> -> memref<40x128xf32, #tpu.memory_space<vmem>>
        %dma_wait3A_279 = arith.constant 0 : i32
        %dma_wait3A_280 = tpu.memref_slice %arg10[%run_scoped3A_256, %dma_wait3A_279] : memref<2x40xi32, #tpu.memory_space<vmem>> -> memref<1x40xi32, #tpu.memory_space<vmem>>
        %dma_wait3A_281 = tpu.memref_squeeze %dma_wait3A_280 : memref<1x40xi32, #tpu.memory_space<vmem>> -> memref<40xi32, #tpu.memory_space<vmem>>
        %dma_wait3A_282 = arith.constant 0 : i32
        %dma_wait3A_283 = arith.constant 0 : i32
        %dma_wait3A_284 = tpu.memref_slice %arg15[%dma_wait3A_282, %dma_wait3A_283] : memref<10240x128xf32, #tpu.memory_space<vmem_shared>> -> memref<10240x128xf32, #tpu.memory_space<vmem_shared>>
        tpu.wait_indirect_dma semaphore(%run_scoped3A_264 : memref<!tpu.dma_semaphore, #tpu.memory_space<semaphore_mem>>) src(%dma_wait3A_278 : memref<40x128xf32, #tpu.memory_space<vmem>>) dst(%dma_wait3A_284 : memref<10240x128xf32, #tpu.memory_space<vmem_shared>>)
        tpu.yield
      }) : () -> ()
      %scan3A_257 = arith.constant 0 : i32
      %scan3A_258 = arith.constant 5 : i32
      %scan3A_259 = arith.addi %scan3A_257, %scan3A_258 : i32
      %scan3A_260 = arith.constant 1 : i32
      scf.for %scan3A_264 = %scan3A_257 to %scan3A_259 step %scan3A_260  : i32 {
        %mul3A_265 = arith.constant 8 : i32
        %mul3A_266 = arith.muli %scan3A_264, %mul3A_265 : i32
        %add3A_267 = arith.constant 0 : i32
        %add3A_268 = arith.addi %add3A_267, %mul3A_266 : i32
        %add3A_269 = arith.constant 0 : i32
        %add3A_270 = arith.addi %add3A_268, %add3A_269 : i32
        %broadcast_in_dim3A_271 = vector.broadcast %add3A_270 : i32 to vector<16xi32>
        %gather3A = arith.constant 1 : i32
        %gather3A_272 = arith.constant 0 : i32
        %gather3A_273 = tpu.memref_slice %arg11[%gather3A, %gather3A_272] : memref<2x40xf32, #tpu.memory_space<vmem>> -> memref<1x40xf32, #tpu.memory_space<vmem>>
        %gather3A_274 = tpu.memref_squeeze %gather3A_273 : memref<1x40xf32, #tpu.memory_space<vmem>> -> memref<40xf32, #tpu.memory_space<vmem>>
        %gather3A_275 = tpu.vector_load_idx %gather3A_274[%broadcast_in_dim3A_271] : memref<40xf32, #tpu.memory_space<vmem>>[vector<16xi32>], vector<16xf32>,
        %max3A = arith.constant 0.000000e+00 : f32
        %max3A_276 = vector.broadcast %max3A : f32 to vector<16xf32>
        %max3A_277 = arith.maximumf %gather3A_275, %max3A_276 : vector<16xf32>
        %min3A = arith.constant 1.000000e+00 : f32
        %min3A_278 = vector.broadcast %min3A : f32 to vector<16xf32>
        %min3A_279 = arith.minimumf %max3A_277, %min3A_278 : vector<16xf32>
        %gather3A_280 = arith.constant 1 : i32
        %gather3A_281 = arith.constant 0 : i32
        %gather3A_282 = tpu.memref_slice %arg10[%gather3A_280, %gather3A_281] : memref<2x40xi32, #tpu.memory_space<vmem>> -> memref<1x40xi32, #tpu.memory_space<vmem>>
        %gather3A_283 = tpu.memref_squeeze %gather3A_282 : memref<1x40xi32, #tpu.memory_space<vmem>> -> memref<40xi32, #tpu.memory_space<vmem>>
        %gather3A_284 = tpu.vector_load_idx %gather3A_283[%broadcast_in_dim3A_271] : memref<40xi32, #tpu.memory_space<vmem>>[vector<16xi32>], vector<16xi32>,
        tpu.vector_store_idx %arg14[%gather3A_284], %broadcast_in_dim3A_5 masked %eq3A_7 {add = true} : memref<10240xf32, #tpu.memory_space<vmem>>[vector<16xi32>], vector<16xf32>, vector<16xi1>
        %add3A_285 = arith.constant 0 : i32
        %add3A_286 = arith.addi %add3A_268, %add3A_285 : i32
        %get3A = arith.constant 1 : i32
        %get3A_287 = arith.index_cast %get3A : i32 to index
        %get3A_288 = arith.index_cast %add3A_286 : i32 to index
        %get3A_289 = arith.constant 0 : index
        %get3A_290 = tpu.vector_load %arg13[%get3A_287, %get3A_288, %get3A_289] {strides = array<i32>} : memref<2x40x128xf32, #tpu.memory_space<vmem>>, vector<16xf32>,
        %mul3A_291 = arith.mulf %min3A_279, %get3A_290 : vector<16xf32>
        %add3A_292 = arith.constant 0 : i32
        %add3A_293 = arith.addi %add3A_268, %add3A_292 : i32
        %swap3A = arith.constant 1 : i32
        %swap3A_294 = arith.index_cast %swap3A : i32 to index
        %swap3A_295 = arith.index_cast %add3A_293 : i32 to index
        %swap3A_296 = arith.constant 0 : index
        %swap3A_297 = tpu.vector_load %arg13[%swap3A_294, %swap3A_295, %swap3A_296] {strides = array<i32>} : memref<2x40x128xf32, #tpu.memory_space<vmem>>, vector<16xf32>,
        tpu.vector_store %arg13[%swap3A_294, %swap3A_295, %swap3A_296], %mul3A_291 {strides = array<i32>} : memref<2x40x128xf32, #tpu.memory_space<vmem>>, vector<16xf32>,
        %add3A_298 = arith.constant 0 : i32
        %add3A_299 = arith.addi %add3A_268, %add3A_298 : i32
        %get3A_300 = arith.constant 1 : i32
        %get3A_301 = arith.index_cast %get3A_300 : i32 to index
        %get3A_302 = arith.index_cast %add3A_299 : i32 to index
        %get3A_303 = arith.constant 16 : index
        %get3A_304 = tpu.vector_load %arg13[%get3A_301, %get3A_302, %get3A_303] {strides = array<i32>} : memref<2x40x128xf32, #tpu.memory_space<vmem>>, vector<16xf32>,
        %mul3A_305 = arith.mulf %min3A_279, %get3A_304 : vector<16xf32>
        %add3A_306 = arith.constant 0 : i32
        %add3A_307 = arith.addi %add3A_268, %add3A_306 : i32
        %swap3A_308 = arith.constant 1 : i32
        %swap3A_309 = arith.index_cast %swap3A_308 : i32 to index
        %swap3A_310 = arith.index_cast %add3A_307 : i32 to index
        %swap3A_311 = arith.constant 16 : index
        %swap3A_312 = tpu.vector_load %arg13[%swap3A_309, %swap3A_310, %swap3A_311] {strides = array<i32>} : memref<2x40x128xf32, #tpu.memory_space<vmem>>, vector<16xf32>,
        tpu.vector_store %arg13[%swap3A_309, %swap3A_310, %swap3A_311], %mul3A_305 {strides = array<i32>} : memref<2x40x128xf32, #tpu.memory_space<vmem>>, vector<16xf32>,
        %add3A_313 = arith.constant 0 : i32
        %add3A_314 = arith.addi %add3A_268, %add3A_313 : i32
        %get3A_315 = arith.constant 1 : i32
        %get3A_316 = arith.index_cast %get3A_315 : i32 to index
        %get3A_317 = arith.index_cast %add3A_314 : i32 to index
        %get3A_318 = arith.constant 32 : index
        %get3A_319 = tpu.vector_load %arg13[%get3A_316, %get3A_317, %get3A_318] {strides = array<i32>} : memref<2x40x128xf32, #tpu.memory_space<vmem>>, vector<16xf32>,
        %mul3A_320 = arith.mulf %min3A_279, %get3A_319 : vector<16xf32>
        %add3A_321 = arith.constant 0 : i32
        %add3A_322 = arith.addi %add3A_268, %add3A_321 : i32
        %swap3A_323 = arith.constant 1 : i32
        %swap3A_324 = arith.index_cast %swap3A_323 : i32 to index
        %swap3A_325 = arith.index_cast %add3A_322 : i32 to index
        %swap3A_326 = arith.constant 32 : index
        %swap3A_327 = tpu.vector_load %arg13[%swap3A_324, %swap3A_325, %swap3A_326] {strides = array<i32>} : memref<2x40x128xf32, #tpu.memory_space<vmem>>, vector<16xf32>,
        tpu.vector_store %arg13[%swap3A_324, %swap3A_325, %swap3A_326], %mul3A_320 {strides = array<i32>} : memref<2x40x128xf32, #tpu.memory_space<vmem>>, vector<16xf32>,
        %add3A_328 = arith.constant 0 : i32
        %add3A_329 = arith.addi %add3A_268, %add3A_328 : i32
        %get3A_330 = arith.constant 1 : i32
        %get3A_331 = arith.index_cast %get3A_330 : i32 to index
        %get3A_332 = arith.index_cast %add3A_329 : i32 to index
        %get3A_333 = arith.constant 48 : index
        %get3A_334 = tpu.vector_load %arg13[%get3A_331, %get3A_332, %get3A_333] {strides = array<i32>} : memref<2x40x128xf32, #tpu.memory_space<vmem>>, vector<16xf32>,
        %mul3A_335 = arith.mulf %min3A_279, %get3A_334 : vector<16xf32>
        %add3A_336 = arith.constant 0 : i32
        %add3A_337 = arith.addi %add3A_268, %add3A_336 : i32
        %swap3A_338 = arith.constant 1 : i32
        %swap3A_339 = arith.index_cast %swap3A_338 : i32 to index
        %swap3A_340 = arith.index_cast %add3A_337 : i32 to index
        %swap3A_341 = arith.constant 48 : index
        %swap3A_342 = tpu.vector_load %arg13[%swap3A_339, %swap3A_340, %swap3A_341] {strides = array<i32>} : memref<2x40x128xf32, #tpu.memory_space<vmem>>, vector<16xf32>,
        tpu.vector_store %arg13[%swap3A_339, %swap3A_340, %swap3A_341], %mul3A_335 {strides = array<i32>} : memref<2x40x128xf32, #tpu.memory_space<vmem>>, vector<16xf32>,
        %add3A_343 = arith.constant 0 : i32
        %add3A_344 = arith.addi %add3A_268, %add3A_343 : i32
        %get3A_345 = arith.constant 1 : i32
        %get3A_346 = arith.index_cast %get3A_345 : i32 to index
        %get3A_347 = arith.index_cast %add3A_344 : i32 to index
        %get3A_348 = arith.constant 64 : index
        %get3A_349 = tpu.vector_load %arg13[%get3A_346, %get3A_347, %get3A_348] {strides = array<i32>} : memref<2x40x128xf32, #tpu.memory_space<vmem>>, vector<16xf32>,
        %mul3A_350 = arith.mulf %min3A_279, %get3A_349 : vector<16xf32>
        %add3A_351 = arith.constant 0 : i32
        %add3A_352 = arith.addi %add3A_268, %add3A_351 : i32
        %swap3A_353 = arith.constant 1 : i32
        %swap3A_354 = arith.index_cast %swap3A_353 : i32 to index
        %swap3A_355 = arith.index_cast %add3A_352 : i32 to index
        %swap3A_356 = arith.constant 64 : index
        %swap3A_357 = tpu.vector_load %arg13[%swap3A_354, %swap3A_355, %swap3A_356] {strides = array<i32>} : memref<2x40x128xf32, #tpu.memory_space<vmem>>, vector<16xf32>,
        tpu.vector_store %arg13[%swap3A_354, %swap3A_355, %swap3A_356], %mul3A_350 {strides = array<i32>} : memref<2x40x128xf32, #tpu.memory_space<vmem>>, vector<16xf32>,
        %add3A_358 = arith.constant 0 : i32
        %add3A_359 = arith.addi %add3A_268, %add3A_358 : i32
        %get3A_360 = arith.constant 1 : i32
        %get3A_361 = arith.index_cast %get3A_360 : i32 to index
        %get3A_362 = arith.index_cast %add3A_359 : i32 to index
        %get3A_363 = arith.constant 80 : index
        %get3A_364 = tpu.vector_load %arg13[%get3A_361, %get3A_362, %get3A_363] {strides = array<i32>} : memref<2x40x128xf32, #tpu.memory_space<vmem>>, vector<16xf32>,
        %mul3A_365 = arith.mulf %min3A_279, %get3A_364 : vector<16xf32>
        %add3A_366 = arith.constant 0 : i32
        %add3A_367 = arith.addi %add3A_268, %add3A_366 : i32
        %swap3A_368 = arith.constant 1 : i32
        %swap3A_369 = arith.index_cast %swap3A_368 : i32 to index
        %swap3A_370 = arith.index_cast %add3A_367 : i32 to index
        %swap3A_371 = arith.constant 80 : index
        %swap3A_372 = tpu.vector_load %arg13[%swap3A_369, %swap3A_370, %swap3A_371] {strides = array<i32>} : memref<2x40x128xf32, #tpu.memory_space<vmem>>, vector<16xf32>,
        tpu.vector_store %arg13[%swap3A_369, %swap3A_370, %swap3A_371], %mul3A_365 {strides = array<i32>} : memref<2x40x128xf32, #tpu.memory_space<vmem>>, vector<16xf32>,
        %add3A_373 = arith.constant 0 : i32
        %add3A_374 = arith.addi %add3A_268, %add3A_373 : i32
        %get3A_375 = arith.constant 1 : i32
        %get3A_376 = arith.index_cast %get3A_375 : i32 to index
        %get3A_377 = arith.index_cast %add3A_374 : i32 to index
        %get3A_378 = arith.constant 96 : index
        %get3A_379 = tpu.vector_load %arg13[%get3A_376, %get3A_377, %get3A_378] {strides = array<i32>} : memref<2x40x128xf32, #tpu.memory_space<vmem>>, vector<16xf32>,
        %mul3A_380 = arith.mulf %min3A_279, %get3A_379 : vector<16xf32>
        %add3A_381 = arith.constant 0 : i32
        %add3A_382 = arith.addi %add3A_268, %add3A_381 : i32
        %swap3A_383 = arith.constant 1 : i32
        %swap3A_384 = arith.index_cast %swap3A_383 : i32 to index
        %swap3A_385 = arith.index_cast %add3A_382 : i32 to index
        %swap3A_386 = arith.constant 96 : index
        %swap3A_387 = tpu.vector_load %arg13[%swap3A_384, %swap3A_385, %swap3A_386] {strides = array<i32>} : memref<2x40x128xf32, #tpu.memory_space<vmem>>, vector<16xf32>,
        tpu.vector_store %arg13[%swap3A_384, %swap3A_385, %swap3A_386], %mul3A_380 {strides = array<i32>} : memref<2x40x128xf32, #tpu.memory_space<vmem>>, vector<16xf32>,
        %add3A_388 = arith.constant 0 : i32
        %add3A_389 = arith.addi %add3A_268, %add3A_388 : i32
        %get3A_390 = arith.constant 1 : i32
        %get3A_391 = arith.index_cast %get3A_390 : i32 to index
        %get3A_392 = arith.index_cast %add3A_389 : i32 to index
        %get3A_393 = arith.constant 112 : index
        %get3A_394 = tpu.vector_load %arg13[%get3A_391, %get3A_392, %get3A_393] {strides = array<i32>} : memref<2x40x128xf32, #tpu.memory_space<vmem>>, vector<16xf32>,
        %mul3A_395 = arith.mulf %min3A_279, %get3A_394 : vector<16xf32>
        %add3A_396 = arith.constant 0 : i32
        %add3A_397 = arith.addi %add3A_268, %add3A_396 : i32
        %swap3A_398 = arith.constant 1 : i32
        %swap3A_399 = arith.index_cast %swap3A_398 : i32 to index
        %swap3A_400 = arith.index_cast %add3A_397 : i32 to index
        %swap3A_401 = arith.constant 112 : index
        %swap3A_402 = tpu.vector_load %arg13[%swap3A_399, %swap3A_400, %swap3A_401] {strides = array<i32>} : memref<2x40x128xf32, #tpu.memory_space<vmem>>, vector<16xf32>,
        tpu.vector_store %arg13[%swap3A_399, %swap3A_400, %swap3A_401], %mul3A_395 {strides = array<i32>} : memref<2x40x128xf32, #tpu.memory_space<vmem>>, vector<16xf32>,
        %add3A_403 = arith.constant 1 : i32
        %add3A_404 = arith.addi %add3A_268, %add3A_403 : i32
        %broadcast_in_dim3A_405 = vector.broadcast %add3A_404 : i32 to vector<16xi32>
        %gather3A_406 = arith.constant 1 : i32
        %gather3A_407 = arith.constant 0 : i32
        %gather3A_408 = tpu.memref_slice %arg11[%gather3A_406, %gather3A_407] : memref<2x40xf32, #tpu.memory_space<vmem>> -> memref<1x40xf32, #tpu.memory_space<vmem>>
        %gather3A_409 = tpu.memref_squeeze %gather3A_408 : memref<1x40xf32, #tpu.memory_space<vmem>> -> memref<40xf32, #tpu.memory_space<vmem>>
        %gather3A_410 = tpu.vector_load_idx %gather3A_409[%broadcast_in_dim3A_405] : memref<40xf32, #tpu.memory_space<vmem>>[vector<16xi32>], vector<16xf32>,
        %max3A_411 = arith.constant 0.000000e+00 : f32
        %max3A_412 = vector.broadcast %max3A_411 : f32 to vector<16xf32>
        %max3A_413 = arith.maximumf %gather3A_410, %max3A_412 : vector<16xf32>
        %min3A_414 = arith.constant 1.000000e+00 : f32
        %min3A_415 = vector.broadcast %min3A_414 : f32 to vector<16xf32>
        %min3A_416 = arith.minimumf %max3A_413, %min3A_415 : vector<16xf32>
        %gather3A_417 = arith.constant 1 : i32
        %gather3A_418 = arith.constant 0 : i32
        %gather3A_419 = tpu.memref_slice %arg10[%gather3A_417, %gather3A_418] : memref<2x40xi32, #tpu.memory_space<vmem>> -> memref<1x40xi32, #tpu.memory_space<vmem>>
        %gather3A_420 = tpu.memref_squeeze %gather3A_419 : memref<1x40xi32, #tpu.memory_space<vmem>> -> memref<40xi32, #tpu.memory_space<vmem>>
        %gather3A_421 = tpu.vector_load_idx %gather3A_420[%broadcast_in_dim3A_405] : memref<40xi32, #tpu.memory_space<vmem>>[vector<16xi32>], vector<16xi32>,
        tpu.vector_store_idx %arg14[%gather3A_421], %broadcast_in_dim3A_5 masked %eq3A_7 {add = true} : memref<10240xf32, #tpu.memory_space<vmem>>[vector<16xi32>], vector<16xf32>, vector<16xi1>
        %add3A_422 = arith.constant 1 : i32
        %add3A_423 = arith.addi %add3A_268, %add3A_422 : i32
        %get3A_424 = arith.constant 1 : i32
        %get3A_425 = arith.index_cast %get3A_424 : i32 to index
        %get3A_426 = arith.index_cast %add3A_423 : i32 to index
        %get3A_427 = arith.constant 0 : index
        %get3A_428 = tpu.vector_load %arg13[%get3A_425, %get3A_426, %get3A_427] {strides = array<i32>} : memref<2x40x128xf32, #tpu.memory_space<vmem>>, vector<16xf32>,
        %mul3A_429 = arith.mulf %min3A_416, %get3A_428 : vector<16xf32>
        %add3A_430 = arith.constant 1 : i32
        %add3A_431 = arith.addi %add3A_268, %add3A_430 : i32
        %swap3A_432 = arith.constant 1 : i32
        %swap3A_433 = arith.index_cast %swap3A_432 : i32 to index
        %swap3A_434 = arith.index_cast %add3A_431 : i32 to index
        %swap3A_435 = arith.constant 0 : index
        %swap3A_436 = tpu.vector_load %arg13[%swap3A_433, %swap3A_434, %swap3A_435] {strides = array<i32>} : memref<2x40x128xf32, #tpu.memory_space<vmem>>, vector<16xf32>,
        tpu.vector_store %arg13[%swap3A_433, %swap3A_434, %swap3A_435], %mul3A_429 {strides = array<i32>} : memref<2x40x128xf32, #tpu.memory_space<vmem>>, vector<16xf32>,
        %add3A_437 = arith.constant 1 : i32
        %add3A_438 = arith.addi %add3A_268, %add3A_437 : i32
        %get3A_439 = arith.constant 1 : i32
        %get3A_440 = arith.index_cast %get3A_439 : i32 to index
        %get3A_441 = arith.index_cast %add3A_438 : i32 to index
        %get3A_442 = arith.constant 16 : index
        %get3A_443 = tpu.vector_load %arg13[%get3A_440, %get3A_441, %get3A_442] {strides = array<i32>} : memref<2x40x128xf32, #tpu.memory_space<vmem>>, vector<16xf32>,
        %mul3A_444 = arith.mulf %min3A_416, %get3A_443 : vector<16xf32>
        %add3A_445 = arith.constant 1 : i32
        %add3A_446 = arith.addi %add3A_268, %add3A_445 : i32
        %swap3A_447 = arith.constant 1 : i32
        %swap3A_448 = arith.index_cast %swap3A_447 : i32 to index
        %swap3A_449 = arith.index_cast %add3A_446 : i32 to index
        %swap3A_450 = arith.constant 16 : index
        %swap3A_451 = tpu.vector_load %arg13[%swap3A_448, %swap3A_449, %swap3A_450] {strides = array<i32>} : memref<2x40x128xf32, #tpu.memory_space<vmem>>, vector<16xf32>,
        tpu.vector_store %arg13[%swap3A_448, %swap3A_449, %swap3A_450], %mul3A_444 {strides = array<i32>} : memref<2x40x128xf32, #tpu.memory_space<vmem>>, vector<16xf32>,
        %add3A_452 = arith.constant 1 : i32
        %add3A_453 = arith.addi %add3A_268, %add3A_452 : i32
        %get3A_454 = arith.constant 1 : i32
        %get3A_455 = arith.index_cast %get3A_454 : i32 to index
        %get3A_456 = arith.index_cast %add3A_453 : i32 to index
        %get3A_457 = arith.constant 32 : index
        %get3A_458 = tpu.vector_load %arg13[%get3A_455, %get3A_456, %get3A_457] {strides = array<i32>} : memref<2x40x128xf32, #tpu.memory_space<vmem>>, vector<16xf32>,
        %mul3A_459 = arith.mulf %min3A_416, %get3A_458 : vector<16xf32>
        %add3A_460 = arith.constant 1 : i32
        %add3A_461 = arith.addi %add3A_268, %add3A_460 : i32
        %swap3A_462 = arith.constant 1 : i32
        %swap3A_463 = arith.index_cast %swap3A_462 : i32 to index
        %swap3A_464 = arith.index_cast %add3A_461 : i32 to index
        %swap3A_465 = arith.constant 32 : index
        %swap3A_466 = tpu.vector_load %arg13[%swap3A_463, %swap3A_464, %swap3A_465] {strides = array<i32>} : memref<2x40x128xf32, #tpu.memory_space<vmem>>, vector<16xf32>,
        tpu.vector_store %arg13[%swap3A_463, %swap3A_464, %swap3A_465], %mul3A_459 {strides = array<i32>} : memref<2x40x128xf32, #tpu.memory_space<vmem>>, vector<16xf32>,
        %add3A_467 = arith.constant 1 : i32
        %add3A_468 = arith.addi %add3A_268, %add3A_467 : i32
        %get3A_469 = arith.constant 1 : i32
        %get3A_470 = arith.index_cast %get3A_469 : i32 to index
        %get3A_471 = arith.index_cast %add3A_468 : i32 to index
        %get3A_472 = arith.constant 48 : index
        %get3A_473 = tpu.vector_load %arg13[%get3A_470, %get3A_471, %get3A_472] {strides = array<i32>} : memref<2x40x128xf32, #tpu.memory_space<vmem>>, vector<16xf32>,
        %mul3A_474 = arith.mulf %min3A_416, %get3A_473 : vector<16xf32>
        %add3A_475 = arith.constant 1 : i32
        %add3A_476 = arith.addi %add3A_268, %add3A_475 : i32
        %swap3A_477 = arith.constant 1 : i32
        %swap3A_478 = arith.index_cast %swap3A_477 : i32 to index
        %swap3A_479 = arith.index_cast %add3A_476 : i32 to index
        %swap3A_480 = arith.constant 48 : index
        %swap3A_481 = tpu.vector_load %arg13[%swap3A_478, %swap3A_479, %swap3A_480] {strides = array<i32>} : memref<2x40x128xf32, #tpu.memory_space<vmem>>, vector<16xf32>,
        tpu.vector_store %arg13[%swap3A_478, %swap3A_479, %swap3A_480], %mul3A_474 {strides = array<i32>} : memref<2x40x128xf32, #tpu.memory_space<vmem>>, vector<16xf32>,
        %add3A_482 = arith.constant 1 : i32
        %add3A_483 = arith.addi %add3A_268, %add3A_482 : i32
        %get3A_484 = arith.constant 1 : i32
        %get3A_485 = arith.index_cast %get3A_484 : i32 to index
        %get3A_486 = arith.index_cast %add3A_483 : i32 to index
        %get3A_487 = arith.constant 64 : index
        %get3A_488 = tpu.vector_load %arg13[%get3A_485, %get3A_486, %get3A_487] {strides = array<i32>} : memref<2x40x128xf32, #tpu.memory_space<vmem>>, vector<16xf32>,
        %mul3A_489 = arith.mulf %min3A_416, %get3A_488 : vector<16xf32>
        %add3A_490 = arith.constant 1 : i32
        %add3A_491 = arith.addi %add3A_268, %add3A_490 : i32
        %swap3A_492 = arith.constant 1 : i32
        %swap3A_493 = arith.index_cast %swap3A_492 : i32 to index
        %swap3A_494 = arith.index_cast %add3A_491 : i32 to index
        %swap3A_495 = arith.constant 64 : index
        %swap3A_496 = tpu.vector_load %arg13[%swap3A_493, %swap3A_494, %swap3A_495] {strides = array<i32>} : memref<2x40x128xf32, #tpu.memory_space<vmem>>, vector<16xf32>,
        tpu.vector_store %arg13[%swap3A_493, %swap3A_494, %swap3A_495], %mul3A_489 {strides = array<i32>} : memref<2x40x128xf32, #tpu.memory_space<vmem>>, vector<16xf32>,
        %add3A_497 = arith.constant 1 : i32
        %add3A_498 = arith.addi %add3A_268, %add3A_497 : i32
        %get3A_499 = arith.constant 1 : i32
        %get3A_500 = arith.index_cast %get3A_499 : i32 to index
        %get3A_501 = arith.index_cast %add3A_498 : i32 to index
        %get3A_502 = arith.constant 80 : index
        %get3A_503 = tpu.vector_load %arg13[%get3A_500, %get3A_501, %get3A_502] {strides = array<i32>} : memref<2x40x128xf32, #tpu.memory_space<vmem>>, vector<16xf32>,
        %mul3A_504 = arith.mulf %min3A_416, %get3A_503 : vector<16xf32>
        %add3A_505 = arith.constant 1 : i32
        %add3A_506 = arith.addi %add3A_268, %add3A_505 : i32
        %swap3A_507 = arith.constant 1 : i32
        %swap3A_508 = arith.index_cast %swap3A_507 : i32 to index
        %swap3A_509 = arith.index_cast %add3A_506 : i32 to index
        %swap3A_510 = arith.constant 80 : index
        %swap3A_511 = tpu.vector_load %arg13[%swap3A_508, %swap3A_509, %swap3A_510] {strides = array<i32>} : memref<2x40x128xf32, #tpu.memory_space<vmem>>, vector<16xf32>,
        tpu.vector_store %arg13[%swap3A_508, %swap3A_509, %swap3A_510], %mul3A_504 {strides = array<i32>} : memref<2x40x128xf32, #tpu.memory_space<vmem>>, vector<16xf32>,
        %add3A_512 = arith.constant 1 : i32
        %add3A_513 = arith.addi %add3A_268, %add3A_512 : i32
        %get3A_514 = arith.constant 1 : i32
        %get3A_515 = arith.index_cast %get3A_514 : i32 to index
        %get3A_516 = arith.index_cast %add3A_513 : i32 to index
        %get3A_517 = arith.constant 96 : index
        %get3A_518 = tpu.vector_load %arg13[%get3A_515, %get3A_516, %get3A_517] {strides = array<i32>} : memref<2x40x128xf32, #tpu.memory_space<vmem>>, vector<16xf32>,
        %mul3A_519 = arith.mulf %min3A_416, %get3A_518 : vector<16xf32>
        %add3A_520 = arith.constant 1 : i32
        %add3A_521 = arith.addi %add3A_268, %add3A_520 : i32
        %swap3A_522 = arith.constant 1 : i32
        %swap3A_523 = arith.index_cast %swap3A_522 : i32 to index
        %swap3A_524 = arith.index_cast %add3A_521 : i32 to index
        %swap3A_525 = arith.constant 96 : index
        %swap3A_526 = tpu.vector_load %arg13[%swap3A_523, %swap3A_524, %swap3A_525] {strides = array<i32>} : memref<2x40x128xf32, #tpu.memory_space<vmem>>, vector<16xf32>,
        tpu.vector_store %arg13[%swap3A_523, %swap3A_524, %swap3A_525], %mul3A_519 {strides = array<i32>} : memref<2x40x128xf32, #tpu.memory_space<vmem>>, vector<16xf32>,
        %add3A_527 = arith.constant 1 : i32
        %add3A_528 = arith.addi %add3A_268, %add3A_527 : i32
        %get3A_529 = arith.constant 1 : i32
        %get3A_530 = arith.index_cast %get3A_529 : i32 to index
        %get3A_531 = arith.index_cast %add3A_528 : i32 to index
        %get3A_532 = arith.constant 112 : index
        %get3A_533 = tpu.vector_load %arg13[%get3A_530, %get3A_531, %get3A_532] {strides = array<i32>} : memref<2x40x128xf32, #tpu.memory_space<vmem>>, vector<16xf32>,
        %mul3A_534 = arith.mulf %min3A_416, %get3A_533 : vector<16xf32>
        %add3A_535 = arith.constant 1 : i32
        %add3A_536 = arith.addi %add3A_268, %add3A_535 : i32
        %swap3A_537 = arith.constant 1 : i32
        %swap3A_538 = arith.index_cast %swap3A_537 : i32 to index
        %swap3A_539 = arith.index_cast %add3A_536 : i32 to index
        %swap3A_540 = arith.constant 112 : index
        %swap3A_541 = tpu.vector_load %arg13[%swap3A_538, %swap3A_539, %swap3A_540] {strides = array<i32>} : memref<2x40x128xf32, #tpu.memory_space<vmem>>, vector<16xf32>,
        tpu.vector_store %arg13[%swap3A_538, %swap3A_539, %swap3A_540], %mul3A_534 {strides = array<i32>} : memref<2x40x128xf32, #tpu.memory_space<vmem>>, vector<16xf32>,
        %add3A_542 = arith.constant 2 : i32
        %add3A_543 = arith.addi %add3A_268, %add3A_542 : i32
        %broadcast_in_dim3A_544 = vector.broadcast %add3A_543 : i32 to vector<16xi32>
        %gather3A_545 = arith.constant 1 : i32
        %gather3A_546 = arith.constant 0 : i32
        %gather3A_547 = tpu.memref_slice %arg11[%gather3A_545, %gather3A_546] : memref<2x40xf32, #tpu.memory_space<vmem>> -> memref<1x40xf32, #tpu.memory_space<vmem>>
        %gather3A_548 = tpu.memref_squeeze %gather3A_547 : memref<1x40xf32, #tpu.memory_space<vmem>> -> memref<40xf32, #tpu.memory_space<vmem>>
        %gather3A_549 = tpu.vector_load_idx %gather3A_548[%broadcast_in_dim3A_544] : memref<40xf32, #tpu.memory_space<vmem>>[vector<16xi32>], vector<16xf32>,
        %max3A_550 = arith.constant 0.000000e+00 : f32
        %max3A_551 = vector.broadcast %max3A_550 : f32 to vector<16xf32>
        %max3A_552 = arith.maximumf %gather3A_549, %max3A_551 : vector<16xf32>
        %min3A_553 = arith.constant 1.000000e+00 : f32
        %min3A_554 = vector.broadcast %min3A_553 : f32 to vector<16xf32>
        %min3A_555 = arith.minimumf %max3A_552, %min3A_554 : vector<16xf32>
        %gather3A_556 = arith.constant 1 : i32
        %gather3A_557 = arith.constant 0 : i32
        %gather3A_558 = tpu.memref_slice %arg10[%gather3A_556, %gather3A_557] : memref<2x40xi32, #tpu.memory_space<vmem>> -> memref<1x40xi32, #tpu.memory_space<vmem>>
        %gather3A_559 = tpu.memref_squeeze %gather3A_558 : memref<1x40xi32, #tpu.memory_space<vmem>> -> memref<40xi32, #tpu.memory_space<vmem>>
        %gather3A_560 = tpu.vector_load_idx %gather3A_559[%broadcast_in_dim3A_544] : memref<40xi32, #tpu.memory_space<vmem>>[vector<16xi32>], vector<16xi32>,
        tpu.vector_store_idx %arg14[%gather3A_560], %broadcast_in_dim3A_5 masked %eq3A_7 {add = true} : memref<10240xf32, #tpu.memory_space<vmem>>[vector<16xi32>], vector<16xf32>, vector<16xi1>
        %add3A_561 = arith.constant 2 : i32
        %add3A_562 = arith.addi %add3A_268, %add3A_561 : i32
        %get3A_563 = arith.constant 1 : i32
        %get3A_564 = arith.index_cast %get3A_563 : i32 to index
        %get3A_565 = arith.index_cast %add3A_562 : i32 to index
        %get3A_566 = arith.constant 0 : index
        %get3A_567 = tpu.vector_load %arg13[%get3A_564, %get3A_565, %get3A_566] {strides = array<i32>} : memref<2x40x128xf32, #tpu.memory_space<vmem>>, vector<16xf32>,
        %mul3A_568 = arith.mulf %min3A_555, %get3A_567 : vector<16xf32>
        %add3A_569 = arith.constant 2 : i32
        %add3A_570 = arith.addi %add3A_268, %add3A_569 : i32
        %swap3A_571 = arith.constant 1 : i32
        %swap3A_572 = arith.index_cast %swap3A_571 : i32 to index
        %swap3A_573 = arith.index_cast %add3A_570 : i32 to index
        %swap3A_574 = arith.constant 0 : index
        %swap3A_575 = tpu.vector_load %arg13[%swap3A_572, %swap3A_573, %swap3A_574] {strides = array<i32>} : memref<2x40x128xf32, #tpu.memory_space<vmem>>, vector<16xf32>,
        tpu.vector_store %arg13[%swap3A_572, %swap3A_573, %swap3A_574], %mul3A_568 {strides = array<i32>} : memref<2x40x128xf32, #tpu.memory_space<vmem>>, vector<16xf32>,
        %add3A_576 = arith.constant 2 : i32
        %add3A_577 = arith.addi %add3A_268, %add3A_576 : i32
        %get3A_578 = arith.constant 1 : i32
        %get3A_579 = arith.index_cast %get3A_578 : i32 to index
        %get3A_580 = arith.index_cast %add3A_577 : i32 to index
        %get3A_581 = arith.constant 16 : index
        %get3A_582 = tpu.vector_load %arg13[%get3A_579, %get3A_580, %get3A_581] {strides = array<i32>} : memref<2x40x128xf32, #tpu.memory_space<vmem>>, vector<16xf32>,
        %mul3A_583 = arith.mulf %min3A_555, %get3A_582 : vector<16xf32>
        %add3A_584 = arith.constant 2 : i32
        %add3A_585 = arith.addi %add3A_268, %add3A_584 : i32
        %swap3A_586 = arith.constant 1 : i32
        %swap3A_587 = arith.index_cast %swap3A_586 : i32 to index
        %swap3A_588 = arith.index_cast %add3A_585 : i32 to index
        %swap3A_589 = arith.constant 16 : index
        %swap3A_590 = tpu.vector_load %arg13[%swap3A_587, %swap3A_588, %swap3A_589] {strides = array<i32>} : memref<2x40x128xf32, #tpu.memory_space<vmem>>, vector<16xf32>,
        tpu.vector_store %arg13[%swap3A_587, %swap3A_588, %swap3A_589], %mul3A_583 {strides = array<i32>} : memref<2x40x128xf32, #tpu.memory_space<vmem>>, vector<16xf32>,
        %add3A_591 = arith.constant 2 : i32
        %add3A_592 = arith.addi %add3A_268, %add3A_591 : i32
        %get3A_593 = arith.constant 1 : i32
        %get3A_594 = arith.index_cast %get3A_593 : i32 to index
        %get3A_595 = arith.index_cast %add3A_592 : i32 to index
        %get3A_596 = arith.constant 32 : index
        %get3A_597 = tpu.vector_load %arg13[%get3A_594, %get3A_595, %get3A_596] {strides = array<i32>} : memref<2x40x128xf32, #tpu.memory_space<vmem>>, vector<16xf32>,
        %mul3A_598 = arith.mulf %min3A_555, %get3A_597 : vector<16xf32>
        %add3A_599 = arith.constant 2 : i32
        %add3A_600 = arith.addi %add3A_268, %add3A_599 : i32
        %swap3A_601 = arith.constant 1 : i32
        %swap3A_602 = arith.index_cast %swap3A_601 : i32 to index
        %swap3A_603 = arith.index_cast %add3A_600 : i32 to index
        %swap3A_604 = arith.constant 32 : index
        %swap3A_605 = tpu.vector_load %arg13[%swap3A_602, %swap3A_603, %swap3A_604] {strides = array<i32>} : memref<2x40x128xf32, #tpu.memory_space<vmem>>, vector<16xf32>,
        tpu.vector_store %arg13[%swap3A_602, %swap3A_603, %swap3A_604], %mul3A_598 {strides = array<i32>} : memref<2x40x128xf32, #tpu.memory_space<vmem>>, vector<16xf32>,
        %add3A_606 = arith.constant 2 : i32
        %add3A_607 = arith.addi %add3A_268, %add3A_606 : i32
        %get3A_608 = arith.constant 1 : i32
        %get3A_609 = arith.index_cast %get3A_608 : i32 to index
        %get3A_610 = arith.index_cast %add3A_607 : i32 to index
        %get3A_611 = arith.constant 48 : index
        %get3A_612 = tpu.vector_load %arg13[%get3A_609, %get3A_610, %get3A_611] {strides = array<i32>} : memref<2x40x128xf32, #tpu.memory_space<vmem>>, vector<16xf32>,
        %mul3A_613 = arith.mulf %min3A_555, %get3A_612 : vector<16xf32>
        %add3A_614 = arith.constant 2 : i32
        %add3A_615 = arith.addi %add3A_268, %add3A_614 : i32
        %swap3A_616 = arith.constant 1 : i32
        %swap3A_617 = arith.index_cast %swap3A_616 : i32 to index
        %swap3A_618 = arith.index_cast %add3A_615 : i32 to index
        %swap3A_619 = arith.constant 48 : index
        %swap3A_620 = tpu.vector_load %arg13[%swap3A_617, %swap3A_618, %swap3A_619] {strides = array<i32>} : memref<2x40x128xf32, #tpu.memory_space<vmem>>, vector<16xf32>,
        tpu.vector_store %arg13[%swap3A_617, %swap3A_618, %swap3A_619], %mul3A_613 {strides = array<i32>} : memref<2x40x128xf32, #tpu.memory_space<vmem>>, vector<16xf32>,
        %add3A_621 = arith.constant 2 : i32
        %add3A_622 = arith.addi %add3A_268, %add3A_621 : i32
        %get3A_623 = arith.constant 1 : i32
        %get3A_624 = arith.index_cast %get3A_623 : i32 to index
        %get3A_625 = arith.index_cast %add3A_622 : i32 to index
        %get3A_626 = arith.constant 64 : index
        %get3A_627 = tpu.vector_load %arg13[%get3A_624, %get3A_625, %get3A_626] {strides = array<i32>} : memref<2x40x128xf32, #tpu.memory_space<vmem>>, vector<16xf32>,
        %mul3A_628 = arith.mulf %min3A_555, %get3A_627 : vector<16xf32>
        %add3A_629 = arith.constant 2 : i32
        %add3A_630 = arith.addi %add3A_268, %add3A_629 : i32
        %swap3A_631 = arith.constant 1 : i32
        %swap3A_632 = arith.index_cast %swap3A_631 : i32 to index
        %swap3A_633 = arith.index_cast %add3A_630 : i32 to index
        %swap3A_634 = arith.constant 64 : index
        %swap3A_635 = tpu.vector_load %arg13[%swap3A_632, %swap3A_633, %swap3A_634] {strides = array<i32>} : memref<2x40x128xf32, #tpu.memory_space<vmem>>, vector<16xf32>,
        tpu.vector_store %arg13[%swap3A_632, %swap3A_633, %swap3A_634], %mul3A_628 {strides = array<i32>} : memref<2x40x128xf32, #tpu.memory_space<vmem>>, vector<16xf32>,
        %add3A_636 = arith.constant 2 : i32
        %add3A_637 = arith.addi %add3A_268, %add3A_636 : i32
        %get3A_638 = arith.constant 1 : i32
        %get3A_639 = arith.index_cast %get3A_638 : i32 to index
        %get3A_640 = arith.index_cast %add3A_637 : i32 to index
        %get3A_641 = arith.constant 80 : index
        %get3A_642 = tpu.vector_load %arg13[%get3A_639, %get3A_640, %get3A_641] {strides = array<i32>} : memref<2x40x128xf32, #tpu.memory_space<vmem>>, vector<16xf32>,
        %mul3A_643 = arith.mulf %min3A_555, %get3A_642 : vector<16xf32>
        %add3A_644 = arith.constant 2 : i32
        %add3A_645 = arith.addi %add3A_268, %add3A_644 : i32
        %swap3A_646 = arith.constant 1 : i32
        %swap3A_647 = arith.index_cast %swap3A_646 : i32 to index
        %swap3A_648 = arith.index_cast %add3A_645 : i32 to index
        %swap3A_649 = arith.constant 80 : index
        %swap3A_650 = tpu.vector_load %arg13[%swap3A_647, %swap3A_648, %swap3A_649] {strides = array<i32>} : memref<2x40x128xf32, #tpu.memory_space<vmem>>, vector<16xf32>,
        tpu.vector_store %arg13[%swap3A_647, %swap3A_648, %swap3A_649], %mul3A_643 {strides = array<i32>} : memref<2x40x128xf32, #tpu.memory_space<vmem>>, vector<16xf32>,
        %add3A_651 = arith.constant 2 : i32
        %add3A_652 = arith.addi %add3A_268, %add3A_651 : i32
        %get3A_653 = arith.constant 1 : i32
        %get3A_654 = arith.index_cast %get3A_653 : i32 to index
        %get3A_655 = arith.index_cast %add3A_652 : i32 to index
        %get3A_656 = arith.constant 96 : index
        %get3A_657 = tpu.vector_load %arg13[%get3A_654, %get3A_655, %get3A_656] {strides = array<i32>} : memref<2x40x128xf32, #tpu.memory_space<vmem>>, vector<16xf32>,
        %mul3A_658 = arith.mulf %min3A_555, %get3A_657 : vector<16xf32>
        %add3A_659 = arith.constant 2 : i32
        %add3A_660 = arith.addi %add3A_268, %add3A_659 : i32
        %swap3A_661 = arith.constant 1 : i32
        %swap3A_662 = arith.index_cast %swap3A_661 : i32 to index
        %swap3A_663 = arith.index_cast %add3A_660 : i32 to index
        %swap3A_664 = arith.constant 96 : index
        %swap3A_665 = tpu.vector_load %arg13[%swap3A_662, %swap3A_663, %swap3A_664] {strides = array<i32>} : memref<2x40x128xf32, #tpu.memory_space<vmem>>, vector<16xf32>,
        tpu.vector_store %arg13[%swap3A_662, %swap3A_663, %swap3A_664], %mul3A_658 {strides = array<i32>} : memref<2x40x128xf32, #tpu.memory_space<vmem>>, vector<16xf32>,
        %add3A_666 = arith.constant 2 : i32
        %add3A_667 = arith.addi %add3A_268, %add3A_666 : i32
        %get3A_668 = arith.constant 1 : i32
        %get3A_669 = arith.index_cast %get3A_668 : i32 to index
        %get3A_670 = arith.index_cast %add3A_667 : i32 to index
        %get3A_671 = arith.constant 112 : index
        %get3A_672 = tpu.vector_load %arg13[%get3A_669, %get3A_670, %get3A_671] {strides = array<i32>} : memref<2x40x128xf32, #tpu.memory_space<vmem>>, vector<16xf32>,
        %mul3A_673 = arith.mulf %min3A_555, %get3A_672 : vector<16xf32>
        %add3A_674 = arith.constant 2 : i32
        %add3A_675 = arith.addi %add3A_268, %add3A_674 : i32
        %swap3A_676 = arith.constant 1 : i32
        %swap3A_677 = arith.index_cast %swap3A_676 : i32 to index
        %swap3A_678 = arith.index_cast %add3A_675 : i32 to index
        %swap3A_679 = arith.constant 112 : index
        %swap3A_680 = tpu.vector_load %arg13[%swap3A_677, %swap3A_678, %swap3A_679] {strides = array<i32>} : memref<2x40x128xf32, #tpu.memory_space<vmem>>, vector<16xf32>,
        tpu.vector_store %arg13[%swap3A_677, %swap3A_678, %swap3A_679], %mul3A_673 {strides = array<i32>} : memref<2x40x128xf32, #tpu.memory_space<vmem>>, vector<16xf32>,
        %add3A_681 = arith.constant 3 : i32
        %add3A_682 = arith.addi %add3A_268, %add3A_681 : i32
        %broadcast_in_dim3A_683 = vector.broadcast %add3A_682 : i32 to vector<16xi32>
        %gather3A_684 = arith.constant 1 : i32
        %gather3A_685 = arith.constant 0 : i32
        %gather3A_686 = tpu.memref_slice %arg11[%gather3A_684, %gather3A_685] : memref<2x40xf32, #tpu.memory_space<vmem>> -> memref<1x40xf32, #tpu.memory_space<vmem>>
        %gather3A_687 = tpu.memref_squeeze %gather3A_686 : memref<1x40xf32, #tpu.memory_space<vmem>> -> memref<40xf32, #tpu.memory_space<vmem>>
        %gather3A_688 = tpu.vector_load_idx %gather3A_687[%broadcast_in_dim3A_683] : memref<40xf32, #tpu.memory_space<vmem>>[vector<16xi32>], vector<16xf32>,
        %max3A_689 = arith.constant 0.000000e+00 : f32
        %max3A_690 = vector.broadcast %max3A_689 : f32 to vector<16xf32>
        %max3A_691 = arith.maximumf %gather3A_688, %max3A_690 : vector<16xf32>
        %min3A_692 = arith.constant 1.000000e+00 : f32
        %min3A_693 = vector.broadcast %min3A_692 : f32 to vector<16xf32>
        %min3A_694 = arith.minimumf %max3A_691, %min3A_693 : vector<16xf32>
        %gather3A_695 = arith.constant 1 : i32
        %gather3A_696 = arith.constant 0 : i32
        %gather3A_697 = tpu.memref_slice %arg10[%gather3A_695, %gather3A_696] : memref<2x40xi32, #tpu.memory_space<vmem>> -> memref<1x40xi32, #tpu.memory_space<vmem>>
        %gather3A_698 = tpu.memref_squeeze %gather3A_697 : memref<1x40xi32, #tpu.memory_space<vmem>> -> memref<40xi32, #tpu.memory_space<vmem>>
        %gather3A_699 = tpu.vector_load_idx %gather3A_698[%broadcast_in_dim3A_683] : memref<40xi32, #tpu.memory_space<vmem>>[vector<16xi32>], vector<16xi32>,
        tpu.vector_store_idx %arg14[%gather3A_699], %broadcast_in_dim3A_5 masked %eq3A_7 {add = true} : memref<10240xf32, #tpu.memory_space<vmem>>[vector<16xi32>], vector<16xf32>, vector<16xi1>
        %add3A_700 = arith.constant 3 : i32
        %add3A_701 = arith.addi %add3A_268, %add3A_700 : i32
        %get3A_702 = arith.constant 1 : i32
        %get3A_703 = arith.index_cast %get3A_702 : i32 to index
        %get3A_704 = arith.index_cast %add3A_701 : i32 to index
        %get3A_705 = arith.constant 0 : index
        %get3A_706 = tpu.vector_load %arg13[%get3A_703, %get3A_704, %get3A_705] {strides = array<i32>} : memref<2x40x128xf32, #tpu.memory_space<vmem>>, vector<16xf32>,
        %mul3A_707 = arith.mulf %min3A_694, %get3A_706 : vector<16xf32>
        %add3A_708 = arith.constant 3 : i32
        %add3A_709 = arith.addi %add3A_268, %add3A_708 : i32
        %swap3A_710 = arith.constant 1 : i32
        %swap3A_711 = arith.index_cast %swap3A_710 : i32 to index
        %swap3A_712 = arith.index_cast %add3A_709 : i32 to index
        %swap3A_713 = arith.constant 0 : index
        %swap3A_714 = tpu.vector_load %arg13[%swap3A_711, %swap3A_712, %swap3A_713] {strides = array<i32>} : memref<2x40x128xf32, #tpu.memory_space<vmem>>, vector<16xf32>,
        tpu.vector_store %arg13[%swap3A_711, %swap3A_712, %swap3A_713], %mul3A_707 {strides = array<i32>} : memref<2x40x128xf32, #tpu.memory_space<vmem>>, vector<16xf32>,
        %add3A_715 = arith.constant 3 : i32
        %add3A_716 = arith.addi %add3A_268, %add3A_715 : i32
        %get3A_717 = arith.constant 1 : i32
        %get3A_718 = arith.index_cast %get3A_717 : i32 to index
        %get3A_719 = arith.index_cast %add3A_716 : i32 to index
        %get3A_720 = arith.constant 16 : index
        %get3A_721 = tpu.vector_load %arg13[%get3A_718, %get3A_719, %get3A_720] {strides = array<i32>} : memref<2x40x128xf32, #tpu.memory_space<vmem>>, vector<16xf32>,
        %mul3A_722 = arith.mulf %min3A_694, %get3A_721 : vector<16xf32>
        %add3A_723 = arith.constant 3 : i32
        %add3A_724 = arith.addi %add3A_268, %add3A_723 : i32
        %swap3A_725 = arith.constant 1 : i32
        %swap3A_726 = arith.index_cast %swap3A_725 : i32 to index
        %swap3A_727 = arith.index_cast %add3A_724 : i32 to index
        %swap3A_728 = arith.constant 16 : index
        %swap3A_729 = tpu.vector_load %arg13[%swap3A_726, %swap3A_727, %swap3A_728] {strides = array<i32>} : memref<2x40x128xf32, #tpu.memory_space<vmem>>, vector<16xf32>,
        tpu.vector_store %arg13[%swap3A_726, %swap3A_727, %swap3A_728], %mul3A_722 {strides = array<i32>} : memref<2x40x128xf32, #tpu.memory_space<vmem>>, vector<16xf32>,
        %add3A_730 = arith.constant 3 : i32
        %add3A_731 = arith.addi %add3A_268, %add3A_730 : i32
        %get3A_732 = arith.constant 1 : i32
        %get3A_733 = arith.index_cast %get3A_732 : i32 to index
        %get3A_734 = arith.index_cast %add3A_731 : i32 to index
        %get3A_735 = arith.constant 32 : index
        %get3A_736 = tpu.vector_load %arg13[%get3A_733, %get3A_734, %get3A_735] {strides = array<i32>} : memref<2x40x128xf32, #tpu.memory_space<vmem>>, vector<16xf32>,
        %mul3A_737 = arith.mulf %min3A_694, %get3A_736 : vector<16xf32>
        %add3A_738 = arith.constant 3 : i32
        %add3A_739 = arith.addi %add3A_268, %add3A_738 : i32
        %swap3A_740 = arith.constant 1 : i32
        %swap3A_741 = arith.index_cast %swap3A_740 : i32 to index
        %swap3A_742 = arith.index_cast %add3A_739 : i32 to index
        %swap3A_743 = arith.constant 32 : index
        %swap3A_744 = tpu.vector_load %arg13[%swap3A_741, %swap3A_742, %swap3A_743] {strides = array<i32>} : memref<2x40x128xf32, #tpu.memory_space<vmem>>, vector<16xf32>,
        tpu.vector_store %arg13[%swap3A_741, %swap3A_742, %swap3A_743], %mul3A_737 {strides = array<i32>} : memref<2x40x128xf32, #tpu.memory_space<vmem>>, vector<16xf32>,
        %add3A_745 = arith.constant 3 : i32
        %add3A_746 = arith.addi %add3A_268, %add3A_745 : i32
        %get3A_747 = arith.constant 1 : i32
        %get3A_748 = arith.index_cast %get3A_747 : i32 to index
        %get3A_749 = arith.index_cast %add3A_746 : i32 to index
        %get3A_750 = arith.constant 48 : index
        %get3A_751 = tpu.vector_load %arg13[%get3A_748, %get3A_749, %get3A_750] {strides = array<i32>} : memref<2x40x128xf32, #tpu.memory_space<vmem>>, vector<16xf32>,
        %mul3A_752 = arith.mulf %min3A_694, %get3A_751 : vector<16xf32>
        %add3A_753 = arith.constant 3 : i32
        %add3A_754 = arith.addi %add3A_268, %add3A_753 : i32
        %swap3A_755 = arith.constant 1 : i32
        %swap3A_756 = arith.index_cast %swap3A_755 : i32 to index
        %swap3A_757 = arith.index_cast %add3A_754 : i32 to index
        %swap3A_758 = arith.constant 48 : index
        %swap3A_759 = tpu.vector_load %arg13[%swap3A_756, %swap3A_757, %swap3A_758] {strides = array<i32>} : memref<2x40x128xf32, #tpu.memory_space<vmem>>, vector<16xf32>,
        tpu.vector_store %arg13[%swap3A_756, %swap3A_757, %swap3A_758], %mul3A_752 {strides = array<i32>} : memref<2x40x128xf32, #tpu.memory_space<vmem>>, vector<16xf32>,
        %add3A_760 = arith.constant 3 : i32
        %add3A_761 = arith.addi %add3A_268, %add3A_760 : i32
        %get3A_762 = arith.constant 1 : i32
        %get3A_763 = arith.index_cast %get3A_762 : i32 to index
        %get3A_764 = arith.index_cast %add3A_761 : i32 to index
        %get3A_765 = arith.constant 64 : index
        %get3A_766 = tpu.vector_load %arg13[%get3A_763, %get3A_764, %get3A_765] {strides = array<i32>} : memref<2x40x128xf32, #tpu.memory_space<vmem>>, vector<16xf32>,
        %mul3A_767 = arith.mulf %min3A_694, %get3A_766 : vector<16xf32>
        %add3A_768 = arith.constant 3 : i32
        %add3A_769 = arith.addi %add3A_268, %add3A_768 : i32
        %swap3A_770 = arith.constant 1 : i32
        %swap3A_771 = arith.index_cast %swap3A_770 : i32 to index
        %swap3A_772 = arith.index_cast %add3A_769 : i32 to index
        %swap3A_773 = arith.constant 64 : index
        %swap3A_774 = tpu.vector_load %arg13[%swap3A_771, %swap3A_772, %swap3A_773] {strides = array<i32>} : memref<2x40x128xf32, #tpu.memory_space<vmem>>, vector<16xf32>,
        tpu.vector_store %arg13[%swap3A_771, %swap3A_772, %swap3A_773], %mul3A_767 {strides = array<i32>} : memref<2x40x128xf32, #tpu.memory_space<vmem>>, vector<16xf32>,
        %add3A_775 = arith.constant 3 : i32
        %add3A_776 = arith.addi %add3A_268, %add3A_775 : i32
        %get3A_777 = arith.constant 1 : i32
        %get3A_778 = arith.index_cast %get3A_777 : i32 to index
        %get3A_779 = arith.index_cast %add3A_776 : i32 to index
        %get3A_780 = arith.constant 80 : index
        %get3A_781 = tpu.vector_load %arg13[%get3A_778, %get3A_779, %get3A_780] {strides = array<i32>} : memref<2x40x128xf32, #tpu.memory_space<vmem>>, vector<16xf32>,
        %mul3A_782 = arith.mulf %min3A_694, %get3A_781 : vector<16xf32>
        %add3A_783 = arith.constant 3 : i32
        %add3A_784 = arith.addi %add3A_268, %add3A_783 : i32
        %swap3A_785 = arith.constant 1 : i32
        %swap3A_786 = arith.index_cast %swap3A_785 : i32 to index
        %swap3A_787 = arith.index_cast %add3A_784 : i32 to index
        %swap3A_788 = arith.constant 80 : index
        %swap3A_789 = tpu.vector_load %arg13[%swap3A_786, %swap3A_787, %swap3A_788] {strides = array<i32>} : memref<2x40x128xf32, #tpu.memory_space<vmem>>, vector<16xf32>,
        tpu.vector_store %arg13[%swap3A_786, %swap3A_787, %swap3A_788], %mul3A_782 {strides = array<i32>} : memref<2x40x128xf32, #tpu.memory_space<vmem>>, vector<16xf32>,
        %add3A_790 = arith.constant 3 : i32
        %add3A_791 = arith.addi %add3A_268, %add3A_790 : i32
        %get3A_792 = arith.constant 1 : i32
        %get3A_793 = arith.index_cast %get3A_792 : i32 to index
        %get3A_794 = arith.index_cast %add3A_791 : i32 to index
        %get3A_795 = arith.constant 96 : index
        %get3A_796 = tpu.vector_load %arg13[%get3A_793, %get3A_794, %get3A_795] {strides = array<i32>} : memref<2x40x128xf32, #tpu.memory_space<vmem>>, vector<16xf32>,
        %mul3A_797 = arith.mulf %min3A_694, %get3A_796 : vector<16xf32>
        %add3A_798 = arith.constant 3 : i32
        %add3A_799 = arith.addi %add3A_268, %add3A_798 : i32
        %swap3A_800 = arith.constant 1 : i32
        %swap3A_801 = arith.index_cast %swap3A_800 : i32 to index
        %swap3A_802 = arith.index_cast %add3A_799 : i32 to index
        %swap3A_803 = arith.constant 96 : index
        %swap3A_804 = tpu.vector_load %arg13[%swap3A_801, %swap3A_802, %swap3A_803] {strides = array<i32>} : memref<2x40x128xf32, #tpu.memory_space<vmem>>, vector<16xf32>,
        tpu.vector_store %arg13[%swap3A_801, %swap3A_802, %swap3A_803], %mul3A_797 {strides = array<i32>} : memref<2x40x128xf32, #tpu.memory_space<vmem>>, vector<16xf32>,
        %add3A_805 = arith.constant 3 : i32
        %add3A_806 = arith.addi %add3A_268, %add3A_805 : i32
        %get3A_807 = arith.constant 1 : i32
        %get3A_808 = arith.index_cast %get3A_807 : i32 to index
        %get3A_809 = arith.index_cast %add3A_806 : i32 to index
        %get3A_810 = arith.constant 112 : index
        %get3A_811 = tpu.vector_load %arg13[%get3A_808, %get3A_809, %get3A_810] {strides = array<i32>} : memref<2x40x128xf32, #tpu.memory_space<vmem>>, vector<16xf32>,
        %mul3A_812 = arith.mulf %min3A_694, %get3A_811 : vector<16xf32>
        %add3A_813 = arith.constant 3 : i32
        %add3A_814 = arith.addi %add3A_268, %add3A_813 : i32
        %swap3A_815 = arith.constant 1 : i32
        %swap3A_816 = arith.index_cast %swap3A_815 : i32 to index
        %swap3A_817 = arith.index_cast %add3A_814 : i32 to index
        %swap3A_818 = arith.constant 112 : index
        %swap3A_819 = tpu.vector_load %arg13[%swap3A_816, %swap3A_817, %swap3A_818] {strides = array<i32>} : memref<2x40x128xf32, #tpu.memory_space<vmem>>, vector<16xf32>,
        tpu.vector_store %arg13[%swap3A_816, %swap3A_817, %swap3A_818], %mul3A_812 {strides = array<i32>} : memref<2x40x128xf32, #tpu.memory_space<vmem>>, vector<16xf32>,
        %add3A_820 = arith.constant 4 : i32
        %add3A_821 = arith.addi %add3A_268, %add3A_820 : i32
        %broadcast_in_dim3A_822 = vector.broadcast %add3A_821 : i32 to vector<16xi32>
        %gather3A_823 = arith.constant 1 : i32
        %gather3A_824 = arith.constant 0 : i32
        %gather3A_825 = tpu.memref_slice %arg11[%gather3A_823, %gather3A_824] : memref<2x40xf32, #tpu.memory_space<vmem>> -> memref<1x40xf32, #tpu.memory_space<vmem>>
        %gather3A_826 = tpu.memref_squeeze %gather3A_825 : memref<1x40xf32, #tpu.memory_space<vmem>> -> memref<40xf32, #tpu.memory_space<vmem>>
        %gather3A_827 = tpu.vector_load_idx %gather3A_826[%broadcast_in_dim3A_822] : memref<40xf32, #tpu.memory_space<vmem>>[vector<16xi32>], vector<16xf32>,
        %max3A_828 = arith.constant 0.000000e+00 : f32
        %max3A_829 = vector.broadcast %max3A_828 : f32 to vector<16xf32>
        %max3A_830 = arith.maximumf %gather3A_827, %max3A_829 : vector<16xf32>
        %min3A_831 = arith.constant 1.000000e+00 : f32
        %min3A_832 = vector.broadcast %min3A_831 : f32 to vector<16xf32>
        %min3A_833 = arith.minimumf %max3A_830, %min3A_832 : vector<16xf32>
        %gather3A_834 = arith.constant 1 : i32
        %gather3A_835 = arith.constant 0 : i32
        %gather3A_836 = tpu.memref_slice %arg10[%gather3A_834, %gather3A_835] : memref<2x40xi32, #tpu.memory_space<vmem>> -> memref<1x40xi32, #tpu.memory_space<vmem>>
        %gather3A_837 = tpu.memref_squeeze %gather3A_836 : memref<1x40xi32, #tpu.memory_space<vmem>> -> memref<40xi32, #tpu.memory_space<vmem>>
        %gather3A_838 = tpu.vector_load_idx %gather3A_837[%broadcast_in_dim3A_822] : memref<40xi32, #tpu.memory_space<vmem>>[vector<16xi32>], vector<16xi32>,
        tpu.vector_store_idx %arg14[%gather3A_838], %broadcast_in_dim3A_5 masked %eq3A_7 {add = true} : memref<10240xf32, #tpu.memory_space<vmem>>[vector<16xi32>], vector<16xf32>, vector<16xi1>
        %add3A_839 = arith.constant 4 : i32
        %add3A_840 = arith.addi %add3A_268, %add3A_839 : i32
        %get3A_841 = arith.constant 1 : i32
        %get3A_842 = arith.index_cast %get3A_841 : i32 to index
        %get3A_843 = arith.index_cast %add3A_840 : i32 to index
        %get3A_844 = arith.constant 0 : index
        %get3A_845 = tpu.vector_load %arg13[%get3A_842, %get3A_843, %get3A_844] {strides = array<i32>} : memref<2x40x128xf32, #tpu.memory_space<vmem>>, vector<16xf32>,
        %mul3A_846 = arith.mulf %min3A_833, %get3A_845 : vector<16xf32>
        %add3A_847 = arith.constant 4 : i32
        %add3A_848 = arith.addi %add3A_268, %add3A_847 : i32
        %swap3A_849 = arith.constant 1 : i32
        %swap3A_850 = arith.index_cast %swap3A_849 : i32 to index
        %swap3A_851 = arith.index_cast %add3A_848 : i32 to index
        %swap3A_852 = arith.constant 0 : index
        %swap3A_853 = tpu.vector_load %arg13[%swap3A_850, %swap3A_851, %swap3A_852] {strides = array<i32>} : memref<2x40x128xf32, #tpu.memory_space<vmem>>, vector<16xf32>,
        tpu.vector_store %arg13[%swap3A_850, %swap3A_851, %swap3A_852], %mul3A_846 {strides = array<i32>} : memref<2x40x128xf32, #tpu.memory_space<vmem>>, vector<16xf32>,
        %add3A_854 = arith.constant 4 : i32
        %add3A_855 = arith.addi %add3A_268, %add3A_854 : i32
        %get3A_856 = arith.constant 1 : i32
        %get3A_857 = arith.index_cast %get3A_856 : i32 to index
        %get3A_858 = arith.index_cast %add3A_855 : i32 to index
        %get3A_859 = arith.constant 16 : index
        %get3A_860 = tpu.vector_load %arg13[%get3A_857, %get3A_858, %get3A_859] {strides = array<i32>} : memref<2x40x128xf32, #tpu.memory_space<vmem>>, vector<16xf32>,
        %mul3A_861 = arith.mulf %min3A_833, %get3A_860 : vector<16xf32>
        %add3A_862 = arith.constant 4 : i32
        %add3A_863 = arith.addi %add3A_268, %add3A_862 : i32
        %swap3A_864 = arith.constant 1 : i32
        %swap3A_865 = arith.index_cast %swap3A_864 : i32 to index
        %swap3A_866 = arith.index_cast %add3A_863 : i32 to index
        %swap3A_867 = arith.constant 16 : index
        %swap3A_868 = tpu.vector_load %arg13[%swap3A_865, %swap3A_866, %swap3A_867] {strides = array<i32>} : memref<2x40x128xf32, #tpu.memory_space<vmem>>, vector<16xf32>,
        tpu.vector_store %arg13[%swap3A_865, %swap3A_866, %swap3A_867], %mul3A_861 {strides = array<i32>} : memref<2x40x128xf32, #tpu.memory_space<vmem>>, vector<16xf32>,
        %add3A_869 = arith.constant 4 : i32
        %add3A_870 = arith.addi %add3A_268, %add3A_869 : i32
        %get3A_871 = arith.constant 1 : i32
        %get3A_872 = arith.index_cast %get3A_871 : i32 to index
        %get3A_873 = arith.index_cast %add3A_870 : i32 to index
        %get3A_874 = arith.constant 32 : index
        %get3A_875 = tpu.vector_load %arg13[%get3A_872, %get3A_873, %get3A_874] {strides = array<i32>} : memref<2x40x128xf32, #tpu.memory_space<vmem>>, vector<16xf32>,
        %mul3A_876 = arith.mulf %min3A_833, %get3A_875 : vector<16xf32>
        %add3A_877 = arith.constant 4 : i32
        %add3A_878 = arith.addi %add3A_268, %add3A_877 : i32
        %swap3A_879 = arith.constant 1 : i32
        %swap3A_880 = arith.index_cast %swap3A_879 : i32 to index
        %swap3A_881 = arith.index_cast %add3A_878 : i32 to index
        %swap3A_882 = arith.constant 32 : index
        %swap3A_883 = tpu.vector_load %arg13[%swap3A_880, %swap3A_881, %swap3A_882] {strides = array<i32>} : memref<2x40x128xf32, #tpu.memory_space<vmem>>, vector<16xf32>,
        tpu.vector_store %arg13[%swap3A_880, %swap3A_881, %swap3A_882], %mul3A_876 {strides = array<i32>} : memref<2x40x128xf32, #tpu.memory_space<vmem>>, vector<16xf32>,
        %add3A_884 = arith.constant 4 : i32
        %add3A_885 = arith.addi %add3A_268, %add3A_884 : i32
        %get3A_886 = arith.constant 1 : i32
        %get3A_887 = arith.index_cast %get3A_886 : i32 to index
        %get3A_888 = arith.index_cast %add3A_885 : i32 to index
        %get3A_889 = arith.constant 48 : index
        %get3A_890 = tpu.vector_load %arg13[%get3A_887, %get3A_888, %get3A_889] {strides = array<i32>} : memref<2x40x128xf32, #tpu.memory_space<vmem>>, vector<16xf32>,
        %mul3A_891 = arith.mulf %min3A_833, %get3A_890 : vector<16xf32>
        %add3A_892 = arith.constant 4 : i32
        %add3A_893 = arith.addi %add3A_268, %add3A_892 : i32
        %swap3A_894 = arith.constant 1 : i32
        %swap3A_895 = arith.index_cast %swap3A_894 : i32 to index
        %swap3A_896 = arith.index_cast %add3A_893 : i32 to index
        %swap3A_897 = arith.constant 48 : index
        %swap3A_898 = tpu.vector_load %arg13[%swap3A_895, %swap3A_896, %swap3A_897] {strides = array<i32>} : memref<2x40x128xf32, #tpu.memory_space<vmem>>, vector<16xf32>,
        tpu.vector_store %arg13[%swap3A_895, %swap3A_896, %swap3A_897], %mul3A_891 {strides = array<i32>} : memref<2x40x128xf32, #tpu.memory_space<vmem>>, vector<16xf32>,
        %add3A_899 = arith.constant 4 : i32
        %add3A_900 = arith.addi %add3A_268, %add3A_899 : i32
        %get3A_901 = arith.constant 1 : i32
        %get3A_902 = arith.index_cast %get3A_901 : i32 to index
        %get3A_903 = arith.index_cast %add3A_900 : i32 to index
        %get3A_904 = arith.constant 64 : index
        %get3A_905 = tpu.vector_load %arg13[%get3A_902, %get3A_903, %get3A_904] {strides = array<i32>} : memref<2x40x128xf32, #tpu.memory_space<vmem>>, vector<16xf32>,
        %mul3A_906 = arith.mulf %min3A_833, %get3A_905 : vector<16xf32>
        %add3A_907 = arith.constant 4 : i32
        %add3A_908 = arith.addi %add3A_268, %add3A_907 : i32
        %swap3A_909 = arith.constant 1 : i32
        %swap3A_910 = arith.index_cast %swap3A_909 : i32 to index
        %swap3A_911 = arith.index_cast %add3A_908 : i32 to index
        %swap3A_912 = arith.constant 64 : index
        %swap3A_913 = tpu.vector_load %arg13[%swap3A_910, %swap3A_911, %swap3A_912] {strides = array<i32>} : memref<2x40x128xf32, #tpu.memory_space<vmem>>, vector<16xf32>,
        tpu.vector_store %arg13[%swap3A_910, %swap3A_911, %swap3A_912], %mul3A_906 {strides = array<i32>} : memref<2x40x128xf32, #tpu.memory_space<vmem>>, vector<16xf32>,
        %add3A_914 = arith.constant 4 : i32
        %add3A_915 = arith.addi %add3A_268, %add3A_914 : i32
        %get3A_916 = arith.constant 1 : i32
        %get3A_917 = arith.index_cast %get3A_916 : i32 to index
        %get3A_918 = arith.index_cast %add3A_915 : i32 to index
        %get3A_919 = arith.constant 80 : index
        %get3A_920 = tpu.vector_load %arg13[%get3A_917, %get3A_918, %get3A_919] {strides = array<i32>} : memref<2x40x128xf32, #tpu.memory_space<vmem>>, vector<16xf32>,
        %mul3A_921 = arith.mulf %min3A_833, %get3A_920 : vector<16xf32>
        %add3A_922 = arith.constant 4 : i32
        %add3A_923 = arith.addi %add3A_268, %add3A_922 : i32
        %swap3A_924 = arith.constant 1 : i32
        %swap3A_925 = arith.index_cast %swap3A_924 : i32 to index
        %swap3A_926 = arith.index_cast %add3A_923 : i32 to index
        %swap3A_927 = arith.constant 80 : index
        %swap3A_928 = tpu.vector_load %arg13[%swap3A_925, %swap3A_926, %swap3A_927] {strides = array<i32>} : memref<2x40x128xf32, #tpu.memory_space<vmem>>, vector<16xf32>,
        tpu.vector_store %arg13[%swap3A_925, %swap3A_926, %swap3A_927], %mul3A_921 {strides = array<i32>} : memref<2x40x128xf32, #tpu.memory_space<vmem>>, vector<16xf32>,
        %add3A_929 = arith.constant 4 : i32
        %add3A_930 = arith.addi %add3A_268, %add3A_929 : i32
        %get3A_931 = arith.constant 1 : i32
        %get3A_932 = arith.index_cast %get3A_931 : i32 to index
        %get3A_933 = arith.index_cast %add3A_930 : i32 to index
        %get3A_934 = arith.constant 96 : index
        %get3A_935 = tpu.vector_load %arg13[%get3A_932, %get3A_933, %get3A_934] {strides = array<i32>} : memref<2x40x128xf32, #tpu.memory_space<vmem>>, vector<16xf32>,
        %mul3A_936 = arith.mulf %min3A_833, %get3A_935 : vector<16xf32>
        %add3A_937 = arith.constant 4 : i32
        %add3A_938 = arith.addi %add3A_268, %add3A_937 : i32
        %swap3A_939 = arith.constant 1 : i32
        %swap3A_940 = arith.index_cast %swap3A_939 : i32 to index
        %swap3A_941 = arith.index_cast %add3A_938 : i32 to index
        %swap3A_942 = arith.constant 96 : index
        %swap3A_943 = tpu.vector_load %arg13[%swap3A_940, %swap3A_941, %swap3A_942] {strides = array<i32>} : memref<2x40x128xf32, #tpu.memory_space<vmem>>, vector<16xf32>,
        tpu.vector_store %arg13[%swap3A_940, %swap3A_941, %swap3A_942], %mul3A_936 {strides = array<i32>} : memref<2x40x128xf32, #tpu.memory_space<vmem>>, vector<16xf32>,
        %add3A_944 = arith.constant 4 : i32
        %add3A_945 = arith.addi %add3A_268, %add3A_944 : i32
        %get3A_946 = arith.constant 1 : i32
        %get3A_947 = arith.index_cast %get3A_946 : i32 to index
        %get3A_948 = arith.index_cast %add3A_945 : i32 to index
        %get3A_949 = arith.constant 112 : index
        %get3A_950 = tpu.vector_load %arg13[%get3A_947, %get3A_948, %get3A_949] {strides = array<i32>} : memref<2x40x128xf32, #tpu.memory_space<vmem>>, vector<16xf32>,
        %mul3A_951 = arith.mulf %min3A_833, %get3A_950 : vector<16xf32>
        %add3A_952 = arith.constant 4 : i32
        %add3A_953 = arith.addi %add3A_268, %add3A_952 : i32
        %swap3A_954 = arith.constant 1 : i32
        %swap3A_955 = arith.index_cast %swap3A_954 : i32 to index
        %swap3A_956 = arith.index_cast %add3A_953 : i32 to index
        %swap3A_957 = arith.constant 112 : index
        %swap3A_958 = tpu.vector_load %arg13[%swap3A_955, %swap3A_956, %swap3A_957] {strides = array<i32>} : memref<2x40x128xf32, #tpu.memory_space<vmem>>, vector<16xf32>,
        tpu.vector_store %arg13[%swap3A_955, %swap3A_956, %swap3A_957], %mul3A_951 {strides = array<i32>} : memref<2x40x128xf32, #tpu.memory_space<vmem>>, vector<16xf32>,
        %add3A_959 = arith.constant 5 : i32
        %add3A_960 = arith.addi %add3A_268, %add3A_959 : i32
        %broadcast_in_dim3A_961 = vector.broadcast %add3A_960 : i32 to vector<16xi32>
        %gather3A_962 = arith.constant 1 : i32
        %gather3A_963 = arith.constant 0 : i32
        %gather3A_964 = tpu.memref_slice %arg11[%gather3A_962, %gather3A_963] : memref<2x40xf32, #tpu.memory_space<vmem>> -> memref<1x40xf32, #tpu.memory_space<vmem>>
        %gather3A_965 = tpu.memref_squeeze %gather3A_964 : memref<1x40xf32, #tpu.memory_space<vmem>> -> memref<40xf32, #tpu.memory_space<vmem>>
        %gather3A_966 = tpu.vector_load_idx %gather3A_965[%broadcast_in_dim3A_961] : memref<40xf32, #tpu.memory_space<vmem>>[vector<16xi32>], vector<16xf32>,
        %max3A_967 = arith.constant 0.000000e+00 : f32
        %max3A_968 = vector.broadcast %max3A_967 : f32 to vector<16xf32>
        %max3A_969 = arith.maximumf %gather3A_966, %max3A_968 : vector<16xf32>
        %min3A_970 = arith.constant 1.000000e+00 : f32
        %min3A_971 = vector.broadcast %min3A_970 : f32 to vector<16xf32>
        %min3A_972 = arith.minimumf %max3A_969, %min3A_971 : vector<16xf32>
        %gather3A_973 = arith.constant 1 : i32
        %gather3A_974 = arith.constant 0 : i32
        %gather3A_975 = tpu.memref_slice %arg10[%gather3A_973, %gather3A_974] : memref<2x40xi32, #tpu.memory_space<vmem>> -> memref<1x40xi32, #tpu.memory_space<vmem>>
        %gather3A_976 = tpu.memref_squeeze %gather3A_975 : memref<1x40xi32, #tpu.memory_space<vmem>> -> memref<40xi32, #tpu.memory_space<vmem>>
        %gather3A_977 = tpu.vector_load_idx %gather3A_976[%broadcast_in_dim3A_961] : memref<40xi32, #tpu.memory_space<vmem>>[vector<16xi32>], vector<16xi32>,
        tpu.vector_store_idx %arg14[%gather3A_977], %broadcast_in_dim3A_5 masked %eq3A_7 {add = true} : memref<10240xf32, #tpu.memory_space<vmem>>[vector<16xi32>], vector<16xf32>, vector<16xi1>
        %add3A_978 = arith.constant 5 : i32
        %add3A_979 = arith.addi %add3A_268, %add3A_978 : i32
        %get3A_980 = arith.constant 1 : i32
        %get3A_981 = arith.index_cast %get3A_980 : i32 to index
        %get3A_982 = arith.index_cast %add3A_979 : i32 to index
        %get3A_983 = arith.constant 0 : index
        %get3A_984 = tpu.vector_load %arg13[%get3A_981, %get3A_982, %get3A_983] {strides = array<i32>} : memref<2x40x128xf32, #tpu.memory_space<vmem>>, vector<16xf32>,
        %mul3A_985 = arith.mulf %min3A_972, %get3A_984 : vector<16xf32>
        %add3A_986 = arith.constant 5 : i32
        %add3A_987 = arith.addi %add3A_268, %add3A_986 : i32
        %swap3A_988 = arith.constant 1 : i32
        %swap3A_989 = arith.index_cast %swap3A_988 : i32 to index
        %swap3A_990 = arith.index_cast %add3A_987 : i32 to index
        %swap3A_991 = arith.constant 0 : index
        %swap3A_992 = tpu.vector_load %arg13[%swap3A_989, %swap3A_990, %swap3A_991] {strides = array<i32>} : memref<2x40x128xf32, #tpu.memory_space<vmem>>, vector<16xf32>,
        tpu.vector_store %arg13[%swap3A_989, %swap3A_990, %swap3A_991], %mul3A_985 {strides = array<i32>} : memref<2x40x128xf32, #tpu.memory_space<vmem>>, vector<16xf32>,
        %add3A_993 = arith.constant 5 : i32
        %add3A_994 = arith.addi %add3A_268, %add3A_993 : i32
        %get3A_995 = arith.constant 1 : i32
        %get3A_996 = arith.index_cast %get3A_995 : i32 to index
        %get3A_997 = arith.index_cast %add3A_994 : i32 to index
        %get3A_998 = arith.constant 16 : index
        %get3A_999 = tpu.vector_load %arg13[%get3A_996, %get3A_997, %get3A_998] {strides = array<i32>} : memref<2x40x128xf32, #tpu.memory_space<vmem>>, vector<16xf32>,
        %mul3A_1000 = arith.mulf %min3A_972, %get3A_999 : vector<16xf32>
        %add3A_1001 = arith.constant 5 : i32
        %add3A_1002 = arith.addi %add3A_268, %add3A_1001 : i32
        %swap3A_1003 = arith.constant 1 : i32
        %swap3A_1004 = arith.index_cast %swap3A_1003 : i32 to index
        %swap3A_1005 = arith.index_cast %add3A_1002 : i32 to index
        %swap3A_1006 = arith.constant 16 : index
        %swap3A_1007 = tpu.vector_load %arg13[%swap3A_1004, %swap3A_1005, %swap3A_1006] {strides = array<i32>} : memref<2x40x128xf32, #tpu.memory_space<vmem>>, vector<16xf32>,
        tpu.vector_store %arg13[%swap3A_1004, %swap3A_1005, %swap3A_1006], %mul3A_1000 {strides = array<i32>} : memref<2x40x128xf32, #tpu.memory_space<vmem>>, vector<16xf32>,
        %add3A_1008 = arith.constant 5 : i32
        %add3A_1009 = arith.addi %add3A_268, %add3A_1008 : i32
        %get3A_1010 = arith.constant 1 : i32
        %get3A_1011 = arith.index_cast %get3A_1010 : i32 to index
        %get3A_1012 = arith.index_cast %add3A_1009 : i32 to index
        %get3A_1013 = arith.constant 32 : index
        %get3A_1014 = tpu.vector_load %arg13[%get3A_1011, %get3A_1012, %get3A_1013] {strides = array<i32>} : memref<2x40x128xf32, #tpu.memory_space<vmem>>, vector<16xf32>,
        %mul3A_1015 = arith.mulf %min3A_972, %get3A_1014 : vector<16xf32>
        %add3A_1016 = arith.constant 5 : i32
        %add3A_1017 = arith.addi %add3A_268, %add3A_1016 : i32
        %swap3A_1018 = arith.constant 1 : i32
        %swap3A_1019 = arith.index_cast %swap3A_1018 : i32 to index
        %swap3A_1020 = arith.index_cast %add3A_1017 : i32 to index
        %swap3A_1021 = arith.constant 32 : index
        %swap3A_1022 = tpu.vector_load %arg13[%swap3A_1019, %swap3A_1020, %swap3A_1021] {strides = array<i32>} : memref<2x40x128xf32, #tpu.memory_space<vmem>>, vector<16xf32>,
        tpu.vector_store %arg13[%swap3A_1019, %swap3A_1020, %swap3A_1021], %mul3A_1015 {strides = array<i32>} : memref<2x40x128xf32, #tpu.memory_space<vmem>>, vector<16xf32>,
        %add3A_1023 = arith.constant 5 : i32
        %add3A_1024 = arith.addi %add3A_268, %add3A_1023 : i32
        %get3A_1025 = arith.constant 1 : i32
        %get3A_1026 = arith.index_cast %get3A_1025 : i32 to index
        %get3A_1027 = arith.index_cast %add3A_1024 : i32 to index
        %get3A_1028 = arith.constant 48 : index
        %get3A_1029 = tpu.vector_load %arg13[%get3A_1026, %get3A_1027, %get3A_1028] {strides = array<i32>} : memref<2x40x128xf32, #tpu.memory_space<vmem>>, vector<16xf32>,
        %mul3A_1030 = arith.mulf %min3A_972, %get3A_1029 : vector<16xf32>
        %add3A_1031 = arith.constant 5 : i32
        %add3A_1032 = arith.addi %add3A_268, %add3A_1031 : i32
        %swap3A_1033 = arith.constant 1 : i32
        %swap3A_1034 = arith.index_cast %swap3A_1033 : i32 to index
        %swap3A_1035 = arith.index_cast %add3A_1032 : i32 to index
        %swap3A_1036 = arith.constant 48 : index
        %swap3A_1037 = tpu.vector_load %arg13[%swap3A_1034, %swap3A_1035, %swap3A_1036] {strides = array<i32>} : memref<2x40x128xf32, #tpu.memory_space<vmem>>, vector<16xf32>,
        tpu.vector_store %arg13[%swap3A_1034, %swap3A_1035, %swap3A_1036], %mul3A_1030 {strides = array<i32>} : memref<2x40x128xf32, #tpu.memory_space<vmem>>, vector<16xf32>,
        %add3A_1038 = arith.constant 5 : i32
        %add3A_1039 = arith.addi %add3A_268, %add3A_1038 : i32
        %get3A_1040 = arith.constant 1 : i32
        %get3A_1041 = arith.index_cast %get3A_1040 : i32 to index
        %get3A_1042 = arith.index_cast %add3A_1039 : i32 to index
        %get3A_1043 = arith.constant 64 : index
        %get3A_1044 = tpu.vector_load %arg13[%get3A_1041, %get3A_1042, %get3A_1043] {strides = array<i32>} : memref<2x40x128xf32, #tpu.memory_space<vmem>>, vector<16xf32>,
        %mul3A_1045 = arith.mulf %min3A_972, %get3A_1044 : vector<16xf32>
        %add3A_1046 = arith.constant 5 : i32
        %add3A_1047 = arith.addi %add3A_268, %add3A_1046 : i32
        %swap3A_1048 = arith.constant 1 : i32
        %swap3A_1049 = arith.index_cast %swap3A_1048 : i32 to index
        %swap3A_1050 = arith.index_cast %add3A_1047 : i32 to index
        %swap3A_1051 = arith.constant 64 : index
        %swap3A_1052 = tpu.vector_load %arg13[%swap3A_1049, %swap3A_1050, %swap3A_1051] {strides = array<i32>} : memref<2x40x128xf32, #tpu.memory_space<vmem>>, vector<16xf32>,
        tpu.vector_store %arg13[%swap3A_1049, %swap3A_1050, %swap3A_1051], %mul3A_1045 {strides = array<i32>} : memref<2x40x128xf32, #tpu.memory_space<vmem>>, vector<16xf32>,
        %add3A_1053 = arith.constant 5 : i32
        %add3A_1054 = arith.addi %add3A_268, %add3A_1053 : i32
        %get3A_1055 = arith.constant 1 : i32
        %get3A_1056 = arith.index_cast %get3A_1055 : i32 to index
        %get3A_1057 = arith.index_cast %add3A_1054 : i32 to index
        %get3A_1058 = arith.constant 80 : index
        %get3A_1059 = tpu.vector_load %arg13[%get3A_1056, %get3A_1057, %get3A_1058] {strides = array<i32>} : memref<2x40x128xf32, #tpu.memory_space<vmem>>, vector<16xf32>,
        %mul3A_1060 = arith.mulf %min3A_972, %get3A_1059 : vector<16xf32>
        %add3A_1061 = arith.constant 5 : i32
        %add3A_1062 = arith.addi %add3A_268, %add3A_1061 : i32
        %swap3A_1063 = arith.constant 1 : i32
        %swap3A_1064 = arith.index_cast %swap3A_1063 : i32 to index
        %swap3A_1065 = arith.index_cast %add3A_1062 : i32 to index
        %swap3A_1066 = arith.constant 80 : index
        %swap3A_1067 = tpu.vector_load %arg13[%swap3A_1064, %swap3A_1065, %swap3A_1066] {strides = array<i32>} : memref<2x40x128xf32, #tpu.memory_space<vmem>>, vector<16xf32>,
        tpu.vector_store %arg13[%swap3A_1064, %swap3A_1065, %swap3A_1066], %mul3A_1060 {strides = array<i32>} : memref<2x40x128xf32, #tpu.memory_space<vmem>>, vector<16xf32>,
        %add3A_1068 = arith.constant 5 : i32
        %add3A_1069 = arith.addi %add3A_268, %add3A_1068 : i32
        %get3A_1070 = arith.constant 1 : i32
        %get3A_1071 = arith.index_cast %get3A_1070 : i32 to index
        %get3A_1072 = arith.index_cast %add3A_1069 : i32 to index
        %get3A_1073 = arith.constant 96 : index
        %get3A_1074 = tpu.vector_load %arg13[%get3A_1071, %get3A_1072, %get3A_1073] {strides = array<i32>} : memref<2x40x128xf32, #tpu.memory_space<vmem>>, vector<16xf32>,
        %mul3A_1075 = arith.mulf %min3A_972, %get3A_1074 : vector<16xf32>
        %add3A_1076 = arith.constant 5 : i32
        %add3A_1077 = arith.addi %add3A_268, %add3A_1076 : i32
        %swap3A_1078 = arith.constant 1 : i32
        %swap3A_1079 = arith.index_cast %swap3A_1078 : i32 to index
        %swap3A_1080 = arith.index_cast %add3A_1077 : i32 to index
        %swap3A_1081 = arith.constant 96 : index
        %swap3A_1082 = tpu.vector_load %arg13[%swap3A_1079, %swap3A_1080, %swap3A_1081] {strides = array<i32>} : memref<2x40x128xf32, #tpu.memory_space<vmem>>, vector<16xf32>,
        tpu.vector_store %arg13[%swap3A_1079, %swap3A_1080, %swap3A_1081], %mul3A_1075 {strides = array<i32>} : memref<2x40x128xf32, #tpu.memory_space<vmem>>, vector<16xf32>,
        %add3A_1083 = arith.constant 5 : i32
        %add3A_1084 = arith.addi %add3A_268, %add3A_1083 : i32
        %get3A_1085 = arith.constant 1 : i32
        %get3A_1086 = arith.index_cast %get3A_1085 : i32 to index
        %get3A_1087 = arith.index_cast %add3A_1084 : i32 to index
        %get3A_1088 = arith.constant 112 : index
        %get3A_1089 = tpu.vector_load %arg13[%get3A_1086, %get3A_1087, %get3A_1088] {strides = array<i32>} : memref<2x40x128xf32, #tpu.memory_space<vmem>>, vector<16xf32>,
        %mul3A_1090 = arith.mulf %min3A_972, %get3A_1089 : vector<16xf32>
        %add3A_1091 = arith.constant 5 : i32
        %add3A_1092 = arith.addi %add3A_268, %add3A_1091 : i32
        %swap3A_1093 = arith.constant 1 : i32
        %swap3A_1094 = arith.index_cast %swap3A_1093 : i32 to index
        %swap3A_1095 = arith.index_cast %add3A_1092 : i32 to index
        %swap3A_1096 = arith.constant 112 : index
        %swap3A_1097 = tpu.vector_load %arg13[%swap3A_1094, %swap3A_1095, %swap3A_1096] {strides = array<i32>} : memref<2x40x128xf32, #tpu.memory_space<vmem>>, vector<16xf32>,
        tpu.vector_store %arg13[%swap3A_1094, %swap3A_1095, %swap3A_1096], %mul3A_1090 {strides = array<i32>} : memref<2x40x128xf32, #tpu.memory_space<vmem>>, vector<16xf32>,
        %add3A_1098 = arith.constant 6 : i32
        %add3A_1099 = arith.addi %add3A_268, %add3A_1098 : i32
        %broadcast_in_dim3A_1100 = vector.broadcast %add3A_1099 : i32 to vector<16xi32>
        %gather3A_1101 = arith.constant 1 : i32
        %gather3A_1102 = arith.constant 0 : i32
        %gather3A_1103 = tpu.memref_slice %arg11[%gather3A_1101, %gather3A_1102] : memref<2x40xf32, #tpu.memory_space<vmem>> -> memref<1x40xf32, #tpu.memory_space<vmem>>
        %gather3A_1104 = tpu.memref_squeeze %gather3A_1103 : memref<1x40xf32, #tpu.memory_space<vmem>> -> memref<40xf32, #tpu.memory_space<vmem>>
        %gather3A_1105 = tpu.vector_load_idx %gather3A_1104[%broadcast_in_dim3A_1100] : memref<40xf32, #tpu.memory_space<vmem>>[vector<16xi32>], vector<16xf32>,
        %max3A_1106 = arith.constant 0.000000e+00 : f32
        %max3A_1107 = vector.broadcast %max3A_1106 : f32 to vector<16xf32>
        %max3A_1108 = arith.maximumf %gather3A_1105, %max3A_1107 : vector<16xf32>
        %min3A_1109 = arith.constant 1.000000e+00 : f32
        %min3A_1110 = vector.broadcast %min3A_1109 : f32 to vector<16xf32>
        %min3A_1111 = arith.minimumf %max3A_1108, %min3A_1110 : vector<16xf32>
        %gather3A_1112 = arith.constant 1 : i32
        %gather3A_1113 = arith.constant 0 : i32
        %gather3A_1114 = tpu.memref_slice %arg10[%gather3A_1112, %gather3A_1113] : memref<2x40xi32, #tpu.memory_space<vmem>> -> memref<1x40xi32, #tpu.memory_space<vmem>>
        %gather3A_1115 = tpu.memref_squeeze %gather3A_1114 : memref<1x40xi32, #tpu.memory_space<vmem>> -> memref<40xi32, #tpu.memory_space<vmem>>
        %gather3A_1116 = tpu.vector_load_idx %gather3A_1115[%broadcast_in_dim3A_1100] : memref<40xi32, #tpu.memory_space<vmem>>[vector<16xi32>], vector<16xi32>,
        tpu.vector_store_idx %arg14[%gather3A_1116], %broadcast_in_dim3A_5 masked %eq3A_7 {add = true} : memref<10240xf32, #tpu.memory_space<vmem>>[vector<16xi32>], vector<16xf32>, vector<16xi1>
        %add3A_1117 = arith.constant 6 : i32
        %add3A_1118 = arith.addi %add3A_268, %add3A_1117 : i32
        %get3A_1119 = arith.constant 1 : i32
        %get3A_1120 = arith.index_cast %get3A_1119 : i32 to index
        %get3A_1121 = arith.index_cast %add3A_1118 : i32 to index
        %get3A_1122 = arith.constant 0 : index
        %get3A_1123 = tpu.vector_load %arg13[%get3A_1120, %get3A_1121, %get3A_1122] {strides = array<i32>} : memref<2x40x128xf32, #tpu.memory_space<vmem>>, vector<16xf32>,
        %mul3A_1124 = arith.mulf %min3A_1111, %get3A_1123 : vector<16xf32>
        %add3A_1125 = arith.constant 6 : i32
        %add3A_1126 = arith.addi %add3A_268, %add3A_1125 : i32
        %swap3A_1127 = arith.constant 1 : i32
        %swap3A_1128 = arith.index_cast %swap3A_1127 : i32 to index
        %swap3A_1129 = arith.index_cast %add3A_1126 : i32 to index
        %swap3A_1130 = arith.constant 0 : index
        %swap3A_1131 = tpu.vector_load %arg13[%swap3A_1128, %swap3A_1129, %swap3A_1130] {strides = array<i32>} : memref<2x40x128xf32, #tpu.memory_space<vmem>>, vector<16xf32>,
        tpu.vector_store %arg13[%swap3A_1128, %swap3A_1129, %swap3A_1130], %mul3A_1124 {strides = array<i32>} : memref<2x40x128xf32, #tpu.memory_space<vmem>>, vector<16xf32>,
        %add3A_1132 = arith.constant 6 : i32
        %add3A_1133 = arith.addi %add3A_268, %add3A_1132 : i32
        %get3A_1134 = arith.constant 1 : i32
        %get3A_1135 = arith.index_cast %get3A_1134 : i32 to index
        %get3A_1136 = arith.index_cast %add3A_1133 : i32 to index
        %get3A_1137 = arith.constant 16 : index
        %get3A_1138 = tpu.vector_load %arg13[%get3A_1135, %get3A_1136, %get3A_1137] {strides = array<i32>} : memref<2x40x128xf32, #tpu.memory_space<vmem>>, vector<16xf32>,
        %mul3A_1139 = arith.mulf %min3A_1111, %get3A_1138 : vector<16xf32>
        %add3A_1140 = arith.constant 6 : i32
        %add3A_1141 = arith.addi %add3A_268, %add3A_1140 : i32
        %swap3A_1142 = arith.constant 1 : i32
        %swap3A_1143 = arith.index_cast %swap3A_1142 : i32 to index
        %swap3A_1144 = arith.index_cast %add3A_1141 : i32 to index
        %swap3A_1145 = arith.constant 16 : index
        %swap3A_1146 = tpu.vector_load %arg13[%swap3A_1143, %swap3A_1144, %swap3A_1145] {strides = array<i32>} : memref<2x40x128xf32, #tpu.memory_space<vmem>>, vector<16xf32>,
        tpu.vector_store %arg13[%swap3A_1143, %swap3A_1144, %swap3A_1145], %mul3A_1139 {strides = array<i32>} : memref<2x40x128xf32, #tpu.memory_space<vmem>>, vector<16xf32>,
        %add3A_1147 = arith.constant 6 : i32
        %add3A_1148 = arith.addi %add3A_268, %add3A_1147 : i32
        %get3A_1149 = arith.constant 1 : i32
        %get3A_1150 = arith.index_cast %get3A_1149 : i32 to index
        %get3A_1151 = arith.index_cast %add3A_1148 : i32 to index
        %get3A_1152 = arith.constant 32 : index
        %get3A_1153 = tpu.vector_load %arg13[%get3A_1150, %get3A_1151, %get3A_1152] {strides = array<i32>} : memref<2x40x128xf32, #tpu.memory_space<vmem>>, vector<16xf32>,
        %mul3A_1154 = arith.mulf %min3A_1111, %get3A_1153 : vector<16xf32>
        %add3A_1155 = arith.constant 6 : i32
        %add3A_1156 = arith.addi %add3A_268, %add3A_1155 : i32
        %swap3A_1157 = arith.constant 1 : i32
        %swap3A_1158 = arith.index_cast %swap3A_1157 : i32 to index
        %swap3A_1159 = arith.index_cast %add3A_1156 : i32 to index
        %swap3A_1160 = arith.constant 32 : index
        %swap3A_1161 = tpu.vector_load %arg13[%swap3A_1158, %swap3A_1159, %swap3A_1160] {strides = array<i32>} : memref<2x40x128xf32, #tpu.memory_space<vmem>>, vector<16xf32>,
        tpu.vector_store %arg13[%swap3A_1158, %swap3A_1159, %swap3A_1160], %mul3A_1154 {strides = array<i32>} : memref<2x40x128xf32, #tpu.memory_space<vmem>>, vector<16xf32>,
        %add3A_1162 = arith.constant 6 : i32
        %add3A_1163 = arith.addi %add3A_268, %add3A_1162 : i32
        %get3A_1164 = arith.constant 1 : i32
        %get3A_1165 = arith.index_cast %get3A_1164 : i32 to index
        %get3A_1166 = arith.index_cast %add3A_1163 : i32 to index
        %get3A_1167 = arith.constant 48 : index
        %get3A_1168 = tpu.vector_load %arg13[%get3A_1165, %get3A_1166, %get3A_1167] {strides = array<i32>} : memref<2x40x128xf32, #tpu.memory_space<vmem>>, vector<16xf32>,
        %mul3A_1169 = arith.mulf %min3A_1111, %get3A_1168 : vector<16xf32>
        %add3A_1170 = arith.constant 6 : i32
        %add3A_1171 = arith.addi %add3A_268, %add3A_1170 : i32
        %swap3A_1172 = arith.constant 1 : i32
        %swap3A_1173 = arith.index_cast %swap3A_1172 : i32 to index
        %swap3A_1174 = arith.index_cast %add3A_1171 : i32 to index
        %swap3A_1175 = arith.constant 48 : index
        %swap3A_1176 = tpu.vector_load %arg13[%swap3A_1173, %swap3A_1174, %swap3A_1175] {strides = array<i32>} : memref<2x40x128xf32, #tpu.memory_space<vmem>>, vector<16xf32>,
        tpu.vector_store %arg13[%swap3A_1173, %swap3A_1174, %swap3A_1175], %mul3A_1169 {strides = array<i32>} : memref<2x40x128xf32, #tpu.memory_space<vmem>>, vector<16xf32>,
        %add3A_1177 = arith.constant 6 : i32
        %add3A_1178 = arith.addi %add3A_268, %add3A_1177 : i32
        %get3A_1179 = arith.constant 1 : i32
        %get3A_1180 = arith.index_cast %get3A_1179 : i32 to index
        %get3A_1181 = arith.index_cast %add3A_1178 : i32 to index
        %get3A_1182 = arith.constant 64 : index
        %get3A_1183 = tpu.vector_load %arg13[%get3A_1180, %get3A_1181, %get3A_1182] {strides = array<i32>} : memref<2x40x128xf32, #tpu.memory_space<vmem>>, vector<16xf32>,
        %mul3A_1184 = arith.mulf %min3A_1111, %get3A_1183 : vector<16xf32>
        %add3A_1185 = arith.constant 6 : i32
        %add3A_1186 = arith.addi %add3A_268, %add3A_1185 : i32
        %swap3A_1187 = arith.constant 1 : i32
        %swap3A_1188 = arith.index_cast %swap3A_1187 : i32 to index
        %swap3A_1189 = arith.index_cast %add3A_1186 : i32 to index
        %swap3A_1190 = arith.constant 64 : index
        %swap3A_1191 = tpu.vector_load %arg13[%swap3A_1188, %swap3A_1189, %swap3A_1190] {strides = array<i32>} : memref<2x40x128xf32, #tpu.memory_space<vmem>>, vector<16xf32>,
        tpu.vector_store %arg13[%swap3A_1188, %swap3A_1189, %swap3A_1190], %mul3A_1184 {strides = array<i32>} : memref<2x40x128xf32, #tpu.memory_space<vmem>>, vector<16xf32>,
        %add3A_1192 = arith.constant 6 : i32
        %add3A_1193 = arith.addi %add3A_268, %add3A_1192 : i32
        %get3A_1194 = arith.constant 1 : i32
        %get3A_1195 = arith.index_cast %get3A_1194 : i32 to index
        %get3A_1196 = arith.index_cast %add3A_1193 : i32 to index
        %get3A_1197 = arith.constant 80 : index
        %get3A_1198 = tpu.vector_load %arg13[%get3A_1195, %get3A_1196, %get3A_1197] {strides = array<i32>} : memref<2x40x128xf32, #tpu.memory_space<vmem>>, vector<16xf32>,
        %mul3A_1199 = arith.mulf %min3A_1111, %get3A_1198 : vector<16xf32>
        %add3A_1200 = arith.constant 6 : i32
        %add3A_1201 = arith.addi %add3A_268, %add3A_1200 : i32
        %swap3A_1202 = arith.constant 1 : i32
        %swap3A_1203 = arith.index_cast %swap3A_1202 : i32 to index
        %swap3A_1204 = arith.index_cast %add3A_1201 : i32 to index
        %swap3A_1205 = arith.constant 80 : index
        %swap3A_1206 = tpu.vector_load %arg13[%swap3A_1203, %swap3A_1204, %swap3A_1205] {strides = array<i32>} : memref<2x40x128xf32, #tpu.memory_space<vmem>>, vector<16xf32>,
        tpu.vector_store %arg13[%swap3A_1203, %swap3A_1204, %swap3A_1205], %mul3A_1199 {strides = array<i32>} : memref<2x40x128xf32, #tpu.memory_space<vmem>>, vector<16xf32>,
        %add3A_1207 = arith.constant 6 : i32
        %add3A_1208 = arith.addi %add3A_268, %add3A_1207 : i32
        %get3A_1209 = arith.constant 1 : i32
        %get3A_1210 = arith.index_cast %get3A_1209 : i32 to index
        %get3A_1211 = arith.index_cast %add3A_1208 : i32 to index
        %get3A_1212 = arith.constant 96 : index
        %get3A_1213 = tpu.vector_load %arg13[%get3A_1210, %get3A_1211, %get3A_1212] {strides = array<i32>} : memref<2x40x128xf32, #tpu.memory_space<vmem>>, vector<16xf32>,
        %mul3A_1214 = arith.mulf %min3A_1111, %get3A_1213 : vector<16xf32>
        %add3A_1215 = arith.constant 6 : i32
        %add3A_1216 = arith.addi %add3A_268, %add3A_1215 : i32
        %swap3A_1217 = arith.constant 1 : i32
        %swap3A_1218 = arith.index_cast %swap3A_1217 : i32 to index
        %swap3A_1219 = arith.index_cast %add3A_1216 : i32 to index
        %swap3A_1220 = arith.constant 96 : index
        %swap3A_1221 = tpu.vector_load %arg13[%swap3A_1218, %swap3A_1219, %swap3A_1220] {strides = array<i32>} : memref<2x40x128xf32, #tpu.memory_space<vmem>>, vector<16xf32>,
        tpu.vector_store %arg13[%swap3A_1218, %swap3A_1219, %swap3A_1220], %mul3A_1214 {strides = array<i32>} : memref<2x40x128xf32, #tpu.memory_space<vmem>>, vector<16xf32>,
        %add3A_1222 = arith.constant 6 : i32
        %add3A_1223 = arith.addi %add3A_268, %add3A_1222 : i32
        %get3A_1224 = arith.constant 1 : i32
        %get3A_1225 = arith.index_cast %get3A_1224 : i32 to index
        %get3A_1226 = arith.index_cast %add3A_1223 : i32 to index
        %get3A_1227 = arith.constant 112 : index
        %get3A_1228 = tpu.vector_load %arg13[%get3A_1225, %get3A_1226, %get3A_1227] {strides = array<i32>} : memref<2x40x128xf32, #tpu.memory_space<vmem>>, vector<16xf32>,
        %mul3A_1229 = arith.mulf %min3A_1111, %get3A_1228 : vector<16xf32>
        %add3A_1230 = arith.constant 6 : i32
        %add3A_1231 = arith.addi %add3A_268, %add3A_1230 : i32
        %swap3A_1232 = arith.constant 1 : i32
        %swap3A_1233 = arith.index_cast %swap3A_1232 : i32 to index
        %swap3A_1234 = arith.index_cast %add3A_1231 : i32 to index
        %swap3A_1235 = arith.constant 112 : index
        %swap3A_1236 = tpu.vector_load %arg13[%swap3A_1233, %swap3A_1234, %swap3A_1235] {strides = array<i32>} : memref<2x40x128xf32, #tpu.memory_space<vmem>>, vector<16xf32>,
        tpu.vector_store %arg13[%swap3A_1233, %swap3A_1234, %swap3A_1235], %mul3A_1229 {strides = array<i32>} : memref<2x40x128xf32, #tpu.memory_space<vmem>>, vector<16xf32>,
        %add3A_1237 = arith.constant 7 : i32
        %add3A_1238 = arith.addi %add3A_268, %add3A_1237 : i32
        %broadcast_in_dim3A_1239 = vector.broadcast %add3A_1238 : i32 to vector<16xi32>
        %gather3A_1240 = arith.constant 1 : i32
        %gather3A_1241 = arith.constant 0 : i32
        %gather3A_1242 = tpu.memref_slice %arg11[%gather3A_1240, %gather3A_1241] : memref<2x40xf32, #tpu.memory_space<vmem>> -> memref<1x40xf32, #tpu.memory_space<vmem>>
        %gather3A_1243 = tpu.memref_squeeze %gather3A_1242 : memref<1x40xf32, #tpu.memory_space<vmem>> -> memref<40xf32, #tpu.memory_space<vmem>>
        %gather3A_1244 = tpu.vector_load_idx %gather3A_1243[%broadcast_in_dim3A_1239] : memref<40xf32, #tpu.memory_space<vmem>>[vector<16xi32>], vector<16xf32>,
        %max3A_1245 = arith.constant 0.000000e+00 : f32
        %max3A_1246 = vector.broadcast %max3A_1245 : f32 to vector<16xf32>
        %max3A_1247 = arith.maximumf %gather3A_1244, %max3A_1246 : vector<16xf32>
        %min3A_1248 = arith.constant 1.000000e+00 : f32
        %min3A_1249 = vector.broadcast %min3A_1248 : f32 to vector<16xf32>
        %min3A_1250 = arith.minimumf %max3A_1247, %min3A_1249 : vector<16xf32>
        %gather3A_1251 = arith.constant 1 : i32
        %gather3A_1252 = arith.constant 0 : i32
        %gather3A_1253 = tpu.memref_slice %arg10[%gather3A_1251, %gather3A_1252] : memref<2x40xi32, #tpu.memory_space<vmem>> -> memref<1x40xi32, #tpu.memory_space<vmem>>
        %gather3A_1254 = tpu.memref_squeeze %gather3A_1253 : memref<1x40xi32, #tpu.memory_space<vmem>> -> memref<40xi32, #tpu.memory_space<vmem>>
        %gather3A_1255 = tpu.vector_load_idx %gather3A_1254[%broadcast_in_dim3A_1239] : memref<40xi32, #tpu.memory_space<vmem>>[vector<16xi32>], vector<16xi32>,
        tpu.vector_store_idx %arg14[%gather3A_1255], %broadcast_in_dim3A_5 masked %eq3A_7 {add = true} : memref<10240xf32, #tpu.memory_space<vmem>>[vector<16xi32>], vector<16xf32>, vector<16xi1>
        %add3A_1256 = arith.constant 7 : i32
        %add3A_1257 = arith.addi %add3A_268, %add3A_1256 : i32
        %get3A_1258 = arith.constant 1 : i32
        %get3A_1259 = arith.index_cast %get3A_1258 : i32 to index
        %get3A_1260 = arith.index_cast %add3A_1257 : i32 to index
        %get3A_1261 = arith.constant 0 : index
        %get3A_1262 = tpu.vector_load %arg13[%get3A_1259, %get3A_1260, %get3A_1261] {strides = array<i32>} : memref<2x40x128xf32, #tpu.memory_space<vmem>>, vector<16xf32>,
        %mul3A_1263 = arith.mulf %min3A_1250, %get3A_1262 : vector<16xf32>
        %add3A_1264 = arith.constant 7 : i32
        %add3A_1265 = arith.addi %add3A_268, %add3A_1264 : i32
        %swap3A_1266 = arith.constant 1 : i32
        %swap3A_1267 = arith.index_cast %swap3A_1266 : i32 to index
        %swap3A_1268 = arith.index_cast %add3A_1265 : i32 to index
        %swap3A_1269 = arith.constant 0 : index
        %swap3A_1270 = tpu.vector_load %arg13[%swap3A_1267, %swap3A_1268, %swap3A_1269] {strides = array<i32>} : memref<2x40x128xf32, #tpu.memory_space<vmem>>, vector<16xf32>,
        tpu.vector_store %arg13[%swap3A_1267, %swap3A_1268, %swap3A_1269], %mul3A_1263 {strides = array<i32>} : memref<2x40x128xf32, #tpu.memory_space<vmem>>, vector<16xf32>,
        %add3A_1271 = arith.constant 7 : i32
        %add3A_1272 = arith.addi %add3A_268, %add3A_1271 : i32
        %get3A_1273 = arith.constant 1 : i32
        %get3A_1274 = arith.index_cast %get3A_1273 : i32 to index
        %get3A_1275 = arith.index_cast %add3A_1272 : i32 to index
        %get3A_1276 = arith.constant 16 : index
        %get3A_1277 = tpu.vector_load %arg13[%get3A_1274, %get3A_1275, %get3A_1276] {strides = array<i32>} : memref<2x40x128xf32, #tpu.memory_space<vmem>>, vector<16xf32>,
        %mul3A_1278 = arith.mulf %min3A_1250, %get3A_1277 : vector<16xf32>
        %add3A_1279 = arith.constant 7 : i32
        %add3A_1280 = arith.addi %add3A_268, %add3A_1279 : i32
        %swap3A_1281 = arith.constant 1 : i32
        %swap3A_1282 = arith.index_cast %swap3A_1281 : i32 to index
        %swap3A_1283 = arith.index_cast %add3A_1280 : i32 to index
        %swap3A_1284 = arith.constant 16 : index
        %swap3A_1285 = tpu.vector_load %arg13[%swap3A_1282, %swap3A_1283, %swap3A_1284] {strides = array<i32>} : memref<2x40x128xf32, #tpu.memory_space<vmem>>, vector<16xf32>,
        tpu.vector_store %arg13[%swap3A_1282, %swap3A_1283, %swap3A_1284], %mul3A_1278 {strides = array<i32>} : memref<2x40x128xf32, #tpu.memory_space<vmem>>, vector<16xf32>,
        %add3A_1286 = arith.constant 7 : i32
        %add3A_1287 = arith.addi %add3A_268, %add3A_1286 : i32
        %get3A_1288 = arith.constant 1 : i32
        %get3A_1289 = arith.index_cast %get3A_1288 : i32 to index
        %get3A_1290 = arith.index_cast %add3A_1287 : i32 to index
        %get3A_1291 = arith.constant 32 : index
        %get3A_1292 = tpu.vector_load %arg13[%get3A_1289, %get3A_1290, %get3A_1291] {strides = array<i32>} : memref<2x40x128xf32, #tpu.memory_space<vmem>>, vector<16xf32>,
        %mul3A_1293 = arith.mulf %min3A_1250, %get3A_1292 : vector<16xf32>
        %add3A_1294 = arith.constant 7 : i32
        %add3A_1295 = arith.addi %add3A_268, %add3A_1294 : i32
        %swap3A_1296 = arith.constant 1 : i32
        %swap3A_1297 = arith.index_cast %swap3A_1296 : i32 to index
        %swap3A_1298 = arith.index_cast %add3A_1295 : i32 to index
        %swap3A_1299 = arith.constant 32 : index
        %swap3A_1300 = tpu.vector_load %arg13[%swap3A_1297, %swap3A_1298, %swap3A_1299] {strides = array<i32>} : memref<2x40x128xf32, #tpu.memory_space<vmem>>, vector<16xf32>,
        tpu.vector_store %arg13[%swap3A_1297, %swap3A_1298, %swap3A_1299], %mul3A_1293 {strides = array<i32>} : memref<2x40x128xf32, #tpu.memory_space<vmem>>, vector<16xf32>,
        %add3A_1301 = arith.constant 7 : i32
        %add3A_1302 = arith.addi %add3A_268, %add3A_1301 : i32
        %get3A_1303 = arith.constant 1 : i32
        %get3A_1304 = arith.index_cast %get3A_1303 : i32 to index
        %get3A_1305 = arith.index_cast %add3A_1302 : i32 to index
        %get3A_1306 = arith.constant 48 : index
        %get3A_1307 = tpu.vector_load %arg13[%get3A_1304, %get3A_1305, %get3A_1306] {strides = array<i32>} : memref<2x40x128xf32, #tpu.memory_space<vmem>>, vector<16xf32>,
        %mul3A_1308 = arith.mulf %min3A_1250, %get3A_1307 : vector<16xf32>
        %add3A_1309 = arith.constant 7 : i32
        %add3A_1310 = arith.addi %add3A_268, %add3A_1309 : i32
        %swap3A_1311 = arith.constant 1 : i32
        %swap3A_1312 = arith.index_cast %swap3A_1311 : i32 to index
        %swap3A_1313 = arith.index_cast %add3A_1310 : i32 to index
        %swap3A_1314 = arith.constant 48 : index
        %swap3A_1315 = tpu.vector_load %arg13[%swap3A_1312, %swap3A_1313, %swap3A_1314] {strides = array<i32>} : memref<2x40x128xf32, #tpu.memory_space<vmem>>, vector<16xf32>,
        tpu.vector_store %arg13[%swap3A_1312, %swap3A_1313, %swap3A_1314], %mul3A_1308 {strides = array<i32>} : memref<2x40x128xf32, #tpu.memory_space<vmem>>, vector<16xf32>,
        %add3A_1316 = arith.constant 7 : i32
        %add3A_1317 = arith.addi %add3A_268, %add3A_1316 : i32
        %get3A_1318 = arith.constant 1 : i32
        %get3A_1319 = arith.index_cast %get3A_1318 : i32 to index
        %get3A_1320 = arith.index_cast %add3A_1317 : i32 to index
        %get3A_1321 = arith.constant 64 : index
        %get3A_1322 = tpu.vector_load %arg13[%get3A_1319, %get3A_1320, %get3A_1321] {strides = array<i32>} : memref<2x40x128xf32, #tpu.memory_space<vmem>>, vector<16xf32>,
        %mul3A_1323 = arith.mulf %min3A_1250, %get3A_1322 : vector<16xf32>
        %add3A_1324 = arith.constant 7 : i32
        %add3A_1325 = arith.addi %add3A_268, %add3A_1324 : i32
        %swap3A_1326 = arith.constant 1 : i32
        %swap3A_1327 = arith.index_cast %swap3A_1326 : i32 to index
        %swap3A_1328 = arith.index_cast %add3A_1325 : i32 to index
        %swap3A_1329 = arith.constant 64 : index
        %swap3A_1330 = tpu.vector_load %arg13[%swap3A_1327, %swap3A_1328, %swap3A_1329] {strides = array<i32>} : memref<2x40x128xf32, #tpu.memory_space<vmem>>, vector<16xf32>,
        tpu.vector_store %arg13[%swap3A_1327, %swap3A_1328, %swap3A_1329], %mul3A_1323 {strides = array<i32>} : memref<2x40x128xf32, #tpu.memory_space<vmem>>, vector<16xf32>,
        %add3A_1331 = arith.constant 7 : i32
        %add3A_1332 = arith.addi %add3A_268, %add3A_1331 : i32
        %get3A_1333 = arith.constant 1 : i32
        %get3A_1334 = arith.index_cast %get3A_1333 : i32 to index
        %get3A_1335 = arith.index_cast %add3A_1332 : i32 to index
        %get3A_1336 = arith.constant 80 : index
        %get3A_1337 = tpu.vector_load %arg13[%get3A_1334, %get3A_1335, %get3A_1336] {strides = array<i32>} : memref<2x40x128xf32, #tpu.memory_space<vmem>>, vector<16xf32>,
        %mul3A_1338 = arith.mulf %min3A_1250, %get3A_1337 : vector<16xf32>
        %add3A_1339 = arith.constant 7 : i32
        %add3A_1340 = arith.addi %add3A_268, %add3A_1339 : i32
        %swap3A_1341 = arith.constant 1 : i32
        %swap3A_1342 = arith.index_cast %swap3A_1341 : i32 to index
        %swap3A_1343 = arith.index_cast %add3A_1340 : i32 to index
        %swap3A_1344 = arith.constant 80 : index
        %swap3A_1345 = tpu.vector_load %arg13[%swap3A_1342, %swap3A_1343, %swap3A_1344] {strides = array<i32>} : memref<2x40x128xf32, #tpu.memory_space<vmem>>, vector<16xf32>,
        tpu.vector_store %arg13[%swap3A_1342, %swap3A_1343, %swap3A_1344], %mul3A_1338 {strides = array<i32>} : memref<2x40x128xf32, #tpu.memory_space<vmem>>, vector<16xf32>,
        %add3A_1346 = arith.constant 7 : i32
        %add3A_1347 = arith.addi %add3A_268, %add3A_1346 : i32
        %get3A_1348 = arith.constant 1 : i32
        %get3A_1349 = arith.index_cast %get3A_1348 : i32 to index
        %get3A_1350 = arith.index_cast %add3A_1347 : i32 to index
        %get3A_1351 = arith.constant 96 : index
        %get3A_1352 = tpu.vector_load %arg13[%get3A_1349, %get3A_1350, %get3A_1351] {strides = array<i32>} : memref<2x40x128xf32, #tpu.memory_space<vmem>>, vector<16xf32>,
        %mul3A_1353 = arith.mulf %min3A_1250, %get3A_1352 : vector<16xf32>
        %add3A_1354 = arith.constant 7 : i32
        %add3A_1355 = arith.addi %add3A_268, %add3A_1354 : i32
        %swap3A_1356 = arith.constant 1 : i32
        %swap3A_1357 = arith.index_cast %swap3A_1356 : i32 to index
        %swap3A_1358 = arith.index_cast %add3A_1355 : i32 to index
        %swap3A_1359 = arith.constant 96 : index
        %swap3A_1360 = tpu.vector_load %arg13[%swap3A_1357, %swap3A_1358, %swap3A_1359] {strides = array<i32>} : memref<2x40x128xf32, #tpu.memory_space<vmem>>, vector<16xf32>,
        tpu.vector_store %arg13[%swap3A_1357, %swap3A_1358, %swap3A_1359], %mul3A_1353 {strides = array<i32>} : memref<2x40x128xf32, #tpu.memory_space<vmem>>, vector<16xf32>,
        %add3A_1361 = arith.constant 7 : i32
        %add3A_1362 = arith.addi %add3A_268, %add3A_1361 : i32
        %get3A_1363 = arith.constant 1 : i32
        %get3A_1364 = arith.index_cast %get3A_1363 : i32 to index
        %get3A_1365 = arith.index_cast %add3A_1362 : i32 to index
        %get3A_1366 = arith.constant 112 : index
        %get3A_1367 = tpu.vector_load %arg13[%get3A_1364, %get3A_1365, %get3A_1366] {strides = array<i32>} : memref<2x40x128xf32, #tpu.memory_space<vmem>>, vector<16xf32>,
        %mul3A_1368 = arith.mulf %min3A_1250, %get3A_1367 : vector<16xf32>
        %add3A_1369 = arith.constant 7 : i32
        %add3A_1370 = arith.addi %add3A_268, %add3A_1369 : i32
        %swap3A_1371 = arith.constant 1 : i32
        %swap3A_1372 = arith.index_cast %swap3A_1371 : i32 to index
        %swap3A_1373 = arith.index_cast %add3A_1370 : i32 to index
        %swap3A_1374 = arith.constant 112 : index
        %swap3A_1375 = tpu.vector_load %arg13[%swap3A_1372, %swap3A_1373, %swap3A_1374] {strides = array<i32>} : memref<2x40x128xf32, #tpu.memory_space<vmem>>, vector<16xf32>,
        tpu.vector_store %arg13[%swap3A_1372, %swap3A_1373, %swap3A_1374], %mul3A_1368 {strides = array<i32>} : memref<2x40x128xf32, #tpu.memory_space<vmem>>, vector<16xf32>,
      }
      %scan3A_261 = arith.constant 5 : i32
      %run_scoped3A_262 = arith.constant 1 : i32
      %run_scoped3A_263 = arith.constant 1 : i32
      "tpu.region"() ({
        %run_scoped3A_264 = tpu.sem_alloc : memref<!tpu.dma_semaphore, #tpu.memory_space<semaphore_mem>>
        %dma_start3A_265 = arith.constant 0 : i32
        %dma_start3A_266 = arith.constant 0 : i32
        %dma_start3A_267 = tpu.memref_slice %arg13[%run_scoped3A_262, %dma_start3A_265, %dma_start3A_266] : memref<2x40x128xf32, #tpu.memory_space<vmem>> -> memref<1x40x128xf32, #tpu.memory_space<vmem>>
        %dma_start3A_268 = tpu.memref_squeeze %dma_start3A_267 : memref<1x40x128xf32, #tpu.memory_space<vmem>> -> memref<40x128xf32, #tpu.memory_space<vmem>>
        %dma_start3A_269 = arith.constant 0 : i32
        %dma_start3A_270 = tpu.memref_slice %arg10[%run_scoped3A_263, %dma_start3A_269] : memref<2x40xi32, #tpu.memory_space<vmem>> -> memref<1x40xi32, #tpu.memory_space<vmem>>
        %dma_start3A_271 = tpu.memref_squeeze %dma_start3A_270 : memref<1x40xi32, #tpu.memory_space<vmem>> -> memref<40xi32, #tpu.memory_space<vmem>>
        %dma_start3A_272 = arith.constant 0 : i32
        %dma_start3A_273 = arith.constant 0 : i32
        %dma_start3A_274 = tpu.memref_slice %arg15[%dma_start3A_272, %dma_start3A_273] : memref<10240x128xf32, #tpu.memory_space<vmem_shared>> -> memref<10240x128xf32, #tpu.memory_space<vmem_shared>>
        tpu.enqueue_indirect_dma source(%dma_start3A_268 : memref<40x128xf32, #tpu.memory_space<vmem>>) target(%dma_start3A_274 : memref<10240x128xf32, #tpu.memory_space<vmem_shared>>) offsets(%dma_start3A_271 : memref<40xi32, #tpu.memory_space<vmem>>) semaphore(%run_scoped3A_264 : memref<!tpu.dma_semaphore, #tpu.memory_space<semaphore_mem>>) {add = true}
        %dma_wait3A_275 = arith.constant 0 : i32
        %dma_wait3A_276 = arith.constant 0 : i32
        %dma_wait3A_277 = tpu.memref_slice %arg13[%run_scoped3A_262, %dma_wait3A_275, %dma_wait3A_276] : memref<2x40x128xf32, #tpu.memory_space<vmem>> -> memref<1x40x128xf32, #tpu.memory_space<vmem>>
        %dma_wait3A_278 = tpu.memref_squeeze %dma_wait3A_277 : memref<1x40x128xf32, #tpu.memory_space<vmem>> -> memref<40x128xf32, #tpu.memory_space<vmem>>
        %dma_wait3A_279 = arith.constant 0 : i32
        %dma_wait3A_280 = tpu.memref_slice %arg10[%run_scoped3A_263, %dma_wait3A_279] : memref<2x40xi32, #tpu.memory_space<vmem>> -> memref<1x40xi32, #tpu.memory_space<vmem>>
        %dma_wait3A_281 = tpu.memref_squeeze %dma_wait3A_280 : memref<1x40xi32, #tpu.memory_space<vmem>> -> memref<40xi32, #tpu.memory_space<vmem>>
        %dma_wait3A_282 = arith.constant 0 : i32
        %dma_wait3A_283 = arith.constant 0 : i32
        %dma_wait3A_284 = tpu.memref_slice %arg15[%dma_wait3A_282, %dma_wait3A_283] : memref<10240x128xf32, #tpu.memory_space<vmem_shared>> -> memref<10240x128xf32, #tpu.memory_space<vmem_shared>>
        tpu.wait_indirect_dma semaphore(%run_scoped3A_264 : memref<!tpu.dma_semaphore, #tpu.memory_space<semaphore_mem>>) src(%dma_wait3A_278 : memref<40x128xf32, #tpu.memory_space<vmem>>) dst(%dma_wait3A_284 : memref<10240x128xf32, #tpu.memory_space<vmem_shared>>)
        tpu.yield
      }) : () -> ()
    }
    %scan3A_26 = arith.constant 125 : i32
    "tpu.region"() ({
      %run_scoped3A = tpu.sem_alloc : memref<!tpu.dma_semaphore, #tpu.memory_space<semaphore_mem>>
      %dma_start3A = arith.constant 0 : i32
      %dma_start3A_33 = tpu.memref_slice %arg8[%arg0, %arg1, %dma_start3A] : memref<2x16x10240xf32, #tpu.memory_space<hbm>> -> memref<1x1x10240xf32, #tpu.memory_space<hbm>>
      %dma_start3A_34 = tpu.memref_squeeze %dma_start3A_33 : memref<1x1x10240xf32, #tpu.memory_space<hbm>> -> memref<10240xf32, #tpu.memory_space<hbm>>
      %dma_start3A_35 = arith.constant 0 : i32
      %dma_start3A_36 = tpu.memref_slice %arg8[%arg0, %arg1, %dma_start3A_35] : memref<2x16x10240xf32, #tpu.memory_space<hbm>> -> memref<1x1x10240xf32, #tpu.memory_space<hbm>>
      %dma_start3A_37 = tpu.memref_squeeze %dma_start3A_36 : memref<1x1x10240xf32, #tpu.memory_space<hbm>> -> memref<10240xf32, #tpu.memory_space<hbm>>
      tpu.enqueue_dma source(%arg14 : memref<10240xf32, #tpu.memory_space<vmem>>) target(%dma_start3A_37 : memref<10240xf32, #tpu.memory_space<hbm>>) target_semaphore(%run_scoped3A : memref<!tpu.dma_semaphore, #tpu.memory_space<semaphore_mem>>)
      %dma_wait3A = arith.constant 0 : i32
      %dma_wait3A_38 = tpu.memref_slice %arg8[%arg0, %arg1, %dma_wait3A] : memref<2x16x10240xf32, #tpu.memory_space<hbm>> -> memref<1x1x10240xf32, #tpu.memory_space<hbm>>
      %dma_wait3A_39 = tpu.memref_squeeze %dma_wait3A_38 : memref<1x1x10240xf32, #tpu.memory_space<hbm>> -> memref<10240xf32, #tpu.memory_space<hbm>>
      %dma_wait3A_40 = arith.constant 0 : i32
      %dma_wait3A_41 = tpu.memref_slice %arg8[%arg0, %arg1, %dma_wait3A_40] : memref<2x16x10240xf32, #tpu.memory_space<hbm>> -> memref<1x1x10240xf32, #tpu.memory_space<hbm>>
      %dma_wait3A_42 = tpu.memref_squeeze %dma_wait3A_41 : memref<1x1x10240xf32, #tpu.memory_space<hbm>> -> memref<10240xf32, #tpu.memory_space<hbm>>
      tpu.wait_dma2 semaphore(%run_scoped3A : memref<!tpu.dma_semaphore, #tpu.memory_space<semaphore_mem>>) src(%arg14 : memref<10240xf32, #tpu.memory_space<vmem>>) dst(%dma_wait3A_42 : memref<10240xf32, #tpu.memory_space<hbm>>)
      tpu.yield
    }) : () -> ()
    %barrier3A_27 = arith.constant 0 : index
    tpu.barrier barrier_id(%barrier3A_27)
    %scan3A_28 = arith.constant 0 : i32
    %scan3A_29 = arith.constant 16 : i32
    %scan3A_30 = arith.addi %scan3A_28, %scan3A_29 : i32
    %scan3A_31 = arith.constant 1 : i32
    scf.for %scan3A_33 = %scan3A_28 to %scan3A_30 step %scan3A_31  : i32 {
      %mul3A_34 = arith.constant 1 : i32
      %mul3A_35 = arith.muli %scan3A_33, %mul3A_34 : i32
      %add3A_36 = arith.constant 0 : i32
      %add3A_37 = arith.addi %add3A_36, %mul3A_35 : i32
      %mul3A_38 = arith.constant 640 : i32
      %mul3A_39 = arith.muli %arg1, %mul3A_38 : i32
      %mul3A_40 = arith.constant 40 : i32
      %mul3A_41 = arith.muli %add3A_37, %mul3A_40 : i32
      %add3A_42 = arith.addi %mul3A_39, %mul3A_41 : i32
      "tpu.region"() ({
        %run_scoped3A = tpu.sem_alloc : memref<!tpu.dma_semaphore, #tpu.memory_space<semaphore_mem>>
        %dma_start3A = arith.constant 0 : i32
        %dma_start3A_43 = tpu.memref_slice %arg7[%arg0, %add3A_42, %dma_start3A] : memref<2x10240x128xf32, #tpu.memory_space<hbm>> -> memref<1x40x128xf32, #tpu.memory_space<hbm>>
        %dma_start3A_44 = tpu.memref_squeeze %dma_start3A_43 : memref<1x40x128xf32, #tpu.memory_space<hbm>> -> memref<40x128xf32, #tpu.memory_space<hbm>>
        %dma_start3A_45 = arith.constant 0 : i32
        %dma_start3A_46 = tpu.memref_slice %arg15[%add3A_42, %dma_start3A_45] : memref<10240x128xf32, #tpu.memory_space<vmem_shared>> -> memref<40x128xf32, #tpu.memory_space<vmem_shared>>
        tpu.enqueue_dma source(%dma_start3A_46 : memref<40x128xf32, #tpu.memory_space<vmem_shared>>) target(%dma_start3A_44 : memref<40x128xf32, #tpu.memory_space<hbm>>) target_semaphore(%run_scoped3A : memref<!tpu.dma_semaphore, #tpu.memory_space<semaphore_mem>>)
        %dma_wait3A = arith.constant 0 : i32
        %dma_wait3A_47 = tpu.memref_slice %arg7[%arg0, %add3A_42, %dma_wait3A] : memref<2x10240x128xf32, #tpu.memory_space<hbm>> -> memref<1x40x128xf32, #tpu.memory_space<hbm>>
        %dma_wait3A_48 = tpu.memref_squeeze %dma_wait3A_47 : memref<1x40x128xf32, #tpu.memory_space<hbm>> -> memref<40x128xf32, #tpu.memory_space<hbm>>
        %dma_wait3A_49 = arith.constant 0 : i32
        %dma_wait3A_50 = tpu.memref_slice %arg15[%add3A_42, %dma_wait3A_49] : memref<10240x128xf32, #tpu.memory_space<vmem_shared>> -> memref<40x128xf32, #tpu.memory_space<vmem_shared>>
        tpu.wait_dma2 semaphore(%run_scoped3A : memref<!tpu.dma_semaphore, #tpu.memory_space<semaphore_mem>>) src(%dma_wait3A_50 : memref<40x128xf32, #tpu.memory_space<vmem_shared>>) dst(%dma_wait3A_48 : memref<40x128xf32, #tpu.memory_space<hbm>>)
        tpu.yield
      }) : () -> ()
    }
    %scan3A_32 = arith.constant 16 : i32
    return
  }
}

module attributes {stable_mosaic.version = 14 : i64} {
  func.func @body(%arg0: i32, %arg1: memref<400x128xf32, #tpu.memory_space<vmem>>, %arg2: memref<2x128x128xf32, #tpu.memory_space<vmem>>, %arg3: memref<400x128xf32, #tpu.memory_space<vmem>>, %arg4: memref<400x128xf32, #tpu.memory_space<vmem>>) attributes {dimension_semantics = [#tpu.dimension_semantics<arbitrary>], iteration_bounds = array<i64: 25>, scalar_prefetch = 0 : i64, scratch_operands = 0 : i64, tpu.core_type = #tpu.core_type<tc>, window_params = [{transform_indices = @transform_0, window_bounds = array<i64: 400, 128>}, {pipeline_mode = #tpu.pipeline_mode<synchronous>, transform_indices = @transform_1, window_bounds = array<i64: 2, 128, 128>}, {transform_indices = @transform_2, window_bounds = array<i64: 400, 128>}, {transform_indices = @transform_3, window_bounds = array<i64: 400, 128>}]} {
    %get3A = arith.constant 0 : index
    %get3A_0 = arith.constant 0 : index
    %get3A_1 = vector.load %arg1[%get3A, %get3A_0] : memref<400x128xf32, #tpu.memory_space<vmem>>, vector<400x128xf32>
    %get3A_2 = arith.constant 0 : index
    %get3A_3 = arith.constant 0 : index
    %get3A_4 = arith.constant 0 : index
    %get3A_5 = vector.load %arg2[%get3A_2, %get3A_3, %get3A_4] : memref<2x128x128xf32, #tpu.memory_space<vmem>>, vector<1x128x128xf32>
    %get3A_6 = vector.shape_cast %get3A_5 : vector<1x128x128xf32> to vector<128x128xf32>
    %get3A_7 = arith.constant 1 : index
    %get3A_8 = arith.constant 0 : index
    %get3A_9 = arith.constant 0 : index
    %get3A_10 = vector.load %arg2[%get3A_7, %get3A_8, %get3A_9] : memref<2x128x128xf32, #tpu.memory_space<vmem>>, vector<1x128x128xf32>
    %get3A_11 = vector.shape_cast %get3A_10 : vector<1x128x128xf32> to vector<128x128xf32>
    %get3A_12 = arith.constant 0 : index
    %get3A_13 = arith.constant 0 : index
    %get3A_14 = arith.constant 0 : index
    %get3A_15 = vector.load %arg2[%get3A_12, %get3A_13, %get3A_14] : memref<2x128x128xf32, #tpu.memory_space<vmem>>, vector<1x128x128xf32>
    %get3A_16 = vector.shape_cast %get3A_15 : vector<1x128x128xf32> to vector<128x128xf32>
    %sub3A = arith.subf %get3A_11, %get3A_16 : vector<128x128xf32>
    %dot_general3A = arith.constant dense<0.000000e+00> : vector<400x128xf32>
    %dot_general3A_17 = tpu.matmul %get3A_1, %get3A_6, %dot_general3A {dimension_numbers = #tpu.dot_dimension_numbers<[1], [0], [0], [1], [0, 0, 1, 1], [], []>, transpose_lhs_hint = false} : vector<400x128xf32>, vector<128x128xf32>, vector<400x128xf32> -> vector<400x128xf32>
    %swap3A = arith.constant 0 : index
    %swap3A_18 = arith.constant 0 : index
    %swap3A_19 = vector.load %arg3[%swap3A, %swap3A_18] : memref<400x128xf32, #tpu.memory_space<vmem>>, vector<400x128xf32>
    tpu.vector_store %arg3[%swap3A, %swap3A_18], %dot_general3A_17 {strides = array<i32>} : memref<400x128xf32, #tpu.memory_space<vmem>>, vector<400x128xf32>,
    %dot_general3A_20 = arith.constant dense<0.000000e+00> : vector<400x128xf32>
    %dot_general3A_21 = tpu.matmul %get3A_1, %sub3A, %dot_general3A_20 {dimension_numbers = #tpu.dot_dimension_numbers<[1], [0], [0], [1], [0, 0, 1, 1], [], []>, transpose_lhs_hint = false} : vector<400x128xf32>, vector<128x128xf32>, vector<400x128xf32> -> vector<400x128xf32>
    %swap3A_22 = arith.constant 0 : index
    %swap3A_23 = arith.constant 0 : index
    %swap3A_24 = vector.load %arg4[%swap3A_22, %swap3A_23] : memref<400x128xf32, #tpu.memory_space<vmem>>, vector<400x128xf32>
    tpu.vector_store %arg4[%swap3A_22, %swap3A_23], %dot_general3A_21 {strides = array<i32>} : memref<400x128xf32, #tpu.memory_space<vmem>>, vector<400x128xf32>,
    return
  }
  func.func @transform_0(%arg0: i32) -> (i32, i32) {
    %c0_i32 = arith.constant 0 : i32
    %c0_i32_0 = arith.constant 0 : i32
    return %arg0, %c0_i32 : i32, i32
  }
  func.func @transform_1(%arg0: i32) -> (i32, i32, i32) {
    %c0_i32 = arith.constant 0 : i32
    %c0_i32_0 = arith.constant 0 : i32
    %c0_i32_1 = arith.constant 0 : i32
    %c0_i32_2 = arith.constant 0 : i32
    return %c0_i32, %c0_i32_0, %c0_i32_1 : i32, i32, i32
  }
  func.func @transform_2(%arg0: i32) -> (i32, i32) {
    %c0_i32 = arith.constant 0 : i32
    %c0_i32_0 = arith.constant 0 : i32
    return %arg0, %c0_i32 : i32, i32
  }
  func.func @transform_3(%arg0: i32) -> (i32, i32) {
    %c0_i32 = arith.constant 0 : i32
    %c0_i32_0 = arith.constant 0 : i32
    return %arg0, %c0_i32 : i32, i32
  }
}

module attributes {stable_mosaic.version = 14 : i64} {
  func.func @body(%arg0: i32, %arg1: memref<400x128xf32, #tpu.memory_space<vmem>>, %arg2: memref<400x128xf32, #tpu.memory_space<vmem>>, %arg3: memref<400x32xf32, #tpu.memory_space<vmem>>, %arg4: memref<400x128xf32, #tpu.memory_space<vmem>>, %arg5: memref<128x128xf32, #tpu.memory_space<vmem>>, %arg6: memref<1x128xf32, #tpu.memory_space<vmem>>, %arg7: memref<400x128xf32, #tpu.memory_space<vmem>>) attributes {dimension_semantics = [#tpu.dimension_semantics<arbitrary>], iteration_bounds = array<i64: 25>, scalar_prefetch = 0 : i64, scratch_operands = 0 : i64, tpu.core_type = #tpu.core_type<tc>, window_params = [{transform_indices = @transform_0, window_bounds = array<i64: 400, 128>}, {transform_indices = @transform_1, window_bounds = array<i64: 400, 128>}, {transform_indices = @transform_2, window_bounds = array<i64: 400, 32>}, {transform_indices = @transform_3, window_bounds = array<i64: 400, 128>}, {pipeline_mode = #tpu.pipeline_mode<synchronous>, transform_indices = @transform_4, window_bounds = array<i64: 128, 128>}, {pipeline_mode = #tpu.pipeline_mode<synchronous>, transform_indices = @transform_5, window_bounds = array<i64: 1, 128>}, {transform_indices = @transform_6, window_bounds = array<i64: 400, 128>}]} {
    %get3A = arith.constant 0 : index
    %get3A_0 = arith.constant 0 : index
    %get3A_1 = vector.load %arg1[%get3A, %get3A_0] : memref<400x128xf32, #tpu.memory_space<vmem>>, vector<400x128xf32>
    %get3A_2 = arith.constant 0 : index
    %get3A_3 = arith.constant 0 : index
    %get3A_4 = vector.load %arg2[%get3A_2, %get3A_3] : memref<400x128xf32, #tpu.memory_space<vmem>>, vector<400x128xf32>
    %add3A = arith.addf %get3A_1, %get3A_4 : vector<400x128xf32>
    %get3A_5 = arith.constant 0 : index
    %get3A_6 = arith.constant 0 : index
    %get3A_7 = vector.load %arg3[%get3A_5, %get3A_6] : memref<400x32xf32, #tpu.memory_space<vmem>>, vector<400x32xf32>
    %reduce_sum3A = arith.constant dense<0.000000e+00> : vector<400xf32>
    %reduce_sum3A_8 = vector.multi_reduction <add>, %get3A_7, %reduce_sum3A [1] : vector<400x32xf32> to vector<400xf32>
    %broadcast_in_dim3A = vector.shape_cast %reduce_sum3A_8 : vector<400xf32> to vector<400x1xf32>
    %max3A = arith.constant 1.000000e+00 : f32
    %max3A_9 = vector.broadcast %max3A : f32 to vector<400x1xf32>
    %max3A_10 = arith.maximumf %broadcast_in_dim3A, %max3A_9 : vector<400x1xf32>
    %div3A = arith.constant 1.000000e+00 : f32
    %div3A_11 = vector.broadcast %div3A : f32 to vector<400x1xf32>
    %div3A_12 = arith.divf %div3A_11, %max3A_10 : vector<400x1xf32>
    %get3A_13 = arith.constant 0 : index
    %get3A_14 = arith.constant 0 : index
    %get3A_15 = vector.load %arg4[%get3A_13, %get3A_14] : memref<400x128xf32, #tpu.memory_space<vmem>>, vector<400x128xf32>
    %get3A_16 = arith.constant 0 : index
    %get3A_17 = arith.constant 0 : index
    %get3A_18 = vector.load %arg5[%get3A_16, %get3A_17] : memref<128x128xf32, #tpu.memory_space<vmem>>, vector<128x128xf32>
    %dot_general3A = arith.constant dense<0.000000e+00> : vector<400x128xf32>
    %dot_general3A_19 = tpu.matmul %get3A_15, %get3A_18, %dot_general3A {dimension_numbers = #tpu.dot_dimension_numbers<[1], [0], [0], [1], [0, 0, 1, 1], [], []>, transpose_lhs_hint = false} : vector<400x128xf32>, vector<128x128xf32>, vector<400x128xf32> -> vector<400x128xf32>
    %mul3A = vector.broadcast %div3A_12 : vector<400x1xf32> to vector<400x128xf32>
    %mul3A_20 = arith.mulf %add3A, %mul3A : vector<400x128xf32>
    %add3A_21 = arith.addf %mul3A_20, %dot_general3A_19 : vector<400x128xf32>
    %get3A_22 = arith.constant 0 : index
    %get3A_23 = arith.constant 0 : index
    %get3A_24 = vector.load %arg6[%get3A_22, %get3A_23] : memref<1x128xf32, #tpu.memory_space<vmem>>, vector<1x128xf32>
    %add3A_25 = vector.broadcast %get3A_24 : vector<1x128xf32> to vector<400x128xf32>
    %add3A_26 = arith.addf %add3A_21, %add3A_25 : vector<400x128xf32>
    %max3A_27 = arith.constant 0.000000e+00 : f32
    %max3A_28 = vector.broadcast %max3A_27 : f32 to vector<400x128xf32>
    %max3A_29 = arith.maximumf %add3A_26, %max3A_28 : vector<400x128xf32>
    %swap3A = arith.constant 0 : index
    %swap3A_30 = arith.constant 0 : index
    %swap3A_31 = vector.load %arg7[%swap3A, %swap3A_30] : memref<400x128xf32, #tpu.memory_space<vmem>>, vector<400x128xf32>
    tpu.vector_store %arg7[%swap3A, %swap3A_30], %max3A_29 {strides = array<i32>} : memref<400x128xf32, #tpu.memory_space<vmem>>, vector<400x128xf32>,
    return
  }
  func.func @transform_0(%arg0: i32) -> (i32, i32) {
    %c0_i32 = arith.constant 0 : i32
    %c0_i32_0 = arith.constant 0 : i32
    return %arg0, %c0_i32 : i32, i32
  }
  func.func @transform_1(%arg0: i32) -> (i32, i32) {
    %c0_i32 = arith.constant 0 : i32
    %c0_i32_0 = arith.constant 0 : i32
    return %arg0, %c0_i32 : i32, i32
  }
  func.func @transform_2(%arg0: i32) -> (i32, i32) {
    %c0_i32 = arith.constant 0 : i32
    %c0_i32_0 = arith.constant 0 : i32
    return %arg0, %c0_i32 : i32, i32
  }
  func.func @transform_3(%arg0: i32) -> (i32, i32) {
    %c0_i32 = arith.constant 0 : i32
    %c0_i32_0 = arith.constant 0 : i32
    return %arg0, %c0_i32 : i32, i32
  }
  func.func @transform_4(%arg0: i32) -> (i32, i32) {
    %c0_i32 = arith.constant 0 : i32
    %c0_i32_0 = arith.constant 0 : i32
    %c0_i32_1 = arith.constant 0 : i32
    return %c0_i32, %c0_i32_0 : i32, i32
  }
  func.func @transform_5(%arg0: i32) -> (i32, i32) {
    %c0_i32 = arith.constant 0 : i32
    %c0_i32_0 = arith.constant 0 : i32
    %c0_i32_1 = arith.constant 0 : i32
    return %c0_i32, %c0_i32_0 : i32, i32
  }
  func.func @transform_6(%arg0: i32) -> (i32, i32) {
    %c0_i32 = arith.constant 0 : i32
    %c0_i32_0 = arith.constant 0 : i32
    return %arg0, %c0_i32 : i32, i32
  }
}

</mosaic_0001>

<sc_bundles>
// kernel: kernel.5.cloned.1.call-start
scs
__scs_entry_jumppad:
0x0: {  	(pc) =	sbr.rel $0x88, $3  }
0x1: {  	(tag) =	ssettag $0x0;
	lr =	simm.s32 $0x1  }
0x2: {  	[smem:$0x3F9B] =	sst lr;
	_ =	strace $0xD0000000  }
0x3: {  	_ = 	snop  }
0x4: {  	_ = 	snop  }
0x5: {  	_ = 	snop  }
0x6: {  	_ = 	snop  }
0x7: {  	_ = 	snop  }
__scs_overlays_trampoline_lowered:
0x8: {  	[smem:$0x3FAA] =	sst s0  }
0x9: {  	[smem:$0x3FAB] =	sst s1  }
0xa: {  	[smem:$0x3FAC] =	sst s2  }
0xb: {  	[smem:$0x3FAD] =	sst s3  }
0xc: {  	[smem:$0x3FAE] =	sst s4  }
0xd: {  	[smem:$0x3FAF] =	sst s5  }
0xe: {  	[smem:$0x3FB0] =	sst s6  }
0xf: {  	[smem:$0x3FB1] =	sst s7  }
0x10: {  	[smem:$0x3FB2] =	sst s8  }
0x11: {  	[smem:$0x3FB3] =	sst s9;
	s0 =	simm.s32 @!p0 $0x0  }
0x12: {  	s1 =	sld [smem:$0x3F99];
	s0 =	simm.s32 @p0 $0x1  }
0x13: {  	[smem:$0x3FB4] =	sst s0;
	s0 =	simm.s32 @!p1 $0x0  }
0x14: {  	s2 =	sld [smem:$0x3F98];
	s0 =	simm.s32 @p1 $0x1  }
0x15: {  	[smem:$0x3FB5] =	sst s0;
	s0 =	simm.s32 @!p2 $0x0  }
0x16: {  	s3 =	sld [smem:$0x3FDB];
	s0 =	simm.s32 @p2 $0x1  }
0x17: {  	s4 =	simm.s32 $0x1BF5;
	[smem:$0x3FB7] =	sst s0  }
0x18: {  	s0 =	sld [smem:$0x3F9A];
	_ =	swait.ge [sflag:s4], $0x0  }
0x19: {  	s7 =	sld [smem:$0x3F9B]  }
0x1a: {  	s8 =	sadd.s32 $0xFFFFE003, lr  }
0x1b: {  	s9 =	sadd.s32 $0xFFFFFEF7, lr;
	s5 =	simm.s32 $0xFFFFFFFF;
	p2 =	slt.u32 s8, $0xFFFFF086  }
0x1c: {  	p1 =	slt.u32 s9, $0xF7A;
	s5 =	simm.s32 @!p2 $0x0  }
0x1d: {  	s5 =	simm.s32 @p1 $0x1;
	p0 =	seq.s32 s7, s2  }
0x1e: {  	s7 =	smul.u32 @!p0 $0xF7A, s2;
	p2 =	seq.s32 @!p0 s5, $0x0  }
0x1f: {  	s9 =	smul.u32 $0xF7A, s1;
	s8 =	simm.s32 @!p0 $0x1BF5;
	p2 =	por !p2, p0  }
0x20: {  	[sflag:s8] =	ssyncset.s32 @!p0 $0xFFFFF086;
	s6 =	sadd.s32 @!p0 s3, s7;
	s7 =	simm.s32 @!p0 $0x108  }
0x21: {  	s3 =	sadd.s32 s3, s9;
	s6 =	sadd.s32 @!p0 $0x88, s6;
	s7 =	simm.s32 @p2 $0x1082  }
0x22: {  	[simem:s7], [sflag:s8] =	dma.local @!p0 [hbm:s6], $0xF7A  }
0x23: {  	s9 =	sor.u32 $0xD0000000, s2;
	s6 =	simm.s32 $0x108;
	_ =	swait.ge @!p0 [sflag:s8], $0x0  }
0x24: {  	s3 =	sadd.s32 $0x88, s3;
	s6 =	simm.s32 @!p1 $0x1082;
	[sflag:s4] =	ssyncset.s32 $0xFFFFF086  }
0x25: {  	[simem:s6], [sflag:s4] =	dma.local [hbm:s3], $0xF7A  }
0x26: {  	[smem:$0x3F9B] =	sst s1;
	(tag) =	ssettag s2;
	_ =	strace s9  }
0x27: {  	s1 =	sld [smem:$0x3FAB]  }
0x28: {  	s2 =	sld [smem:$0x3FAC]  }
0x29: {  	s4 =	sld [smem:$0x3FAE]  }
0x2a: {  	p0 =	seq.s32 s5, $0x0;
	s5 =	sld [smem:$0x3FAF]  }
0x2b: {  	s6 =	sld [smem:$0x3FB0]  }
0x2c: {  	s7 =	sld [smem:$0x3FB1]  }
0x2d: {  	s3 =	simm.s32 $0x108;
	s8 =	sld [smem:$0x3FB2]  }
0x2e: {  	s3 =	simm.s32 @!p0 $0x1082;
	s9 =	sld [smem:$0x3FB3]  }
0x2f: {  	lr =	sadd.s32 s0, s3;
	s0 =	sld [smem:$0x3FAA]  }
0x30: {  	s3 =	sld [smem:$0x3FAD]  }
0x31: {  	[smem:$0x3FB6] =	sst s10  }
0x32: {  	s10 =	sld [smem:$0x3FB4];
	_ =	sdelay $0x3  }
0x33: {  	p0 =	seq.s32 s10, $0x1;
	s10 =	sld [smem:$0x3FB6];
	_ =	sdelay $0x3  }
0x34: {  	[smem:$0x3FB6] =	sst s10  }
0x35: {  	s10 =	sld [smem:$0x3FB5];
	_ =	sdelay $0x3  }
0x36: {  	p1 =	seq.s32 s10, $0x1;
	s10 =	sld [smem:$0x3FB6];
	_ =	sdelay $0x3  }
0x37: {  	[smem:$0x3FB6] =	sst s10  }
0x38: {  	s10 =	sld [smem:$0x3FB7]  }
0x39: {  	_ = 	snop;
	(pc) =	sbr.ind lr, $3  }
0x3a: {  	_ = 	snop  }
0x3b: {  	_ = 	snop  }
0x3c: {  	p2 =	seq.s32 s10, $0x1;
	s10 =	sld [smem:$0x3FB6]  }
0x3d: {  	_ =	shalt  }
0x3e: {  	_ =	shalt  }
0x3f: {  	_ =	shalt  }
0x40: {  	_ =	shalt  }
0x41: {  	_ =	shalt  }
0x42: {  	_ =	shalt  }
0x43: {  	_ =	shalt  }
0x44: {  	_ =	shalt  }
0x45: {  	_ =	shalt  }
0x46: {  	_ =	shalt  }
0x47: {  	_ =	shalt  }
0x48: {  	_ =	shalt  }
0x49: {  	_ =	shalt  }
0x4a: {  	_ =	shalt  }
0x4b: {  	_ =	shalt  }
0x4c: {  	_ =	shalt  }
0x4d: {  	_ =	shalt  }
0x4e: {  	_ =	shalt  }
0x4f: {  	_ =	shalt  }
0x50: {  	_ =	shalt  }
0x51: {  	_ =	shalt  }
0x52: {  	_ =	shalt  }
0x53: {  	_ =	shalt  }
0x54: {  	_ =	shalt  }
0x55: {  	_ =	shalt  }
0x56: {  	_ =	shalt  }
0x57: {  	_ =	shalt  }
0x58: {  	_ =	shalt  }
0x59: {  	_ =	shalt  }
0x5a: {  	_ =	shalt  }
0x5b: {  	_ =	shalt  }
0x5c: {  	_ =	shalt  }
0x5d: {  	_ =	shalt  }
0x5e: {  	_ =	shalt  }
0x5f: {  	_ =	shalt  }
0x60: {  	_ =	shalt  }
0x61: {  	_ =	shalt  }
0x62: {  	_ =	shalt  }
0x63: {  	_ =	shalt  }
0x64: {  	_ =	shalt  }
0x65: {  	_ =	shalt  }
0x66: {  	_ =	shalt  }
0x67: {  	_ =	shalt  }
0x68: {  	_ =	shalt  }
0x69: {  	_ =	shalt  }
0x6a: {  	_ =	shalt  }
0x6b: {  	_ =	shalt  }
0x6c: {  	_ =	shalt  }
0x6d: {  	_ =	shalt  }
0x6e: {  	_ =	shalt  }
0x6f: {  	_ =	shalt  }
0x70: {  	_ =	shalt  }
0x71: {  	_ =	shalt  }
0x72: {  	_ =	shalt  }
0x73: {  	_ =	shalt  }
0x74: {  	_ =	shalt  }
0x75: {  	_ =	shalt  }
0x76: {  	_ =	shalt  }
0x77: {  	_ =	shalt  }
0x78: {  	_ =	shalt  }
0x79: {  	_ =	shalt  }
0x7a: {  	_ =	shalt  }
0x7b: {  	_ =	shalt  }
0x7c: {  	_ =	shalt  }
0x7d: {  	_ =	shalt  }
0x7e: {  	_ =	shalt  }
0x7f: {  	_ =	shalt  }
0x80: {  	_ =	shalt  }
0x81: {  	_ =	shalt  }
0x82: {  	_ =	shalt  }
0x83: {  	_ =	shalt  }
0x84: {  	_ =	shalt  }
0x85: {  	_ =	shalt  }
0x86: {  	_ =	shalt  }
0x87: {  	_ =	shalt  }
.Lfunc_end0:
.L_simem_size_0:
called_computation_lowered:
.L_overlay_start_0:
0x88: {  	s2 =	sld [smem:$0x3FD9]  }
0x89: {  	s3 =	sld [smem:$0x3FFE];
	_ =	sdelay $0x1  }
0x8a: {  	s1 =	srdreg.scid  }
0x8b: {  	s0 =	sand.u32 $0x1, s1  }
0x8c: {  	s17 =	sshll.u32 s0, $0xA;
	s2 =	sadd.s32 s3, s2  }
0x8d: {  	s2 =	sadd.s32 s2, s17  }
0x8e: {  	[smem:$0x3FC2] =	sst s2  }
0x8f: {  	_ = 	snop  }
0x90: {  	s2 =	sld [smem:$0x3FD0];
	(tm) =	ssettm $0x1  }
0x91: {  	s18 =	sld [smem:$0x3FFB];
	_ =	sdelay $0x3  }
0x92: {  	_ =	strace s18  }
0x93: {  	s3 =	sld [smem:$0x3FFC];
	_ =	sdelay $0x3  }
0x94: {  	_ =	strace s3  }
0x95: {  	s3 =	sld [smem:$0x3FFD];
	_ =	sdelay $0x3  }
0x96: {  	_ =	strace s3  }
0x97: {  	_ =	strace $0x8FFFFFFF  }
0x98: {  	s19 =	sld [smem:$0x3FDB];
	_ =	sdelay $0x1  }
0x99: {  	s4 =	simm.s32 $_scs_section_size  }
0x9a: {  	s5 =	simm.s32 $_size__tile_overlayer_lowered;
	s6 =	simm.s32 $_tile_overlayer_lowered  }
0x9b: {  	s22 =	simm.s32 $0x1BFF;
	s21 =	sshll.u32 s6, $0x1;
	s3 =	sadd.s32 s4, s19  }
0x9c: {  	s7 =	simm.s32 $0x0;
	s20 =	sshll.u32 s5, $0x1;
	s5 =	sadd.s32 s21, s3  }
0x9d: {  	[timem:s7], [sflag:s22] =	dma.local [hbm:s5], s20  }
0x9e: {  	_ =	swait.ge [sflag:s22], s20  }
0x9f: {  	s4 =	ssub.s32 $0x0, s20;
	[sflag:s22] =	ssyncset.done $0x0  }
0xa0: {  	[sflag:s22] =	ssyncadd.s32 s4;
	_ =	sdelay $0x1  }
0xa1: {  	s23 =	simm.s32 $0x1B8B  }
0xa2: {  	_ =	swait.ge [sflag:s23], $0x1  }
0xa3: {  	[sflag:s23] =	ssyncset.done $0x0  }
0xa4: {  	s25 =	simm.s32 $0x1B8E;
	s24 =	sld [smem:$0x3FFE];
	[sflag:s23] =	ssyncadd.s32 $0xFFFFFFFF  }
0xa5: {  	s26 =	simm.s32 $execute0_lowered;
	[smem:$0x3FD2] =	sst s25  }
0xa6: {  	s5 =	sshll.u32 s26, $0x1;
	_ =	strace $0x80000046;
	[dreg:$0x1] =	wrdreg $0xFFFFFFFF  }
0xa7: {  	s28 =	simm.s32 $_size_execute0_lowered;
	s3 =	sadd.s32 s3, s5;
	[dreg:$0x0] =	wrdreg $0x0  }
0xa8: {  	s5 =	sshll.u32 s28, $0x1;
	[dreg:$0x2] =	wrdreg s3  }
0xa9: {  	[dreg:$0x3] =	wrdreg s5  }
0xaa: {  	[dreg:$0x4] =	wrdreg $0xC0  }
0xab: {  	_ =	task [dreg:s7], $0x5FFFF  }
0xac: {  	[dreg:$0x1] =	wrdreg $0xFFFFFFFF  }
0xad: {  	[dreg:$0x0] =	wrdreg $0x60  }
0xae: {  	[dreg:$0x2] =	wrdreg s2  }
0xaf: {  	[dreg:$0x3] =	wrdreg s24  }
0xb0: {  	[dreg:$0x4] =	wrdreg $0x7B000  }
0xb1: {  	[dreg:$0x5] =	wrdreg $0x9  }
0xb2: {  	_ =	task.clear_ibuf [dreg:s7], $0x6FFFF;
	_ =	strace $0x90000046  }
0xb3: {  	s29 =	simm.s32 $0x9;
	_ =	strace $0x80000048  }
0xb4: {  	_ =	swait.ge [sflag:s29], $0x1  }
0xb5: {  	[sflag:s29] =	ssyncadd.s32 $0xFFFFFFFF  }
0xb6: {  	_ =	strace $0x90000048  }
0xb7: {  	_ =	sfence  }
0xb8: {  	s30 =	sld [smem:$0x0];
	_ =	sdelay $0x2  }
0xb9: {  	s31 =	sshll.u32 s1, $0xD;
	s1 =	sshrl.u32 s1, $0x2  }
0xba: {  	s3 =	sand.u32 $0x4000, s31;
	s1 =	sadd.s32 s1, s30  }
0xbb: {  	s0 =	sor.u32 s3, s0;
	s1 =	sshll.u32 s1, $0x11  }
0xbc: {  	s0 =	sor.u32 s1, s0  }
0xbd: {  	s0 =	sadd.s32 $0x8F2B, s0  }
0xbe: {  	[sflag:s0] =	ssyncadd.remote.s32 $0x1  }
0xbf: {  	_ =	sfence.sel $0xFFFF  }
0xc0: {  	[dreg:$0x0] =	wrdreg $0xFFFFFFFF;
	(pc) =	sbr.abs _section_cstart, $3  }
0xc1: {  	[dreg:$0x1] =	wrdreg $0xFFFFFFFF  }
0xc2: {  	_ =	task.clear_ibuf [dreg:s7], $0x2FFFF;
	_ =	strace $0x9FFFFFFF  }
0xc3: {  	(tm) =	ssettm $0x7FFFFFFF  }
tec
execute0_lowered:
.L_overlay_start_1:
0x0: {  	(tag) =	ssettag $0x1  }
0x1: {  	s0 =	rddreg [dreg:$0x0]  }
0x2: {  	s1 =	rddreg [dreg:$0x1]  }
0x3: {  	s2 =	srdreg.scid;
	s13 =	stileid.u32  }
0x4: {  	s3 =	rddreg [dreg:$0x2];
	s9 =	smul.u32 $0x14000, s13  }
0x5: {  	s4 =	simm.s32 $0x0;
	s2 =	sand.u32 $0x1, s2;
	s25 =	smul.u32 $0x50000, s13  }
0x6: {  	[smem:$0x7FF] =	sst s4;
	s6 =	sshrl.u32 s13, $0x3;
	s8 =	smul.u32 $0x140000, s2  }
0x7: {  	s5 =	sadd.s32 $0x1E800, s1;
	s7 =	sadd.s32 $0xE00, s1;
	s10 =	smul.u32 $0x28000, s2  }
0x8: {  	s12 =	sshll.u32 s13, $0x7;
	_ =	strace $0x80000047;
	s11 =	smul.u32 $0x14000, s6  }
0x9: {  	s6 =	sadd.s32 $0xAC00, s1;
	s23 =	sand.u32 $0x380, s12;
	s26 =	ssub.s32 $0x2, s2  }
0xa: {  	s28 =	sshrl.u32 s26, $0x1;
	s9 =	sadd.s32 s9, s8;
	s10 =	sadd.s32 s10, s11  }
0xb: {  	s8 =	sadd.s32 $0x14A00, s1;
	s12 =	ssub.s32 s26, s28;
	s10 =	sor.u32 s23, s10  }
0xc: {  	s9 =	sshrl.u32 s9, $0x3;
	s14 =	smax.u32 s12, $0x1;
	s24 =	sshrl.u32 s10, $0x3  }
0xd: {  	s11 =	sadd.s32 s9, s1;
	s10 =	sshrl.u32 s25, $0x2;
	s1 =	sadd.s32 s24, s1  }
0xe: {  	[dreg:$0x5] =	wrdreg s14;
	s10 =	sadd.s32 s10, s3;
	s1 =	sadd.s32 $0x95A00, s1  }
0xf: {  	s15 =	sadd.s32 $0x2800, s10;
	[dreg:$0x4] =	wrdreg s1  }
0x10: {  	s16 =	sadd.s32 $0x3C00, s10;
	[dreg:$0x6] =	wrdreg s15  }
0x11: {  	s17 =	sadd.s32 $0x5000, s10;
	[dreg:$0x7] =	wrdreg s16  }
0x12: {  	s18 =	sadd.s32 $0x6400, s10;
	[dreg:$0x8] =	wrdreg s17  }
0x13: {  	s30 =	simm.s32 $0x300;
	s19 =	sadd.s32 $0x7800, s10;
	[dreg:$0x9] =	wrdreg s18  }
0x14: {  	s31 =	simm.s32 $0x2;
	s20 =	sadd.s32 $0x8C00, s10;
	[dreg:$0xa] =	wrdreg s19  }
0x15: {  	s2 =	sshll.u32 s2, $0x4;
	s21 =	sadd.s32 $0xA000, s10;
	[dreg:$0xb] =	wrdreg s20  }
0x16: {  	s2 =	sor.u32 s13, s2;
	s22 =	sadd.s32 $0xB400, s10;
	[dreg:$0xc] =	wrdreg s21  }
0x17: {  	s12 =	simm.s32 $0x180;
	s23 =	sadd.s32 $0xC800, s10;
	[dreg:$0xd] =	wrdreg s22  }
0x18: {  	s9 =	smul.u32 $0x2710, s2;
	s24 =	sadd.s32 $0xDC00, s10;
	[dreg:$0xe] =	wrdreg s23  }
0x19: {  	s2 =	simm.s32 $0x200;
	s25 =	sadd.s32 $0xF000, s10;
	[dreg:$0xf] =	wrdreg s24  }
0x1a: {  	s14 =	simm.s32 $0x280;
	s26 =	sadd.s32 $0x10400, s10;
	[dreg:$0x10] =	wrdreg s25  }
0x1b: {  	s13 =	sadd.s32 $0x1400, s10;
	s28 =	sadd.s32 $0x11800, s10;
	[dreg:$0x11] =	wrdreg s26  }
0x1c: {  	s29 =	sadd.s32 $0x12C00, s10;
	s25 =	sadd.s32 $0x45A00, s11;
	[dreg:$0x12] =	wrdreg s28  }
0x1d: {  	s1 =	simm.s32 $0x100;
	s11 =	simm.s32 $0x80;
	s15 =	simm.s32 $0x1  }
0x1e: {  	s16 =	simm.s32 $0x28;
	s17 =	simm.s32 $0x2B00;
	s18 =	simm.s32 $0x1700  }
0x1f: {  	v0 =	vimm.f32 $0.0e+00;
	v1 =	vimm.f32 $1.000000000e+00;
	s19 =	simm.s32 $0x3F00;
	s20 =	simm.s32 $0x5300;
	s21 =	simm.s32 $0x0  }
.LBB2_1:
0x20: {  	s22 =	simm.s32 $0x0;
	s23 =	simm.s32 $0x200  }
.LBB2_2:
0x21: {  	p0 =	sne.s32 s23, $0x4E00;
	[tilespmem:s22+$0x370] =	vst v0  }
0x22: {  	[tilespmem:s22+$0x300] =	vst v0  }
0x23: {  	[tilespmem:s22+$0x310] =	vst v0  }
.Ltmp0:
0x24: {  	[tilespmem:s22+$0x320] =	vst v0;
	(pc) =	sbr.rel @p0 .LBB2_2-.Ltmp0, $4  }
0x25: {  	[tilespmem:s22+$0x330] =	vst v0  }
0x26: {  	[tilespmem:s22+$0x340] =	vst v0  }
0x27: {  	[tilespmem:s22+$0x350] =	vst v0  }
0x28: {  	[tilespmem:s22+$0x360] =	vst v0;
	s22 =	sshra.s32 s23, $0x2;
	s23 =	sadd.s32 $0x200, s23  }
0x29: {  	[tilespmem:s22+$0x370] =	vst v0  }
0x2a: {  	[tilespmem:s22+$0x300] =	vst v0  }
0x2b: {  	[tilespmem:s22+$0x310] =	vst v0  }
0x2c: {  	[tilespmem:s22+$0x320] =	vst v0  }
0x2d: {  	[tilespmem:s22+$0x330] =	vst v0  }
0x2e: {  	[tilespmem:s22+$0x340] =	vst v0  }
0x2f: {  	[tilespmem:s22+$0x350] =	vst v0  }
0x30: {  	[tilespmem:s22+$0x360] =	vst v0;
	s22 =	simm.s32 $0x40;
	s23 =	simm.s32 $0x0  }
.LBB2_4:
0x31: {  	p0 =	sne.s32 s22, $0x9FC0;
	[tilespmem:s23+$0x5300] =	vst v0;
	s23 =	smov.u32 s22;
	s22 =	sadd.s32 $0x40, s22  }
.Ltmp1:
0x32: {  	(pc) =	sbr.rel @p0 .LBB2_4-.Ltmp1, $2  }
0x33: {  	_ =	sdelay $0x2  }
0x34: {  	s23 =	sshra.s32 s23, $0x2  }
0x35: {  	[tilespmem:s23+$0x5300] =	vst v0  }
0x36: {  	[spmem:s10] =	stream.linear.scatter [tilespmem:s30], [sflag:$0x2], $0x1400, $0x38;
	[tilespmem:$0x1BB00] =	vst v63  }
0x37: {  	_ =	swait.ge [sflag:s31], $0x1400  }
0x38: {  	[sflag:s31] =	ssyncset.done $0x0  }
0x39: {  	[sflag:s31] =	ssyncadd.s32 $0xFFFFEC00  }
0x3a: {  	[spmem:s13] =	stream.linear.scatter [tilespmem:s30], [sflag:$0x2], $0x1400, $0x38;
	[tilespmem:$0x1BB00] =	vst v63  }
0x3b: {  	_ =	swait.ge [sflag:s31], $0x1400  }
0x3c: {  	[sflag:s31] =	ssyncset.done $0x0  }
0x3d: {  	s22 =	rddreg [dreg:$0x6];
	[sflag:s31] =	ssyncadd.s32 $0xFFFFEC00  }
0x3e: {  	[spmem:s22] =	stream.linear.scatter [tilespmem:s30], [sflag:$0x2], $0x1400, $0x38;
	[tilespmem:$0x1BB00] =	vst v63  }
0x3f: {  	_ =	swait.ge [sflag:s31], $0x1400  }
0x40: {  	[sflag:s31] =	ssyncset.done $0x0  }
0x41: {  	s23 =	rddreg [dreg:$0x7];
	[sflag:s31] =	ssyncadd.s32 $0xFFFFEC00  }
0x42: {  	[spmem:s23] =	stream.linear.scatter [tilespmem:s30], [sflag:$0x2], $0x1400, $0x38;
	[tilespmem:$0x1BB00] =	vst v63  }
0x43: {  	_ =	swait.ge [sflag:s31], $0x1400  }
0x44: {  	[sflag:s31] =	ssyncset.done $0x0  }
0x45: {  	s24 =	rddreg [dreg:$0x8];
	[sflag:s31] =	ssyncadd.s32 $0xFFFFEC00  }
0x46: {  	[spmem:s24] =	stream.linear.scatter [tilespmem:s30], [sflag:$0x2], $0x1400, $0x38;
	[tilespmem:$0x1BB00] =	vst v63  }
0x47: {  	_ =	swait.ge [sflag:s31], $0x1400  }
0x48: {  	[sflag:s31] =	ssyncset.done $0x0  }
0x49: {  	s26 =	rddreg [dreg:$0x9];
	[sflag:s31] =	ssyncadd.s32 $0xFFFFEC00  }
0x4a: {  	[spmem:s26] =	stream.linear.scatter [tilespmem:s30], [sflag:$0x2], $0x1400, $0x38;
	[tilespmem:$0x1BB00] =	vst v63  }
0x4b: {  	_ =	swait.ge [sflag:s31], $0x1400  }
0x4c: {  	[sflag:s31] =	ssyncset.done $0x0  }
0x4d: {  	s28 =	rddreg [dreg:$0xa];
	[sflag:s31] =	ssyncadd.s32 $0xFFFFEC00  }
0x4e: {  	[spmem:s28] =	stream.linear.scatter [tilespmem:s30], [sflag:$0x2], $0x1400, $0x38;
	[tilespmem:$0x1BB00] =	vst v63  }
0x4f: {  	_ =	swait.ge [sflag:s31], $0x1400  }
0x50: {  	[sflag:s31] =	ssyncset.done $0x0  }
0x51: {  	s23 =	rddreg [dreg:$0xb];
	[sflag:s31] =	ssyncadd.s32 $0xFFFFEC00  }
0x52: {  	[spmem:s23] =	stream.linear.scatter [tilespmem:s30], [sflag:$0x2], $0x1400, $0x38;
	[tilespmem:$0x1BB00] =	vst v63  }
0x53: {  	_ =	swait.ge [sflag:s31], $0x1400  }
0x54: {  	[sflag:s31] =	ssyncset.done $0x0  }
0x55: {  	s24 =	rddreg [dreg:$0xc];
	[sflag:s31] =	ssyncadd.s32 $0xFFFFEC00  }
0x56: {  	[spmem:s24] =	stream.linear.scatter [tilespmem:s30], [sflag:$0x2], $0x1400, $0x38;
	[tilespmem:$0x1BB00] =	vst v63  }
0x57: {  	_ =	swait.ge [sflag:s31], $0x1400  }
0x58: {  	[sflag:s31] =	ssyncset.done $0x0  }
0x59: {  	s26 =	rddreg [dreg:$0xd];
	[sflag:s31] =	ssyncadd.s32 $0xFFFFEC00  }
0x5a: {  	[spmem:s26] =	stream.linear.scatter [tilespmem:s30], [sflag:$0x2], $0x1400, $0x38;
	[tilespmem:$0x1BB00] =	vst v63  }
0x5b: {  	_ =	swait.ge [sflag:s31], $0x1400  }
0x5c: {  	[sflag:s31] =	ssyncset.done $0x0  }
0x5d: {  	s28 =	rddreg [dreg:$0xe];
	[sflag:s31] =	ssyncadd.s32 $0xFFFFEC00  }
0x5e: {  	[spmem:s28] =	stream.linear.scatter [tilespmem:s30], [sflag:$0x2], $0x1400, $0x38;
	[tilespmem:$0x1BB00] =	vst v63  }
0x5f: {  	_ =	swait.ge [sflag:s31], $0x1400  }
0x60: {  	[sflag:s31] =	ssyncset.done $0x0  }
0x61: {  	s23 =	rddreg [dreg:$0xf];
	[sflag:s31] =	ssyncadd.s32 $0xFFFFEC00  }
0x62: {  	[spmem:s23] =	stream.linear.scatter [tilespmem:s30], [sflag:$0x2], $0x1400, $0x38;
	[tilespmem:$0x1BB00] =	vst v63  }
0x63: {  	_ =	swait.ge [sflag:s31], $0x1400  }
0x64: {  	[sflag:s31] =	ssyncset.done $0x0  }
0x65: {  	s24 =	rddreg [dreg:$0x10];
	[sflag:s31] =	ssyncadd.s32 $0xFFFFEC00  }
0x66: {  	[spmem:s24] =	stream.linear.scatter [tilespmem:s30], [sflag:$0x2], $0x1400, $0x38;
	[tilespmem:$0x1BB00] =	vst v63  }
0x67: {  	_ =	swait.ge [sflag:s31], $0x1400  }
0x68: {  	[sflag:s31] =	ssyncset.done $0x0  }
0x69: {  	s26 =	rddreg [dreg:$0x11];
	[sflag:s31] =	ssyncadd.s32 $0xFFFFEC00  }
0x6a: {  	[spmem:s26] =	stream.linear.scatter [tilespmem:s30], [sflag:$0x2], $0x1400, $0x38;
	[tilespmem:$0x1BB00] =	vst v63  }
0x6b: {  	_ =	swait.ge [sflag:s31], $0x1400  }
0x6c: {  	[sflag:s31] =	ssyncset.done $0x0  }
0x6d: {  	s28 =	rddreg [dreg:$0x12];
	[sflag:s31] =	ssyncadd.s32 $0xFFFFEC00  }
0x6e: {  	[spmem:s28] =	stream.linear.scatter [tilespmem:s30], [sflag:$0x2], $0x1400, $0x38;
	[tilespmem:$0x1BB00] =	vst v63  }
0x6f: {  	_ =	swait.ge [sflag:s31], $0x1400  }
0x70: {  	[sflag:s31] =	ssyncset.done $0x0  }
0x71: {  	[sflag:s31] =	ssyncadd.s32 $0xFFFFEC00  }
0x72: {  	[spmem:s29] =	stream.linear.scatter [tilespmem:s30], [sflag:$0x2], $0x1400, $0x38;
	[tilespmem:$0x1BB00] =	vst v63  }
0x73: {  	_ =	swait.ge [sflag:s31], $0x1400  }
0x74: {  	[sflag:s31] =	ssyncset.done $0x0  }
0x75: {  	[sflag:s31] =	ssyncadd.s32 $0xFFFFEC00  }
0x76: {  	s22 =	simm.s32 $0x0;
	[bflag:$0x0] =	sbarrier.arrive $0xFFFF  }
.LBB2_6:
0x77: {  	s23 =	smul.u32 $0x50, s22;
	_ =	sdelay $0x1  }
0x78: {  	s23 =	sadd.s32 s9, s23  }
0x79: {  	s24 =	sshrl.u32 s23, $0x3  }
0x7a: {  	s26 =	sadd.s32 s6, s24  }
0x7b: {  	[tilespmem:s4], [sflag:$0x1] =	stream.linear.gather [hbm4b:s26+s4], $0x28, $0x38;
	[tilespmem:$0x1BB00] =	vst v63  }
0x7c: {  	s23 =	sadd.s32 $0x28, s23;
	s28 =	sadd.s32 s7, s24  }
0x7d: {  	[tilespmem:s1], [sflag:$0x1] =	stream.linear.gather [hbm4b:s28+s4], $0x28, $0x38;
	[tilespmem:$0x1BB00] =	vst v63  }
0x7e: {  	s24 =	sadd.s32 s8, s24;
	s23 =	sshrl.u32 s23, $0x3  }
0x7f: {  	[tilespmem:s2], [sflag:$0x1] =	stream.linear.gather [hbm4b:s24+s4], $0x28, $0x38;
	[tilespmem:$0x1BB00] =	vst v63  }
0x80: {  	s26 =	sadd.s32 s6, s23  }
0x81: {  	[tilespmem:s11], [sflag:$0x1] =	stream.linear.gather [hbm4b:s26+s4], $0x28, $0x38;
	[tilespmem:$0x1BB00] =	vst v63  }
0x82: {  	s28 =	sadd.s32 s7, s23  }
0x83: {  	[tilespmem:s12], [sflag:$0x1] =	stream.linear.gather [hbm4b:s28+s4], $0x28, $0x38;
	[tilespmem:$0x1BB00] =	vst v63  }
0x84: {  	s23 =	sadd.s32 s8, s23  }
0x85: {  	[tilespmem:s14], [sflag:$0x1] =	stream.linear.gather [hbm4b:s23+s4], $0x28, $0x38;
	[tilespmem:$0x1BB00] =	vst v63  }
0x86: {  	_ =	swait.ge [sflag:s15], $0x28  }
0x87: {  	[sflag:s15] =	ssyncset.done $0x0  }
0x88: {  	[sflag:s15] =	ssyncadd.s32 $0xFFFFFFD8  }
0x89: {  	_ =	swait.ge [sflag:s15], $0x28  }
0x8a: {  	[sflag:s15] =	ssyncset.done $0x0  }
0x8b: {  	[sflag:s15] =	ssyncadd.s32 $0xFFFFFFD8  }
0x8c: {  	_ =	swait.ge [sflag:s15], $0x28  }
0x8d: {  	[sflag:s15] =	ssyncset.done $0x0  }
0x8e: {  	[sflag:s15] =	ssyncadd.s32 $0xFFFFFFD8  }
0x8f: {  	_ =	swait.ge [sflag:s15], $0x28  }
0x90: {  	[sflag:s15] =	ssyncset.done $0x0  }
0x91: {  	[sflag:s15] =	ssyncadd.s32 $0xFFFFFFD8  }
0x92: {  	_ =	swait.ge [sflag:s15], $0x28  }
0x93: {  	[sflag:s15] =	ssyncset.done $0x0  }
0x94: {  	[sflag:s15] =	ssyncadd.s32 $0xFFFFFFD8  }
0x95: {  	_ =	swait.ge [sflag:s15], $0x28  }
0x96: {  	[sflag:s15] =	ssyncset.done $0x0  }
0x97: {  	[sflag:s15] =	ssyncadd.s32 $0xFFFFFFD8  }
0x98: {  	[tilespmem:s30], [sflag:$0x1] =	stream.indirect.gather [hbm4b:s0+s16], $0x80, s4, s16, $0xb8;
	[tilespmem:$0x1BB00] =	vst v63  }
0x99: {  	_ = 	snop  }
0x9a: {  	[tilespmem:s17], [sflag:$0x1] =	stream.indirect.gather [hbm4b:s5+s16], $0x80, s4, s16, $0xb8;
	[tilespmem:$0x1BB00] =	vst v63  }
0x9b: {  	_ = 	snop  }
0x9c: {  	[tilespmem:s18], [sflag:$0x1] =	stream.indirect.gather [hbm4b:s0+s16], $0x80, s11, s16, $0xb8;
	[tilespmem:$0x1BB00] =	vst v63  }
0x9d: {  	_ = 	snop  }
0x9e: {  	[tilespmem:s19], [sflag:$0x1] =	stream.indirect.gather [hbm4b:s5+s16], $0x80, s11, s16, $0xb8;
	[tilespmem:$0x1BB00] =	vst v63  }
0x9f: {  	_ =	swait.ge [sflag:s15], $0x1400  }
0xa0: {  	[sflag:s15] =	ssyncset.done $0x0  }
0xa1: {  	[sflag:s15] =	ssyncadd.s32 $0xFFFFEC00  }
0xa2: {  	_ =	swait.ge [sflag:s15], $0x1400  }
0xa3: {  	[sflag:s15] =	ssyncset.done $0x0  }
0xa4: {  	[sflag:s15] =	ssyncadd.s32 $0xFFFFEC00  }
0xa5: {  	_ =	swait.ge [sflag:s15], $0x1400  }
0xa6: {  	[sflag:s15] =	ssyncset.done $0x0  }
0xa7: {  	[sflag:s15] =	ssyncadd.s32 $0xFFFFEC00  }
0xa8: {  	_ =	swait.ge [sflag:s15], $0x1400  }
0xa9: {  	[sflag:s15] =	ssyncset.done $0x0  }
0xaa: {  	[sflag:s15] =	ssyncadd.s32 $0xFFFFEC00  }
0xab: {  	[spmem:s3] =	stream.indirect.scatter.add.f32 [tilespmem:s30], [sflag:$0x2], $0x80, s1, s16, $0xb8;
	[tilespmem:$0x1BB00] =	vst v63  }
0xac: {  	_ =	swait.ge [sflag:s31], $0x1400  }
0xad: {  	[sflag:s31] =	ssyncset.done $0x0  }
0xae: {  	s24 =	simm.s32 $0x2D00;
	s23 =	simm.s32 $0x7;
	[sflag:s31] =	ssyncadd.s32 $0xFFFFEC00  }
.LBB2_7:
0xaf: {  	s26 =	sadd.s32 $0xFFFFFFF9, s23  }
0xb0: {  	v2 =	vmov s26  }
0xb1: {  	v2 =	vand.u32 $0xFFFFFFF8, v2  }
0xb2: {  	v2 =	vbroadcast v2, $0x0;
	_ =	sdelay $0x5  }
0xb3: {  	v3 =	vld.idx.msk [tilespmem:v2+s1+$0x0], $0xffff;
	_ =	sdelay $0x6  }
0xb4: {  	v2 =	vld.idx.msk [tilespmem:v2+s2+$0x0], $0xffff  }
0xb5: {  	[tilespmem:v3+s20+$0x0] =	vst.idx.add.f32.msk $0x1, v1  }
0xb6: {  	v3 =	vld [tilespmem:s24+$0xFFFFFE00];
	_ =	sdelay $0x2  }
0xb7: {  	v2 =	vmax.f32 v2, $0.0e+00  }
0xb8: {  	v2 =	vmin.f32 v2, $1.000000000e+00  }
0xb9: {  	v3 =	vmul.f32 v3, v2;
	_ =	sdelay $0x1  }
0xba: {  	[tilespmem:s24+$0xFFFFFE00] =	vst v3;
	v3 =	vld [tilespmem:s24+$0xFFFFFE10];
	_ =	sdelay $0x4  }
0xbb: {  	v3 =	vmul.f32 v3, v2;
	_ =	sdelay $0x1  }
0xbc: {  	[tilespmem:s24+$0xFFFFFE10] =	vst v3;
	v3 =	vld [tilespmem:s24+$0xFFFFFE20];
	_ =	sdelay $0x4  }
0xbd: {  	v3 =	vmul.f32 v3, v2;
	_ =	sdelay $0x1  }
0xbe: {  	[tilespmem:s24+$0xFFFFFE20] =	vst v3;
	v3 =	vld [tilespmem:s24+$0xFFFFFE30];
	_ =	sdelay $0x4  }
0xbf: {  	v3 =	vmul.f32 v3, v2;
	_ =	sdelay $0x1  }
0xc0: {  	[tilespmem:s24+$0xFFFFFE30] =	vst v3;
	v3 =	vld [tilespmem:s24+$0xFFFFFE40];
	_ =	sdelay $0x4  }
0xc1: {  	v3 =	vmul.f32 v3, v2;
	_ =	sdelay $0x1  }
0xc2: {  	[tilespmem:s24+$0xFFFFFE40] =	vst v3;
	v3 =	vld [tilespmem:s24+$0xFFFFFE50];
	_ =	sdelay $0x4  }
0xc3: {  	v3 =	vmul.f32 v3, v2;
	_ =	sdelay $0x1  }
0xc4: {  	[tilespmem:s24+$0xFFFFFE50] =	vst v3;
	v3 =	vld [tilespmem:s24+$0xFFFFFE60];
	_ =	sdelay $0x4  }
0xc5: {  	v3 =	vmul.f32 v3, v2  }
0xc6: {  	s28 =	sadd.s32 $0xFFFFFFFA, s23  }
0xc7: {  	v4 =	vmov s28;
	[tilespmem:s24+$0xFFFFFE60] =	vst v3;
	v3 =	vld [tilespmem:s24+$0xFFFFFE70]  }
0xc8: {  	v4 =	vand.u32 $0xFFFFFFF9, v4  }
0xc9: {  	v4 =	vbroadcast v4, $0x0;
	_ =	sdelay $0x2  }
0xca: {  	v2 =	vmul.f32 v3, v2;
	_ =	sdelay $0x1  }
0xcb: {  	[tilespmem:s24+$0xFFFFFE70] =	vst v2  }
0xcc: {  	v2 =	vld.idx.msk [tilespmem:v4+s1+$0x0], $0xffff;
	_ =	sdelay $0x6  }
0xcd: {  	v3 =	vld.idx.msk [tilespmem:v4+s2+$0x0], $0xffff  }
0xce: {  	[tilespmem:v2+s20+$0x0] =	vst.idx.add.f32.msk $0x1, v1  }
0xcf: {  	v2 =	vld [tilespmem:s24+$0xFFFFFE80];
	_ =	sdelay $0x2  }
0xd0: {  	v3 =	vmax.f32 v3, $0.0e+00  }
0xd1: {  	v3 =	vmin.f32 v3, $1.000000000e+00  }
0xd2: {  	v2 =	vmul.f32 v2, v3;
	_ =	sdelay $0x1  }
0xd3: {  	[tilespmem:s24+$0xFFFFFE80] =	vst v2;
	v2 =	vld [tilespmem:s24+$0xFFFFFE90];
	_ =	sdelay $0x4  }
0xd4: {  	v2 =	vmul.f32 v2, v3;
	_ =	sdelay $0x1  }
0xd5: {  	[tilespmem:s24+$0xFFFFFE90] =	vst v2;
	v2 =	vld [tilespmem:s24+$0xFFFFFEA0];
	_ =	sdelay $0x4  }
0xd6: {  	v2 =	vmul.f32 v2, v3;
	_ =	sdelay $0x1  }
0xd7: {  	[tilespmem:s24+$0xFFFFFEA0] =	vst v2;
	v2 =	vld [tilespmem:s24+$0xFFFFFEB0];
	_ =	sdelay $0x4  }
0xd8: {  	v2 =	vmul.f32 v2, v3;
	_ =	sdelay $0x1  }
0xd9: {  	[tilespmem:s24+$0xFFFFFEB0] =	vst v2;
	v2 =	vld [tilespmem:s24+$0xFFFFFEC0];
	_ =	sdelay $0x4  }
0xda: {  	v2 =	vmul.f32 v2, v3;
	_ =	sdelay $0x1  }
0xdb: {  	[tilespmem:s24+$0xFFFFFEC0] =	vst v2;
	v2 =	vld [tilespmem:s24+$0xFFFFFED0];
	_ =	sdelay $0x4  }
0xdc: {  	v2 =	vmul.f32 v2, v3;
	_ =	sdelay $0x1  }
0xdd: {  	[tilespmem:s24+$0xFFFFFED0] =	vst v2;
	v2 =	vld [tilespmem:s24+$0xFFFFFEE0];
	_ =	sdelay $0x4  }
0xde: {  	v2 =	vmul.f32 v2, v3  }
0xdf: {  	s28 =	sadd.s32 $0xFFFFFFFB, s23  }
0xe0: {  	v58 =	vmov s28;
	[tilespmem:s24+$0xFFFFFEE0] =	vst v2;
	v2 =	vld [tilespmem:s24+$0xFFFFFEF0]  }
0xe1: {  	v4 =	vand.u32 $0xFFFFFFFA, v58  }
0xe2: {  	v4 =	vbroadcast v4, $0x0;
	_ =	sdelay $0x2  }
0xe3: {  	v2 =	vmul.f32 v2, v3;
	_ =	sdelay $0x1  }
0xe4: {  	[tilespmem:s24+$0xFFFFFEF0] =	vst v2  }
0xe5: {  	v2 =	vld.idx.msk [tilespmem:v4+s1+$0x0], $0xffff;
	_ =	sdelay $0x6  }
0xe6: {  	v3 =	vld.idx.msk [tilespmem:v4+s2+$0x0], $0xffff  }
0xe7: {  	[tilespmem:v2+s20+$0x0] =	vst.idx.add.f32.msk $0x1, v1  }
0xe8: {  	v2 =	vld [tilespmem:s24+$0xFFFFFF00];
	_ =	sdelay $0x2  }
0xe9: {  	v3 =	vmax.f32 v3, $0.0e+00  }
0xea: {  	v3 =	vmin.f32 v3, $1.000000000e+00  }
0xeb: {  	v2 =	vmul.f32 v2, v3;
	_ =	sdelay $0x1  }
0xec: {  	[tilespmem:s24+$0xFFFFFF00] =	vst v2;
	v2 =	vld [tilespmem:s24+$0xFFFFFF10];
	_ =	sdelay $0x4  }
0xed: {  	v2 =	vmul.f32 v2, v3;
	_ =	sdelay $0x1  }
0xee: {  	[tilespmem:s24+$0xFFFFFF10] =	vst v2;
	v2 =	vld [tilespmem:s24+$0xFFFFFF20];
	_ =	sdelay $0x4  }
0xef: {  	v2 =	vmul.f32 v2, v3;
	_ =	sdelay $0x1  }
0xf0: {  	[tilespmem:s24+$0xFFFFFF20] =	vst v2;
	v2 =	vld [tilespmem:s24+$0xFFFFFF30];
	_ =	sdelay $0x4  }
0xf1: {  	v2 =	vmul.f32 v2, v3;
	_ =	sdelay $0x1  }
0xf2: {  	[tilespmem:s24+$0xFFFFFF30] =	vst v2;
	v2 =	vld [tilespmem:s24+$0xFFFFFF40];
	_ =	sdelay $0x4  }
0xf3: {  	v2 =	vmul.f32 v2, v3;
	_ =	sdelay $0x1  }
0xf4: {  	[tilespmem:s24+$0xFFFFFF40] =	vst v2;
	v2 =	vld [tilespmem:s24+$0xFFFFFF50];
	_ =	sdelay $0x4  }
0xf5: {  	v2 =	vmul.f32 v2, v3;
	_ =	sdelay $0x1  }
0xf6: {  	[tilespmem:s24+$0xFFFFFF50] =	vst v2;
	v2 =	vld [tilespmem:s24+$0xFFFFFF60];
	_ =	sdelay $0x4  }
0xf7: {  	v2 =	vmul.f32 v2, v3  }
0xf8: {  	s28 =	sadd.s32 $0xFFFFFFFC, s23  }
0xf9: {  	v59 =	vmov s28;
	[tilespmem:s24+$0xFFFFFF60] =	vst v2;
	v2 =	vld [tilespmem:s24+$0xFFFFFF70]  }
0xfa: {  	v4 =	vand.u32 $0xFFFFFFFB, v59  }
0xfb: {  	v4 =	vbroadcast v4, $0x0;
	_ =	sdelay $0x2  }
0xfc: {  	v2 =	vmul.f32 v2, v3;
	_ =	sdelay $0x1  }
0xfd: {  	[tilespmem:s24+$0xFFFFFF70] =	vst v2  }
0xfe: {  	v2 =	vld.idx.msk [tilespmem:v4+s1+$0x0], $0xffff;
	_ =	sdelay $0x6  }
0xff: {  	v3 =	vld.idx.msk [tilespmem:v4+s2+$0x0], $0xffff  }
0x100: {  	[tilespmem:v2+s20+$0x0] =	vst.idx.add.f32.msk $0x1, v1  }
0x101: {  	v2 =	vld [tilespmem:s24+$0xFFFFFF80];
	_ =	sdelay $0x2  }
0x102: {  	v3 =	vmax.f32 v3, $0.0e+00  }
0x103: {  	v3 =	vmin.f32 v3, $1.000000000e+00  }
0x104: {  	v2 =	vmul.f32 v2, v3;
	_ =	sdelay $0x1  }
0x105: {  	[tilespmem:s24+$0xFFFFFF80] =	vst v2;
	v2 =	vld [tilespmem:s24+$0xFFFFFF90];
	_ =	sdelay $0x4  }
0x106: {  	v2 =	vmul.f32 v2, v3;
	_ =	sdelay $0x1  }
0x107: {  	[tilespmem:s24+$0xFFFFFF90] =	vst v2;
	v2 =	vld [tilespmem:s24+$0xFFFFFFA0];
	_ =	sdelay $0x4  }
0x108: {  	v2 =	vmul.f32 v2, v3;
	_ =	sdelay $0x1  }
0x109: {  	[tilespmem:s24+$0xFFFFFFA0] =	vst v2;
	v2 =	vld [tilespmem:s24+$0xFFFFFFB0];
	_ =	sdelay $0x4  }
0x10a: {  	v2 =	vmul.f32 v2, v3;
	_ =	sdelay $0x1  }
0x10b: {  	[tilespmem:s24+$0xFFFFFFB0] =	vst v2;
	v2 =	vld [tilespmem:s24+$0xFFFFFFC0];
	_ =	sdelay $0x4  }
0x10c: {  	v2 =	vmul.f32 v2, v3;
	_ =	sdelay $0x1  }
0x10d: {  	[tilespmem:s24+$0xFFFFFFC0] =	vst v2;
	v2 =	vld [tilespmem:s24+$0xFFFFFFD0];
	_ =	sdelay $0x4  }
0x10e: {  	v2 =	vmul.f32 v2, v3;
	_ =	sdelay $0x1  }
0x10f: {  	[tilespmem:s24+$0xFFFFFFD0] =	vst v2;
	v2 =	vld [tilespmem:s24+$0xFFFFFFE0];
	_ =	sdelay $0x4  }
0x110: {  	v2 =	vmul.f32 v2, v3  }
0x111: {  	s28 =	sadd.s32 $0xFFFFFFFD, s23  }
0x112: {  	v60 =	vmov s28;
	[tilespmem:s24+$0xFFFFFFE0] =	vst v2;
	v2 =	vld [tilespmem:s24+$0xFFFFFFF0]  }
0x113: {  	v4 =	vand.u32 $0xFFFFFFFC, v60  }
0x114: {  	v4 =	vbroadcast v4, $0x0;
	_ =	sdelay $0x2  }
0x115: {  	v2 =	vmul.f32 v2, v3;
	_ =	sdelay $0x1  }
0x116: {  	[tilespmem:s24+$0xFFFFFFF0] =	vst v2  }
0x117: {  	v2 =	vld.idx.msk [tilespmem:v4+s1+$0x0], $0xffff;
	_ =	sdelay $0x6  }
0x118: {  	v3 =	vld.idx.msk [tilespmem:v4+s2+$0x0], $0xffff  }
0x119: {  	[tilespmem:v2+s20+$0x0] =	vst.idx.add.f32.msk $0x1, v1  }
0x11a: {  	v2 =	vld [tilespmem:s24+$0x0];
	_ =	sdelay $0x2  }
0x11b: {  	v3 =	vmax.f32 v3, $0.0e+00  }
0x11c: {  	v3 =	vmin.f32 v3, $1.000000000e+00  }
0x11d: {  	v2 =	vmul.f32 v2, v3;
	_ =	sdelay $0x1  }
0x11e: {  	[tilespmem:s24+$0x0] =	vst v2;
	v2 =	vld [tilespmem:s24+$0x10];
	_ =	sdelay $0x4  }
0x11f: {  	v2 =	vmul.f32 v2, v3;
	_ =	sdelay $0x1  }
0x120: {  	[tilespmem:s24+$0x10] =	vst v2;
	v2 =	vld [tilespmem:s24+$0x20];
	_ =	sdelay $0x4  }
0x121: {  	v2 =	vmul.f32 v2, v3;
	_ =	sdelay $0x1  }
0x122: {  	[tilespmem:s24+$0x20] =	vst v2;
	v2 =	vld [tilespmem:s24+$0x30];
	_ =	sdelay $0x4  }
0x123: {  	v2 =	vmul.f32 v2, v3;
	_ =	sdelay $0x1  }
0x124: {  	[tilespmem:s24+$0x30] =	vst v2;
	v2 =	vld [tilespmem:s24+$0x40];
	_ =	sdelay $0x4  }
0x125: {  	v2 =	vmul.f32 v2, v3;
	_ =	sdelay $0x1  }
0x126: {  	[tilespmem:s24+$0x40] =	vst v2;
	v2 =	vld [tilespmem:s24+$0x50];
	_ =	sdelay $0x4  }
0x127: {  	v2 =	vmul.f32 v2, v3;
	_ =	sdelay $0x1  }
0x128: {  	[tilespmem:s24+$0x50] =	vst v2;
	v2 =	vld [tilespmem:s24+$0x60];
	_ =	sdelay $0x4  }
0x129: {  	v2 =	vmul.f32 v2, v3  }
0x12a: {  	s28 =	sadd.s32 $0xFFFFFFFE, s23  }
0x12b: {  	v61 =	vmov s28;
	[tilespmem:s24+$0x60] =	vst v2;
	v2 =	vld [tilespmem:s24+$0x70]  }
0x12c: {  	v4 =	vand.u32 $0xFFFFFFFD, v61  }
0x12d: {  	v4 =	vbroadcast v4, $0x0;
	_ =	sdelay $0x2  }
0x12e: {  	v2 =	vmul.f32 v2, v3;
	_ =	sdelay $0x1  }
0x12f: {  	[tilespmem:s24+$0x70] =	vst v2  }
0x130: {  	v2 =	vld.idx.msk [tilespmem:v4+s1+$0x0], $0xffff;
	_ =	sdelay $0x6  }
0x131: {  	v3 =	vld.idx.msk [tilespmem:v4+s2+$0x0], $0xffff  }
0x132: {  	[tilespmem:v2+s20+$0x0] =	vst.idx.add.f32.msk $0x1, v1  }
0x133: {  	v2 =	vld [tilespmem:s24+$0x80];
	_ =	sdelay $0x2  }
0x134: {  	v3 =	vmax.f32 v3, $0.0e+00  }
0x135: {  	v3 =	vmin.f32 v3, $1.000000000e+00  }
0x136: {  	v2 =	vmul.f32 v2, v3;
	_ =	sdelay $0x1  }
0x137: {  	[tilespmem:s24+$0x80] =	vst v2;
	v2 =	vld [tilespmem:s24+$0x90];
	_ =	sdelay $0x4  }
0x138: {  	v2 =	vmul.f32 v2, v3;
	_ =	sdelay $0x1  }
0x139: {  	[tilespmem:s24+$0x90] =	vst v2;
	v2 =	vld [tilespmem:s24+$0xA0];
	_ =	sdelay $0x4  }
0x13a: {  	v2 =	vmul.f32 v2, v3;
	_ =	sdelay $0x1  }
0x13b: {  	[tilespmem:s24+$0xA0] =	vst v2;
	v2 =	vld [tilespmem:s24+$0xB0];
	_ =	sdelay $0x4  }
0x13c: {  	v2 =	vmul.f32 v2, v3;
	_ =	sdelay $0x1  }
0x13d: {  	[tilespmem:s24+$0xB0] =	vst v2;
	v2 =	vld [tilespmem:s24+$0xC0];
	_ =	sdelay $0x4  }
0x13e: {  	v2 =	vmul.f32 v2, v3;
	_ =	sdelay $0x1  }
0x13f: {  	[tilespmem:s24+$0xC0] =	vst v2;
	v2 =	vld [tilespmem:s24+$0xD0];
	_ =	sdelay $0x4  }
0x140: {  	v2 =	vmul.f32 v2, v3;
	_ =	sdelay $0x1  }
0x141: {  	[tilespmem:s24+$0xD0] =	vst v2;
	v2 =	vld [tilespmem:s24+$0xE0];
	_ =	sdelay $0x4  }
0x142: {  	v2 =	vmul.f32 v2, v3  }
0x143: {  	s28 =	sadd.s32 $0xFFFFFFFF, s23  }
0x144: {  	v62 =	vmov s28;
	[tilespmem:s24+$0xE0] =	vst v2;
	v2 =	vld [tilespmem:s24+$0xF0]  }
0x145: {  	v4 =	vand.u32 $0xFFFFFFFE, v62  }
0x146: {  	v4 =	vbroadcast v4, $0x0;
	_ =	sdelay $0x2  }
0x147: {  	v2 =	vmul.f32 v2, v3;
	_ =	sdelay $0x1  }
0x148: {  	[tilespmem:s24+$0xF0] =	vst v2  }
0x149: {  	v2 =	vld.idx.msk [tilespmem:v4+s1+$0x0], $0xffff;
	_ =	sdelay $0x6  }
0x14a: {  	v3 =	vld.idx.msk [tilespmem:v4+s2+$0x0], $0xffff  }
0x14b: {  	[tilespmem:v2+s20+$0x0] =	vst.idx.add.f32.msk $0x1, v1  }
0x14c: {  	v2 =	vld [tilespmem:s24+$0x100];
	_ =	sdelay $0x2  }
0x14d: {  	v3 =	vmax.f32 v3, $0.0e+00  }
0x14e: {  	v3 =	vmin.f32 v3, $1.000000000e+00  }
0x14f: {  	v2 =	vmul.f32 v2, v3;
	_ =	sdelay $0x1  }
0x150: {  	[tilespmem:s24+$0x100] =	vst v2;
	v2 =	vld [tilespmem:s24+$0x110];
	_ =	sdelay $0x4  }
0x151: {  	v2 =	vmul.f32 v2, v3;
	_ =	sdelay $0x1  }
0x152: {  	[tilespmem:s24+$0x110] =	vst v2;
	v2 =	vld [tilespmem:s24+$0x120];
	_ =	sdelay $0x4  }
0x153: {  	v2 =	vmul.f32 v2, v3;
	_ =	sdelay $0x1  }
0x154: {  	[tilespmem:s24+$0x120] =	vst v2;
	v2 =	vld [tilespmem:s24+$0x130];
	_ =	sdelay $0x4  }
0x155: {  	v2 =	vmul.f32 v2, v3;
	_ =	sdelay $0x1  }
0x156: {  	[tilespmem:s24+$0x130] =	vst v2;
	v2 =	vld [tilespmem:s24+$0x140];
	_ =	sdelay $0x4  }
0x157: {  	v2 =	vmul.f32 v2, v3;
	_ =	sdelay $0x1  }
0x158: {  	[tilespmem:s24+$0x140] =	vst v2;
	v2 =	vld [tilespmem:s24+$0x150];
	_ =	sdelay $0x4  }
0x159: {  	v2 =	vmul.f32 v2, v3;
	_ =	sdelay $0x1  }
0x15a: {  	[tilespmem:s24+$0x150] =	vst v2;
	v2 =	vld [tilespmem:s24+$0x160];
	_ =	sdelay $0x4  }
0x15b: {  	v2 =	vmul.f32 v2, v3;
	_ =	sdelay $0x1  }
0x15c: {  	[tilespmem:s24+$0x160] =	vst v2;
	v2 =	vld [tilespmem:s24+$0x170];
	_ =	sdelay $0x2  }
0x15d: {  	v63 =	vmov s23;
	_ =	sdelay $0x1  }
0x15e: {  	v2 =	vmul.f32 v2, v3;
	_ =	sdelay $0x1  }
0x15f: {  	[tilespmem:s24+$0x170] =	vst v2  }
0x160: {  	v2 =	vld.idx.msk [tilespmem:v63+s1+$0x0], $0xffff;
	_ =	sdelay $0x6  }
0x161: {  	v3 =	vld.idx.msk [tilespmem:v63+s2+$0x0], $0xffff  }
0x162: {  	[tilespmem:v2+s20+$0x0] =	vst.idx.add.f32.msk $0x1, v1  }
0x163: {  	v2 =	vld [tilespmem:s24+$0x180];
	_ =	sdelay $0x2  }
0x164: {  	v3 =	vmax.f32 v3, $0.0e+00  }
0x165: {  	v3 =	vmin.f32 v3, $1.000000000e+00  }
0x166: {  	v2 =	vmul.f32 v2, v3;
	_ =	sdelay $0x1  }
0x167: {  	[tilespmem:s24+$0x180] =	vst v2;
	v2 =	vld [tilespmem:s24+$0x190];
	_ =	sdelay $0x4  }
0x168: {  	v2 =	vmul.f32 v2, v3;
	_ =	sdelay $0x1  }
0x169: {  	[tilespmem:s24+$0x190] =	vst v2;
	v2 =	vld [tilespmem:s24+$0x1A0];
	_ =	sdelay $0x4  }
0x16a: {  	v2 =	vmul.f32 v2, v3;
	_ =	sdelay $0x1  }
0x16b: {  	[tilespmem:s24+$0x1A0] =	vst v2;
	v2 =	vld [tilespmem:s24+$0x1B0];
	_ =	sdelay $0x4  }
0x16c: {  	v2 =	vmul.f32 v2, v3;
	_ =	sdelay $0x1  }
0x16d: {  	[tilespmem:s24+$0x1B0] =	vst v2;
	v2 =	vld [tilespmem:s24+$0x1C0];
	_ =	sdelay $0x4  }
0x16e: {  	v2 =	vmul.f32 v2, v3;
	_ =	sdelay $0x1  }
0x16f: {  	[tilespmem:s24+$0x1C0] =	vst v2;
	v2 =	vld [tilespmem:s24+$0x1D0];
	_ =	sdelay $0x4  }
0x170: {  	v2 =	vmul.f32 v2, v3;
	_ =	sdelay $0x1  }
0x171: {  	[tilespmem:s24+$0x1D0] =	vst v2;
	v2 =	vld [tilespmem:s24+$0x1E0];
	_ =	sdelay $0x4  }
0x172: {  	v2 =	vmul.f32 v2, v3;
	_ =	sdelay $0x1  }
0x173: {  	[tilespmem:s24+$0x1E0] =	vst v2;
	v2 =	vld [tilespmem:s24+$0x1F0];
	_ =	sdelay $0x1  }
0x174: {  	p0 =	sne.s32 s23, $0x27  }
.Ltmp2:
0x175: {  	_ = 	snop;
	(pc) =	sbr.rel @p0 .LBB2_7-.Ltmp2, $3  }
0x176: {  	_ = 	snop  }
0x177: {  	v2 =	vmul.f32 v2, v3;
	_ =	sdelay $0x1  }
0x178: {  	s23 =	sadd.s32 $0x8, s23;
	[tilespmem:s24+$0x1F0] =	vst v2;
	s24 =	sadd.s32 $0x400, s24  }
0x179: {  	[spmem:s3] =	stream.indirect.scatter.add.f32 [tilespmem:s17], [sflag:$0x2], $0x80, s1, s16, $0xb8;
	[tilespmem:$0x1BB00] =	vst v63  }
0x17a: {  	_ =	swait.ge [sflag:s31], $0x1400  }
0x17b: {  	[sflag:s31] =	ssyncset.done $0x0  }
0x17c: {  	[sflag:s31] =	ssyncadd.s32 $0xFFFFEC00  }
0x17d: {  	[spmem:s3] =	stream.indirect.scatter.add.f32 [tilespmem:s18], [sflag:$0x2], $0x80, s12, s16, $0xb8;
	[tilespmem:$0x1BB00] =	vst v63  }
0x17e: {  	_ =	swait.ge [sflag:s31], $0x1400  }
0x17f: {  	[sflag:s31] =	ssyncset.done $0x0  }
0x180: {  	s23 =	simm.s32 $0x7;
	s24 =	simm.s32 $0x42F0;
	[sflag:s31] =	ssyncadd.s32 $0xFFFFEC00  }
.LBB2_9:
0x181: {  	s26 =	sadd.s32 $0xFFFFFFF9, s23  }
0x182: {  	v2 =	vmov s26  }
0x183: {  	v2 =	vand.u32 $0xFFFFFFF8, v2  }
0x184: {  	v2 =	vbroadcast v2, $0x0;
	_ =	sdelay $0x5  }
0x185: {  	v3 =	vld.idx.msk [tilespmem:v2+s12+$0x0], $0xffff;
	_ =	sdelay $0x6  }
0x186: {  	v2 =	vld.idx.msk [tilespmem:v2+s14+$0x0], $0xffff  }
0x187: {  	[tilespmem:v3+s20+$0x0] =	vst.idx.add.f32.msk $0x1, v1  }
0x188: {  	v3 =	vld [tilespmem:s24+$0xFFFFFC10];
	_ =	sdelay $0x2  }
0x189: {  	v2 =	vmax.f32 v2, $0.0e+00  }
0x18a: {  	v2 =	vmin.f32 v2, $1.000000000e+00  }
0x18b: {  	v3 =	vmul.f32 v3, v2;
	_ =	sdelay $0x1  }
0x18c: {  	[tilespmem:s24+$0xFFFFFC10] =	vst v3;
	v3 =	vld [tilespmem:s24+$0xFFFFFC20];
	_ =	sdelay $0x4  }
0x18d: {  	v3 =	vmul.f32 v3, v2;
	_ =	sdelay $0x1  }
0x18e: {  	[tilespmem:s24+$0xFFFFFC20] =	vst v3;
	v3 =	vld [tilespmem:s24+$0xFFFFFC30];
	_ =	sdelay $0x4  }
0x18f: {  	v3 =	vmul.f32 v3, v2;
	_ =	sdelay $0x1  }
0x190: {  	[tilespmem:s24+$0xFFFFFC30] =	vst v3;
	v3 =	vld [tilespmem:s24+$0xFFFFFC40];
	_ =	sdelay $0x4  }
0x191: {  	v3 =	vmul.f32 v3, v2;
	_ =	sdelay $0x1  }
0x192: {  	[tilespmem:s24+$0xFFFFFC40] =	vst v3;
	v3 =	vld [tilespmem:s24+$0xFFFFFC50];
	_ =	sdelay $0x4  }
0x193: {  	v3 =	vmul.f32 v3, v2;
	_ =	sdelay $0x1  }
0x194: {  	[tilespmem:s24+$0xFFFFFC50] =	vst v3;
	v3 =	vld [tilespmem:s24+$0xFFFFFC60];
	_ =	sdelay $0x4  }
0x195: {  	v3 =	vmul.f32 v3, v2;
	_ =	sdelay $0x1  }
0x196: {  	[tilespmem:s24+$0xFFFFFC60] =	vst v3;
	v3 =	vld [tilespmem:s24+$0xFFFFFC70];
	_ =	sdelay $0x4  }
0x197: {  	v3 =	vmul.f32 v3, v2  }
0x198: {  	s28 =	sadd.s32 $0xFFFFFFFA, s23  }
0x199: {  	v4 =	vmov s28;
	[tilespmem:s24+$0xFFFFFC70] =	vst v3;
	v3 =	vld [tilespmem:s24+$0xFFFFFC80]  }
0x19a: {  	v4 =	vand.u32 $0xFFFFFFF9, v4  }
0x19b: {  	v4 =	vbroadcast v4, $0x0;
	_ =	sdelay $0x2  }
0x19c: {  	v2 =	vmul.f32 v3, v2;
	_ =	sdelay $0x1  }
0x19d: {  	[tilespmem:s24+$0xFFFFFC80] =	vst v2  }
0x19e: {  	v2 =	vld.idx.msk [tilespmem:v4+s12+$0x0], $0xffff;
	_ =	sdelay $0x6  }
0x19f: {  	v3 =	vld.idx.msk [tilespmem:v4+s14+$0x0], $0xffff  }
0x1a0: {  	[tilespmem:v2+s20+$0x0] =	vst.idx.add.f32.msk $0x1, v1  }
0x1a1: {  	v2 =	vld [tilespmem:s24+$0xFFFFFC90];
	_ =	sdelay $0x2  }
0x1a2: {  	v3 =	vmax.f32 v3, $0.0e+00  }
0x1a3: {  	v3 =	vmin.f32 v3, $1.000000000e+00  }
0x1a4: {  	v2 =	vmul.f32 v2, v3;
	_ =	sdelay $0x1  }
0x1a5: {  	[tilespmem:s24+$0xFFFFFC90] =	vst v2;
	v2 =	vld [tilespmem:s24+$0xFFFFFCA0];
	_ =	sdelay $0x4  }
0x1a6: {  	v2 =	vmul.f32 v2, v3;
	_ =	sdelay $0x1  }
0x1a7: {  	[tilespmem:s24+$0xFFFFFCA0] =	vst v2;
	v2 =	vld [tilespmem:s24+$0xFFFFFCB0];
	_ =	sdelay $0x4  }
0x1a8: {  	v2 =	vmul.f32 v2, v3;
	_ =	sdelay $0x1  }
0x1a9: {  	[tilespmem:s24+$0xFFFFFCB0] =	vst v2;
	v2 =	vld [tilespmem:s24+$0xFFFFFCC0];
	_ =	sdelay $0x4  }
0x1aa: {  	v2 =	vmul.f32 v2, v3;
	_ =	sdelay $0x1  }
0x1ab: {  	[tilespmem:s24+$0xFFFFFCC0] =	vst v2;
	v2 =	vld [tilespmem:s24+$0xFFFFFCD0];
	_ =	sdelay $0x4  }
0x1ac: {  	v2 =	vmul.f32 v2, v3;
	_ =	sdelay $0x1  }
0x1ad: {  	[tilespmem:s24+$0xFFFFFCD0] =	vst v2;
	v2 =	vld [tilespmem:s24+$0xFFFFFCE0];
	_ =	sdelay $0x4  }
0x1ae: {  	v2 =	vmul.f32 v2, v3;
	_ =	sdelay $0x1  }
0x1af: {  	[tilespmem:s24+$0xFFFFFCE0] =	vst v2;
	v2 =	vld [tilespmem:s24+$0xFFFFFCF0];
	_ =	sdelay $0x4  }
0x1b0: {  	v2 =	vmul.f32 v2, v3  }
0x1b1: {  	s28 =	sadd.s32 $0xFFFFFFFB, s23  }
0x1b2: {  	v58 =	vmov s28;
	[tilespmem:s24+$0xFFFFFCF0] =	vst v2;
	v2 =	vld [tilespmem:s24+$0xFFFFFD00]  }
0x1b3: {  	v4 =	vand.u32 $0xFFFFFFFA, v58  }
0x1b4: {  	v4 =	vbroadcast v4, $0x0;
	_ =	sdelay $0x2  }
0x1b5: {  	v2 =	vmul.f32 v2, v3;
	_ =	sdelay $0x1  }
0x1b6: {  	[tilespmem:s24+$0xFFFFFD00] =	vst v2  }
0x1b7: {  	v2 =	vld.idx.msk [tilespmem:v4+s12+$0x0], $0xffff;
	_ =	sdelay $0x6  }
0x1b8: {  	v3 =	vld.idx.msk [tilespmem:v4+s14+$0x0], $0xffff  }
0x1b9: {  	[tilespmem:v2+s20+$0x0] =	vst.idx.add.f32.msk $0x1, v1  }
0x1ba: {  	v2 =	vld [tilespmem:s24+$0xFFFFFD10];
	_ =	sdelay $0x2  }
0x1bb: {  	v3 =	vmax.f32 v3, $0.0e+00  }
0x1bc: {  	v3 =	vmin.f32 v3, $1.000000000e+00  }
0x1bd: {  	v2 =	vmul.f32 v2, v3;
	_ =	sdelay $0x1  }
0x1be: {  	[tilespmem:s24+$0xFFFFFD10] =	vst v2;
	v2 =	vld [tilespmem:s24+$0xFFFFFD20];
	_ =	sdelay $0x4  }
0x1bf: {  	v2 =	vmul.f32 v2, v3;
	_ =	sdelay $0x1  }
0x1c0: {  	[tilespmem:s24+$0xFFFFFD20] =	vst v2;
	v2 =	vld [tilespmem:s24+$0xFFFFFD30];
	_ =	sdelay $0x4  }
0x1c1: {  	v2 =	vmul.f32 v2, v3;
	_ =	sdelay $0x1  }
0x1c2: {  	[tilespmem:s24+$0xFFFFFD30] =	vst v2;
	v2 =	vld [tilespmem:s24+$0xFFFFFD40];
	_ =	sdelay $0x4  }
0x1c3: {  	v2 =	vmul.f32 v2, v3;
	_ =	sdelay $0x1  }
0x1c4: {  	[tilespmem:s24+$0xFFFFFD40] =	vst v2;
	v2 =	vld [tilespmem:s24+$0xFFFFFD50];
	_ =	sdelay $0x4  }
0x1c5: {  	v2 =	vmul.f32 v2, v3;
	_ =	sdelay $0x1  }
0x1c6: {  	[tilespmem:s24+$0xFFFFFD50] =	vst v2;
	v2 =	vld [tilespmem:s24+$0xFFFFFD60];
	_ =	sdelay $0x4  }
0x1c7: {  	v2 =	vmul.f32 v2, v3;
	_ =	sdelay $0x1  }
0x1c8: {  	[tilespmem:s24+$0xFFFFFD60] =	vst v2;
	v2 =	vld [tilespmem:s24+$0xFFFFFD70];
	_ =	sdelay $0x4  }
0x1c9: {  	v2 =	vmul.f32 v2, v3  }
0x1ca: {  	s28 =	sadd.s32 $0xFFFFFFFC, s23  }
0x1cb: {  	v59 =	vmov s28;
	[tilespmem:s24+$0xFFFFFD70] =	vst v2;
	v2 =	vld [tilespmem:s24+$0xFFFFFD80]  }
0x1cc: {  	v4 =	vand.u32 $0xFFFFFFFB, v59  }
0x1cd: {  	v4 =	vbroadcast v4, $0x0;
	_ =	sdelay $0x2  }
0x1ce: {  	v2 =	vmul.f32 v2, v3;
	_ =	sdelay $0x1  }
0x1cf: {  	[tilespmem:s24+$0xFFFFFD80] =	vst v2  }
0x1d0: {  	v2 =	vld.idx.msk [tilespmem:v4+s12+$0x0], $0xffff;
	_ =	sdelay $0x6  }
0x1d1: {  	v3 =	vld.idx.msk [tilespmem:v4+s14+$0x0], $0xffff  }
0x1d2: {  	[tilespmem:v2+s20+$0x0] =	vst.idx.add.f32.msk $0x1, v1  }
0x1d3: {  	v2 =	vld [tilespmem:s24+$0xFFFFFD90];
	_ =	sdelay $0x2  }
0x1d4: {  	v3 =	vmax.f32 v3, $0.0e+00  }
0x1d5: {  	v3 =	vmin.f32 v3, $1.000000000e+00  }
0x1d6: {  	v2 =	vmul.f32 v2, v3;
	_ =	sdelay $0x1  }
0x1d7: {  	[tilespmem:s24+$0xFFFFFD90] =	vst v2;
	v2 =	vld [tilespmem:s24+$0xFFFFFDA0];
	_ =	sdelay $0x4  }
0x1d8: {  	v2 =	vmul.f32 v2, v3;
	_ =	sdelay $0x1  }
0x1d9: {  	[tilespmem:s24+$0xFFFFFDA0] =	vst v2;
	v2 =	vld [tilespmem:s24+$0xFFFFFDB0];
	_ =	sdelay $0x4  }
0x1da: {  	v2 =	vmul.f32 v2, v3;
	_ =	sdelay $0x1  }
0x1db: {  	[tilespmem:s24+$0xFFFFFDB0] =	vst v2;
	v2 =	vld [tilespmem:s24+$0xFFFFFDC0];
	_ =	sdelay $0x4  }
0x1dc: {  	v2 =	vmul.f32 v2, v3;
	_ =	sdelay $0x1  }
0x1dd: {  	[tilespmem:s24+$0xFFFFFDC0] =	vst v2;
	v2 =	vld [tilespmem:s24+$0xFFFFFDD0];
	_ =	sdelay $0x4  }
0x1de: {  	v2 =	vmul.f32 v2, v3;
	_ =	sdelay $0x1  }
0x1df: {  	[tilespmem:s24+$0xFFFFFDD0] =	vst v2;
	v2 =	vld [tilespmem:s24+$0xFFFFFDE0];
	_ =	sdelay $0x4  }
0x1e0: {  	v2 =	vmul.f32 v2, v3;
	_ =	sdelay $0x1  }
0x1e1: {  	[tilespmem:s24+$0xFFFFFDE0] =	vst v2;
	v2 =	vld [tilespmem:s24+$0xFFFFFDF0];
	_ =	sdelay $0x4  }
0x1e2: {  	v2 =	vmul.f32 v2, v3  }
0x1e3: {  	s28 =	sadd.s32 $0xFFFFFFFD, s23  }
0x1e4: {  	v60 =	vmov s28;
	[tilespmem:s24+$0xFFFFFDF0] =	vst v2;
	v2 =	vld [tilespmem:s24+$0xFFFFFE00]  }
0x1e5: {  	v4 =	vand.u32 $0xFFFFFFFC, v60  }
0x1e6: {  	v4 =	vbroadcast v4, $0x0;
	_ =	sdelay $0x2  }
0x1e7: {  	v2 =	vmul.f32 v2, v3;
	_ =	sdelay $0x1  }
0x1e8: {  	[tilespmem:s24+$0xFFFFFE00] =	vst v2  }
0x1e9: {  	v2 =	vld.idx.msk [tilespmem:v4+s12+$0x0], $0xffff;
	_ =	sdelay $0x6  }
0x1ea: {  	v3 =	vld.idx.msk [tilespmem:v4+s14+$0x0], $0xffff  }
0x1eb: {  	[tilespmem:v2+s20+$0x0] =	vst.idx.add.f32.msk $0x1, v1  }
0x1ec: {  	v2 =	vld [tilespmem:s24+$0xFFFFFE10];
	_ =	sdelay $0x2  }
0x1ed: {  	v3 =	vmax.f32 v3, $0.0e+00  }
0x1ee: {  	v3 =	vmin.f32 v3, $1.000000000e+00  }
0x1ef: {  	v2 =	vmul.f32 v2, v3;
	_ =	sdelay $0x1  }
0x1f0: {  	[tilespmem:s24+$0xFFFFFE10] =	vst v2;
	v2 =	vld [tilespmem:s24+$0xFFFFFE20];
	_ =	sdelay $0x4  }
0x1f1: {  	v2 =	vmul.f32 v2, v3;
	_ =	sdelay $0x1  }
0x1f2: {  	[tilespmem:s24+$0xFFFFFE20] =	vst v2;
	v2 =	vld [tilespmem:s24+$0xFFFFFE30];
	_ =	sdelay $0x4  }
0x1f3: {  	v2 =	vmul.f32 v2, v3;
	_ =	sdelay $0x1  }
0x1f4: {  	[tilespmem:s24+$0xFFFFFE30] =	vst v2;
	v2 =	vld [tilespmem:s24+$0xFFFFFE40];
	_ =	sdelay $0x4  }
0x1f5: {  	v2 =	vmul.f32 v2, v3;
	_ =	sdelay $0x1  }
0x1f6: {  	[tilespmem:s24+$0xFFFFFE40] =	vst v2;
	v2 =	vld [tilespmem:s24+$0xFFFFFE50];
	_ =	sdelay $0x4  }
0x1f7: {  	v2 =	vmul.f32 v2, v3;
	_ =	sdelay $0x1  }
0x1f8: {  	[tilespmem:s24+$0xFFFFFE50] =	vst v2;
	v2 =	vld [tilespmem:s24+$0xFFFFFE60];
	_ =	sdelay $0x4  }
0x1f9: {  	v2 =	vmul.f32 v2, v3;
	_ =	sdelay $0x1  }
0x1fa: {  	[tilespmem:s24+$0xFFFFFE60] =	vst v2;
	v2 =	vld [tilespmem:s24+$0xFFFFFE70];
	_ =	sdelay $0x4  }
0x1fb: {  	v2 =	vmul.f32 v2, v3  }
0x1fc: {  	s28 =	sadd.s32 $0xFFFFFFFE, s23  }
0x1fd: {  	v61 =	vmov s28;
	[tilespmem:s24+$0xFFFFFE70] =	vst v2;
	v2 =	vld [tilespmem:s24+$0xFFFFFE80]  }
0x1fe: {  	v4 =	vand.u32 $0xFFFFFFFD, v61  }
0x1ff: {  	v4 =	vbroadcast v4, $0x0;
	_ =	sdelay $0x2  }
0x200: {  	v2 =	vmul.f32 v2, v3;
	_ =	sdelay $0x1  }
0x201: {  	[tilespmem:s24+$0xFFFFFE80] =	vst v2  }
0x202: {  	v2 =	vld.idx.msk [tilespmem:v4+s12+$0x0], $0xffff;
	_ =	sdelay $0x6  }
0x203: {  	v3 =	vld.idx.msk [tilespmem:v4+s14+$0x0], $0xffff  }
0x204: {  	[tilespmem:v2+s20+$0x0] =	vst.idx.add.f32.msk $0x1, v1  }
0x205: {  	v2 =	vld [tilespmem:s24+$0xFFFFFE90];
	_ =	sdelay $0x2  }
0x206: {  	v3 =	vmax.f32 v3, $0.0e+00  }
0x207: {  	v3 =	vmin.f32 v3, $1.000000000e+00  }
0x208: {  	v2 =	vmul.f32 v2, v3;
	_ =	sdelay $0x1  }
0x209: {  	[tilespmem:s24+$0xFFFFFE90] =	vst v2;
	v2 =	vld [tilespmem:s24+$0xFFFFFEA0];
	_ =	sdelay $0x4  }
0x20a: {  	v2 =	vmul.f32 v2, v3;
	_ =	sdelay $0x1  }
0x20b: {  	[tilespmem:s24+$0xFFFFFEA0] =	vst v2;
	v2 =	vld [tilespmem:s24+$0xFFFFFEB0];
	_ =	sdelay $0x4  }
0x20c: {  	v2 =	vmul.f32 v2, v3;
	_ =	sdelay $0x1  }
0x20d: {  	[tilespmem:s24+$0xFFFFFEB0] =	vst v2;
	v2 =	vld [tilespmem:s24+$0xFFFFFEC0];
	_ =	sdelay $0x4  }
0x20e: {  	v2 =	vmul.f32 v2, v3;
	_ =	sdelay $0x1  }
0x20f: {  	[tilespmem:s24+$0xFFFFFEC0] =	vst v2;
	v2 =	vld [tilespmem:s24+$0xFFFFFED0];
	_ =	sdelay $0x4  }
0x210: {  	v2 =	vmul.f32 v2, v3;
	_ =	sdelay $0x1  }
0x211: {  	[tilespmem:s24+$0xFFFFFED0] =	vst v2;
	v2 =	vld [tilespmem:s24+$0xFFFFFEE0];
	_ =	sdelay $0x4  }
0x212: {  	v2 =	vmul.f32 v2, v3;
	_ =	sdelay $0x1  }
0x213: {  	[tilespmem:s24+$0xFFFFFEE0] =	vst v2;
	v2 =	vld [tilespmem:s24+$0xFFFFFEF0];
	_ =	sdelay $0x4  }
0x214: {  	v2 =	vmul.f32 v2, v3  }
0x215: {  	s28 =	sadd.s32 $0xFFFFFFFF, s23  }
0x216: {  	v62 =	vmov s28;
	[tilespmem:s24+$0xFFFFFEF0] =	vst v2;
	v2 =	vld [tilespmem:s24+$0xFFFFFF00]  }
0x217: {  	v4 =	vand.u32 $0xFFFFFFFE, v62  }
0x218: {  	v4 =	vbroadcast v4, $0x0;
	_ =	sdelay $0x2  }
0x219: {  	v2 =	vmul.f32 v2, v3;
	_ =	sdelay $0x1  }
0x21a: {  	[tilespmem:s24+$0xFFFFFF00] =	vst v2  }
0x21b: {  	v2 =	vld.idx.msk [tilespmem:v4+s12+$0x0], $0xffff;
	_ =	sdelay $0x6  }
0x21c: {  	v3 =	vld.idx.msk [tilespmem:v4+s14+$0x0], $0xffff  }
0x21d: {  	[tilespmem:v2+s20+$0x0] =	vst.idx.add.f32.msk $0x1, v1  }
0x21e: {  	v2 =	vld [tilespmem:s24+$0xFFFFFF10];
	_ =	sdelay $0x2  }
0x21f: {  	v3 =	vmax.f32 v3, $0.0e+00  }
0x220: {  	v3 =	vmin.f32 v3, $1.000000000e+00  }
0x221: {  	v2 =	vmul.f32 v2, v3;
	_ =	sdelay $0x1  }
0x222: {  	[tilespmem:s24+$0xFFFFFF10] =	vst v2;
	v2 =	vld [tilespmem:s24+$0xFFFFFF20];
	_ =	sdelay $0x4  }
0x223: {  	v2 =	vmul.f32 v2, v3;
	_ =	sdelay $0x1  }
0x224: {  	[tilespmem:s24+$0xFFFFFF20] =	vst v2;
	v2 =	vld [tilespmem:s24+$0xFFFFFF30];
	_ =	sdelay $0x4  }
0x225: {  	v2 =	vmul.f32 v2, v3;
	_ =	sdelay $0x1  }
0x226: {  	[tilespmem:s24+$0xFFFFFF30] =	vst v2;
	v2 =	vld [tilespmem:s24+$0xFFFFFF40];
	_ =	sdelay $0x4  }
0x227: {  	v2 =	vmul.f32 v2, v3;
	_ =	sdelay $0x1  }
0x228: {  	[tilespmem:s24+$0xFFFFFF40] =	vst v2;
	v2 =	vld [tilespmem:s24+$0xFFFFFF50];
	_ =	sdelay $0x4  }
0x229: {  	v2 =	vmul.f32 v2, v3;
	_ =	sdelay $0x1  }
0x22a: {  	[tilespmem:s24+$0xFFFFFF50] =	vst v2;
	v2 =	vld [tilespmem:s24+$0xFFFFFF60];
	_ =	sdelay $0x4  }
0x22b: {  	v2 =	vmul.f32 v2, v3;
	_ =	sdelay $0x1  }
0x22c: {  	[tilespmem:s24+$0xFFFFFF60] =	vst v2;
	v2 =	vld [tilespmem:s24+$0xFFFFFF70];
	_ =	sdelay $0x4  }
0x22d: {  	v2 =	vmul.f32 v2, v3;
	_ =	sdelay $0x1  }
0x22e: {  	[tilespmem:s24+$0xFFFFFF70] =	vst v2;
	v2 =	vld [tilespmem:s24+$0xFFFFFF80];
	_ =	sdelay $0x2  }
0x22f: {  	v63 =	vmov s23;
	_ =	sdelay $0x1  }
0x230: {  	v2 =	vmul.f32 v2, v3;
	_ =	sdelay $0x1  }
0x231: {  	[tilespmem:s24+$0xFFFFFF80] =	vst v2  }
0x232: {  	v2 =	vld.idx.msk [tilespmem:v63+s12+$0x0], $0xffff;
	_ =	sdelay $0x6  }
0x233: {  	v3 =	vld.idx.msk [tilespmem:v63+s14+$0x0], $0xffff  }
0x234: {  	[tilespmem:v2+s20+$0x0] =	vst.idx.add.f32.msk $0x1, v1  }
0x235: {  	v2 =	vld [tilespmem:s24+$0xFFFFFF90];
	_ =	sdelay $0x2  }
0x236: {  	v3 =	vmax.f32 v3, $0.0e+00  }
0x237: {  	v3 =	vmin.f32 v3, $1.000000000e+00  }
0x238: {  	v2 =	vmul.f32 v2, v3;
	_ =	sdelay $0x1  }
0x239: {  	[tilespmem:s24+$0xFFFFFF90] =	vst v2;
	v2 =	vld [tilespmem:s24+$0xFFFFFFA0];
	_ =	sdelay $0x4  }
0x23a: {  	v2 =	vmul.f32 v2, v3;
	_ =	sdelay $0x1  }
0x23b: {  	[tilespmem:s24+$0xFFFFFFA0] =	vst v2;
	v2 =	vld [tilespmem:s24+$0xFFFFFFB0];
	_ =	sdelay $0x4  }
0x23c: {  	v2 =	vmul.f32 v2, v3;
	_ =	sdelay $0x1  }
0x23d: {  	[tilespmem:s24+$0xFFFFFFB0] =	vst v2;
	v2 =	vld [tilespmem:s24+$0xFFFFFFC0];
	_ =	sdelay $0x4  }
0x23e: {  	v2 =	vmul.f32 v2, v3;
	_ =	sdelay $0x1  }
0x23f: {  	[tilespmem:s24+$0xFFFFFFC0] =	vst v2;
	v2 =	vld [tilespmem:s24+$0xFFFFFFD0];
	_ =	sdelay $0x4  }
0x240: {  	v2 =	vmul.f32 v2, v3;
	_ =	sdelay $0x1  }
0x241: {  	[tilespmem:s24+$0xFFFFFFD0] =	vst v2;
	v2 =	vld [tilespmem:s24+$0xFFFFFFE0];
	_ =	sdelay $0x4  }
0x242: {  	v2 =	vmul.f32 v2, v3;
	_ =	sdelay $0x1  }
0x243: {  	[tilespmem:s24+$0xFFFFFFE0] =	vst v2;
	v2 =	vld [tilespmem:s24+$0xFFFFFFF0];
	_ =	sdelay $0x4  }
0x244: {  	v2 =	vmul.f32 v2, v3;
	_ =	sdelay $0x1  }
0x245: {  	[tilespmem:s24+$0xFFFFFFF0] =	vst v2;
	v2 =	vld [tilespmem:s24+$0x0];
	_ =	sdelay $0x1  }
0x246: {  	p0 =	sne.s32 s23, $0x27  }
.Ltmp3:
0x247: {  	_ = 	snop;
	(pc) =	sbr.rel @p0 .LBB2_9-.Ltmp3, $3  }
0x248: {  	_ = 	snop  }
0x249: {  	v2 =	vmul.f32 v2, v3;
	_ =	sdelay $0x1  }
0x24a: {  	s23 =	sadd.s32 $0x8, s23;
	[tilespmem:s24+$0x0] =	vst v2;
	s24 =	sadd.s32 $0x400, s24  }
0x24b: {  	s22 =	sadd.s32 $0x1, s22  }
0x24c: {  	p0 =	sne.s32 s22, $0x7D  }
.Ltmp4:
0x24d: {  	_ = 	snop;
	(pc) =	sbr.rel @p0 .LBB2_6-.Ltmp4, $4  }
0x24e: {  	[spmem:s3] =	stream.indirect.scatter.add.f32 [tilespmem:s19], [sflag:$0x2], $0x80, s12, s16, $0xb8;
	[tilespmem:$0x1BB00] =	vst v63  }
0x24f: {  	_ =	swait.ge [sflag:s31], $0x1400  }
0x250: {  	[sflag:s31] =	ssyncset.done $0x0  }
0x251: {  	[sflag:s31] =	ssyncadd.s32 $0xFFFFEC00  }
0x252: {  	s22 =	rddreg [dreg:$0x4];
	s23 =	simm.s32 $0x400  }
0x253: {  	[hbm4b:s22+s11] =	stream.strided.scatter [tilespmem:s20], [sflag:$0x2], $0x2800, s23, s11, $0x38;
	[tilespmem:$0x1BB00] =	vst v63  }
0x254: {  	_ =	swait.ge [sflag:s31], $0x2800  }
0x255: {  	s26 =	stileid.u32;
	[sflag:s31] =	ssyncset.done $0x0  }
0x256: {  	s28 =	sadd.s32 $0x0, s25;
	s22 =	sshll.u32 s26, $0x6;
	[sflag:s31] =	ssyncadd.s32 $0xFFFFD800  }
0x257: {  	s24 =	sshrl.u32 s10, $0x3;
	s22 =	sor.u32 $0x1C02, s22;
	[bflag:$0x0] =	sbarrier.arrive $0xFFFF  }
0x258: {  	[hbm:s28], [sflag:s22] =	dma.local [spmem:s24], $0x280  }
0x259: {  	s23 =	simm.s32 $0x280;
	s24 =	smov.u32 s13;
	_ =	swait.ge [sflag:s31], $0x280  }
.LBB2_12:
0x25a: {  	s26 =	sadd.s32 s23, s25;
	[sflag:s31] =	ssyncset.done $0x0;
	p0 =	sne.s32 s23, $0x2580  }
.Ltmp5:
0x25b: {  	s28 =	sshrl.u32 s24, $0x3;
	[sflag:s31] =	ssyncadd.s32 $0xFFFFFD80;
	(pc) =	sbr.rel @p0 .LBB2_12-.Ltmp5, $3  }
0x25c: {  	[hbm:s26], [sflag:s22] =	dma.local [spmem:s28], $0x280  }
0x25d: {  	s23 =	sadd.s32 $0x280, s23;
	_ =	sdelay $0x1  }
0x25e: {  	s24 =	sadd.s32 $0x1400, s24;
	_ =	swait.ge [sflag:s31], $0x280  }
0x25f: {  	s21 =	sadd.s32 $0x1, s21;
	s22 =	rddreg [dreg:$0x5]  }
0x260: {  	p0 =	sne.s32 s21, s22  }
.Ltmp6:
0x261: {  	_ = 	snop;
	(pc) =	sbr.rel @p0 .LBB2_1-.Ltmp6, $3  }
0x262: {  	_ =	sdelay $0x1  }
0x263: {  	[sflag:s31] =	ssyncset.done $0x0  }
0x264: {  	[sflag:s31] =	ssyncadd.s32 $0xFFFFFD80  }
0x265: {  	_ =	sfence.sel $0x180000  }
0x266: {  	[bflag:$0x0] =	sbarrier.arrive $0xFFFF  }
0x267: {  	_ =	strace $0x90000047  }
0x268: {  	s0 =	stileid.u32;
	[bflag:$0x2] =	sbarrier.arrive $0xFFFF  }
0x269: {  	p0 =	sne.s32 s0, $0x0;
	s0 =	rddreg [dreg:$0x3]  }
0x26a: {  	s0 =	sadd.s32 @!p0 $0x100000, s0  }
0x26b: {  	[sflag:s0] =	ssyncadd.tile.s32 @!p0 $0x1;
	_ =	shalt  }
.Lfunc_end2:
_tile_overlayer_lowered:
.L_overlay_start_2:
0x26c: {  	(tag) =	ssettag $0x2  }
0x26d: {  	s0 =	rddreg [dreg:$0x0];
	s2 =	stileid.u32  }
0x26e: {  	s1 =	rddreg [dreg:$0x1];
	p0 =	sne.s32 s2, $0x0  }
0x26f: {  	s3 =	rddreg [dreg:$0x2];
	[bflag:$0x3] =	sbarrier.arrive $0xFFFF;
	s2 =	simm.s32 @!p0 $0x1C02  }
0x270: {  	[timem:s3], [sflag:s2] =	dma.local @!p0 [hbm:s0], s1  }
0x271: {  	s0 =	simm.s32 @!p0 $0x2  }
0x272: {  	_ =	swait.ge @!p0 [sflag:s0], s1  }
0x273: {  	s1 =	ssub.s32 @!p0 $0x0, s1;
	[sflag:s0] =	ssyncset.done @!p0 $0x0  }
0x274: {  	[sflag:s0] =	ssyncadd.s32 @!p0 s1  }
0x275: {  	[bflag:$0x3] =	sbarrier.arrive $0xFFFF  }
0x276: {  	_ =	shalt  }

</sc_bundles>
